<compile_context>
chip_gen: v7x
topology: tpu7x:2x2x1
jax: 0.10.2.dev20260603
libtpu: 0.0.44.dev20260713+nightly
codegen_flags: <defaults>
</compile_context>

<pallas_src>
import functools

import jax
import jax.numpy as jnp
from jax import lax
from jax.experimental import pallas as pl
from jax.experimental.pallas import tpu as pltpu
from jax.experimental.pallas import tpu_sc as plsc

B, NQ, N, DIN, DIM, K = 4, 2048, 4096, 128, 64, 16
NFREQ = 5
TROW = 160
TQ_KNN = 256
TN_TAB = 1024
TQ_ATT = 256
R_ATT = TQ_ATT * K
CH_SC = 128
NW = 32


def _table_kernel(pts_ref, xyz_ref, wkvq_ref, waux_ref, f10_ref, f5_ref,
                  out_ref):
    f32 = jnp.float32
    hp = jnp.float32(jnp.pi / 2)

    def mm(a, w):
        return jax.lax.dot_general(a, w, (((1,), (0,)), ((), ())),
                                   preferred_element_type=f32)

    kv = mm(pts_ref[...], wkvq_ref[:, 0:2 * DIM])
    xyz = xyz_ref[...]
    xgx = xyz[:, 0:1]
    xgy = xyz[:, 1:2]
    xgz = xyz[:, 2:3]
    axy = jnp.concatenate([jnp.broadcast_to(xgx, (TN_TAB, NFREQ)),
                           jnp.broadcast_to(xgy, (TN_TAB, NFREQ))],
                          axis=1) * f10_ref[...]
    az = jnp.broadcast_to(xgz, (TN_TAB, NFREQ)) * f5_ref[...]
    t30 = jnp.sin(jnp.concatenate([axy, axy + hp, az, az + hp], axis=1))
    t20 = t30[:, 0:20]
    ptfeat = jnp.concatenate([xgz, t30[:, 20:30], xgx, xgy], axis=1)
    pep = mm(ptfeat, waux_ref[0:13, :])
    out_ref[:, 0:DIM] = kv[:, 0:DIM] - pep
    out_ref[:, DIM:2 * DIM] = kv[:, DIM:2 * DIM] + pep
    out_ref[:, 2 * DIM:2 * DIM + 20] = t20
    out_ref[:, 2 * DIM + 20:] = jnp.zeros((TN_TAB, TROW - 2 * DIM - 20), f32)


def _build_table(points2d, xyz2d, wkvq, waux, f10, f5):
    grid = (B * N // TN_TAB,)
    const = lambda p: (0, 0)
    return pl.pallas_call(
        _table_kernel,
        grid=grid,
        in_specs=[
            pl.BlockSpec((TN_TAB, DIN), lambda p: (p, 0)),
            pl.BlockSpec((TN_TAB, 3), lambda p: (p, 0)),
            pl.BlockSpec((DIN, 5 * DIM), const),
            pl.BlockSpec((35, DIM), const),
            pl.BlockSpec((1, 10), const),
            pl.BlockSpec((1, NFREQ), const),
        ],
        out_specs=pl.BlockSpec((TN_TAB, TROW), lambda p: (p, 0)),
        out_shape=jax.ShapeDtypeStruct((B * N, TROW), jnp.float32),
    )(points2d, xyz2d, wkvq, waux, f10, f5)


def _knn_kernel(xq_ref, xt_ref, out_ref):
    p = pl.program_id(0)
    b = p // (NQ // TQ_KNN)
    xq = xq_ref[...]
    xrow = xt_ref[0, 0:1, :]
    yrow = xt_ref[0, 1:2, :]
    qx = xq[:, 0:1]
    qy = xq[:, 1:2]
    d = (qx - xrow) ** 2 + (qy - yrow) ** 2
    iota = lax.broadcasted_iota(jnp.int32, (TQ_KNN, N), 1).astype(jnp.float32)
    base = jnp.int32(N) * b
    for j in range(K):
        m = jnp.min(d, axis=1, keepdims=True)
        cand = jnp.where(d == m, iota, jnp.float32(N))
        idx = jnp.min(cand, axis=1, keepdims=True)
        out_ref[:, j:j + 1] = idx.astype(jnp.int32) + base
        d = jnp.where(iota == idx, jnp.inf, d)


def _knn(xq2d, xyz_t):
    grid = (B * NQ // TQ_KNN,)
    return pl.pallas_call(
        _knn_kernel,
        grid=grid,
        in_specs=[
            pl.BlockSpec((TQ_KNN, 2), lambda p: (p, 0)),
            pl.BlockSpec((1, 2, N), lambda p: (p // (NQ // TQ_KNN), 0, 0)),
        ],
        out_specs=pl.BlockSpec((TQ_KNN, K), lambda p: (p, 0)),
        out_shape=jax.ShapeDtypeStruct((B * NQ, K), jnp.int32),
    )(xq2d, xyz_t)


def _sc_gather(table, idx_flat):
    rows_per_w = (B * NQ * K) // NW
    n_chunks = rows_per_w // CH_SC
    mesh = plsc.VectorSubcoreMesh(core_axis_name="c", subcore_axis_name="s")

    @functools.partial(
        pl.kernel, mesh=mesh,
        out_type=jax.ShapeDtypeStruct((B * NQ * K, TROW), jnp.float32),
        scratch_types=[
            pltpu.VMEM((rows_per_w,), jnp.int32),
            pltpu.VMEM((CH_SC, TROW), jnp.float32),
            pltpu.VMEM((CH_SC, TROW), jnp.float32),
            pltpu.SemaphoreType.DMA,
            pltpu.SemaphoreType.DMA,
            pltpu.SemaphoreType.DMA,
            pltpu.SemaphoreType.DMA,
        ],
        compiler_params=pltpu.CompilerParams(use_tc_tiling_on_sc=False),
    )
    def gather_k(table_hbm, idx_hbm, out_hbm, idx_v, rows0, rows1,
                 g0, g1, o0, o1):
        wid = lax.axis_index("s") * 2 + lax.axis_index("c")
        base = wid * rows_per_w
        pltpu.sync_copy(idx_hbm.at[pl.ds(base, rows_per_w)], idx_v)
        rows = (rows0, rows1)
        gsem = (g0, g1)
        osem = (o0, o1)
        gh = {}
        oh = {}
        gh[0] = pltpu.async_copy(
            table_hbm.at[idx_v.at[pl.ds(0, CH_SC)]], rows0, g0)
        for c in range(n_chunks):
            p = c & 1
            nxt = (c + 1) & 1
            if c + 1 < n_chunks:
                if c >= 1:
                    oh[c - 1].wait()
                gh[c + 1] = pltpu.async_copy(
                    table_hbm.at[idx_v.at[pl.ds((c + 1) * CH_SC, CH_SC)]],
                    rows[nxt], gsem[nxt])
            gh[c].wait()
            oh[c] = pltpu.async_copy(
                rows[p], out_hbm.at[pl.ds(base + c * CH_SC, CH_SC)], osem[p])
        oh[n_chunks - 2].wait()
        oh[n_chunks - 1].wait()

    return gather_k(table, idx_flat)


def _attn_kernel(g_ref, lat_ref, xq_ref, wkvq_ref, wg1_ref, wg2_ref,
                 waux_ref, bias_ref, f10_ref, out_ref):
    f32 = jnp.float32
    hp = jnp.float32(jnp.pi / 2)

    def mm(a, w):
        return jax.lax.dot_general(a, w, (((1,), (0,)), ((), ())),
                                   preferred_element_type=f32)

    def rep(x):
        w = x.shape[-1]
        return jnp.broadcast_to(x[:, None, :], (TQ_ATT, K, w)).reshape(
            R_ATT, w)

    g = g_ref[...]
    kn = g[:, 0:DIM]
    vn = g[:, DIM:2 * DIM]
    gs2 = jnp.concatenate([g[:, 2 * DIM:2 * DIM + 10],
                           g[:, 2 * DIM:2 * DIM + 10]], axis=1)
    gc2 = jnp.concatenate([g[:, 2 * DIM + 10:2 * DIM + 20],
                           g[:, 2 * DIM + 10:2 * DIM + 20]], axis=1)

    lat = lat_ref[...]
    qkv = mm(lat, wkvq_ref[:, 2 * DIM:5 * DIM])
    q = qkv[:, 0:DIM]
    kg = qkv[:, DIM:2 * DIM]
    vg = qkv[:, 2 * DIM:3 * DIM]

    xq = xq_ref[...]
    aq = jnp.concatenate([jnp.broadcast_to(xq[:, 0:1], (TQ_ATT, NFREQ)),
                          jnp.broadcast_to(xq[:, 1:2], (TQ_ATT, NFREQ))],
                         axis=1) * f10_ref[...]
    qt20 = jnp.sin(jnp.concatenate([aq, aq + hp], axis=1))
    qalt = jnp.concatenate([-qt20[:, 10:20], qt20[:, 0:10]], axis=1)
    peq = mm(xq, waux_ref[33:35, :]) + bias_ref[2:3, :]
    q2 = q + peq

    feat20 = rep(qt20) * gc2 + rep(qalt) * gs2
    pex = mm(feat20, waux_ref[13:33, :])

    bg1 = bias_ref[0:1, :]
    bg2 = bias_ref[1:2, :]
    wg1 = wg1_ref[...]
    wg2 = wg2_ref[...]
    h = rep(q2) - kn + pex
    gam_n = mm(jnp.maximum(mm(h, wg1) + bg1, 0.0), wg2) + bg2
    h_g = q - kg
    gam_g = mm(jnp.maximum(mm(h_g, wg1) + bg1, 0.0), wg2) + bg2

    gn3 = gam_n.reshape(TQ_ATT, K, DIM)
    m = jnp.maximum(jnp.max(gn3, axis=1), gam_g)
    sn = jnp.exp(gn3 - m[:, None, :])
    sg = jnp.exp(gam_g - m)
    w3 = (vn + pex + rep(peq)).reshape(TQ_ATT, K, DIM)
    wsum = jnp.sum(sn * w3, axis=1)
    denom = jnp.sum(sn, axis=1) + sg
    out_ref[...] = (wsum + sg * vg) / denom


def _attention(gathered, lat2d, xq2d, wkvq, wg1, wg2, waux, bias3, f10):
    grid = (B * NQ // TQ_ATT,)
    const = lambda p: (0, 0)
    return pl.pallas_call(
        _attn_kernel,
        grid=grid,
        in_specs=[
            pl.BlockSpec((R_ATT, TROW), lambda p: (p, 0)),
            pl.BlockSpec((TQ_ATT, DIN), lambda p: (p, 0)),
            pl.BlockSpec((TQ_ATT, 2), lambda p: (p, 0)),
            pl.BlockSpec((DIN, 5 * DIM), const),
            pl.BlockSpec((DIM, DIM), const),
            pl.BlockSpec((DIM, DIM), const),
            pl.BlockSpec((35, DIM), const),
            pl.BlockSpec((3, DIM), const),
            pl.BlockSpec((1, 10), const),
        ],
        out_specs=pl.BlockSpec((TQ_ATT, DIM), lambda p: (p, 0)),
        out_shape=jax.ShapeDtypeStruct((B * NQ, DIM), jnp.float32),
    )(gathered, lat2d, xq2d, wkvq, wg1, wg2, waux, bias3, f10)


def kernel(xyz_q, lat_rep, xyz, points, Wq, Wkg, Wvg, Wk, Wv, Wg1, bg1,
           Wg2, bg2, Wpe, bpe):
    f32 = jnp.float32
    points2d = points.reshape(B * N, DIN)
    xyz2d = xyz.reshape(B * N, 3)
    xq2d = xyz_q.reshape(B * NQ, 2)
    lat2d = lat_rep.reshape(B * NQ, DIN)
    xyz_t = jnp.transpose(xyz[:, :, :2], (0, 2, 1))

    wkvq = jnp.concatenate([Wk, Wv, Wq, Wkg, Wvg], axis=1)

    fb = jnp.linspace(1.0, 2.0 ** NFREQ, NFREQ).astype(f32)
    f5 = fb.reshape(1, NFREQ)
    f10 = jnp.concatenate([fb, fb]).reshape(1, 2 * NFREQ)
    sgn = jnp.ones((33, 1), f32).at[0:2].set(-1.0)
    perm = jnp.array(
        [2] + [3 + 6 * i + 2 for i in range(NFREQ)]
        + [6 + 6 * i + 2 for i in range(NFREQ)] + [0, 1]
        + [3 + 6 * i + c for c in (0, 1) for i in range(NFREQ)]
        + [6 + 6 * i + c for c in (0, 1) for i in range(NFREQ)] + [0, 1])
    scale = jnp.ones((35, 1), f32).at[11:13].set(-1.0)
    waux = Wpe[perm] * scale
    bias3 = jnp.stack([bg1, bg2, bpe])

    table = _build_table(points2d, xyz2d, wkvq, waux, f10, f5)
    knn = _knn(xq2d, xyz_t)
    gathered = _sc_gather(table, knn.reshape(B * NQ * K))
    res = _attention(gathered, lat2d, xq2d, wkvq, Wg1, Wg2, waux, bias3, f10)
    return res.reshape(B, NQ, DIM)

# --- scband reference (transcript-rebuilt; emitter-appended) ---
"""Pipeline reference for scband-cross-transformer-block-28286654612087 (READ-ONLY COPY).

The authoritative reference and input builder live on the scoring server;
editing this copy changes nothing except your own understanding.
"""

import jax, jax.numpy as jnp
import numpy as np

B, NQ, N, DIN, DIM, K = 4, 2048, 4096, 128, 64, 16
NFREQ = 5
PE_IN = 3 * 2 * NFREQ + 3


def index_points(points, idx):
    # points: [B, N, C], idx: [B, S, K] -> [B, S, K, C]
    return jnp.take_along_axis(points[:, None, :, :], idx[..., None], axis=2)


def setup_inputs(seed: int = 0) -> dict:
    key = jax.random.key(seed)
    ks = jax.random.split(key, 16)
    s = 0.02
    return {
        "xyz_q": jax.random.uniform(ks[0], (B, NQ, 2), dtype=jnp.float32),
        "lat_rep": jax.random.normal(ks[1], (B, NQ, DIN), dtype=jnp.float32),
        "xyz": jax.random.uniform(ks[2], (B, N, 3), dtype=jnp.float32),
        "points": jax.random.normal(ks[3], (B, N, DIN), dtype=jnp.float32),
        "Wq": jax.random.normal(ks[4], (DIN, DIM), dtype=jnp.float32) * s,
        "Wkg": jax.random.normal(ks[5], (DIN, DIM), dtype=jnp.float32) * s,
        "Wvg": jax.random.normal(ks[6], (DIN, DIM), dtype=jnp.float32) * s,
        "Wk": jax.random.normal(ks[7], (DIN, DIM), dtype=jnp.float32) * s,
        "Wv": jax.random.normal(ks[8], (DIN, DIM), dtype=jnp.float32) * s,
        "Wg1": jax.random.normal(ks[9], (DIM, DIM), dtype=jnp.float32) * s,
        "bg1": jnp.zeros((DIM,), dtype=jnp.float32),
        "Wg2": jax.random.normal(ks[10], (DIM, DIM), dtype=jnp.float32) * s,
        "bg2": jnp.zeros((DIM,), dtype=jnp.float32),
        "Wpe": jax.random.normal(ks[11], (PE_IN, DIM), dtype=jnp.float32) * s,
        "bpe": jnp.zeros((DIM,), dtype=jnp.float32),
    }


def reference(xyz_q, lat_rep, xyz, points, Wq, Wkg, Wvg, Wk, Wv, Wg1, bg1, Wg2, bg2, Wpe, bpe):
    # KNN in the first two spatial dims (torch: computed under no_grad)
    dists = jnp.sum((xyz_q[:, :, None, :] - xyz[:, None, :, :2]) ** 2, axis=-1)  # [B, NQ, N]
    knn_idx = jnp.argsort(dists, axis=-1)[:, :, :K]  # [B, NQ, K]

    b, nQ, _ = xyz_q.shape
    # lat_rep is 3D -> per-query latent path
    q_attn = lat_rep @ Wq                     # [B, NQ, DIM]
    k_global = (lat_rep @ Wkg)[:, :, None, :]  # [B, NQ, 1, DIM]
    v_global = (lat_rep @ Wvg)[:, :, None, :]

    k_attn = index_points(points @ Wk, knn_idx)             # [B, NQ, K, DIM]
    k_attn = jnp.concatenate([k_attn, k_global], axis=2)    # [B, NQ, K+1, DIM]
    v_attn = index_points(points @ Wv, knn_idx)
    v_attn = jnp.concatenate([v_attn, v_global], axis=2)

    xyz_g = index_points(xyz, knn_idx)                       # [B, NQ, K, 3]
    pos_diff = jnp.concatenate([xyz_q[:, :, None, :] - xyz_g[:, :, :, :2], xyz_g[:, :, :, -1:]], axis=-1)
    freq_bands = jnp.linspace(1.0, 2.0 ** NFREQ, NFREQ)
    pos_embeds = [pos_diff]
    for i in range(NFREQ):
        pos_embeds.append(jnp.sin(pos_diff * freq_bands[i]))
        pos_embeds.append(jnp.cos(pos_diff * freq_bands[i]))
    pos_embed = jnp.concatenate(pos_embeds, axis=-1)         # [B, NQ, K, 33]
    pos_encode = pos_embed @ Wpe + bpe                       # [B, NQ, K, DIM]
    pos_encode = jnp.concatenate(
        [pos_encode, jnp.zeros((b, nQ, 1, DIM), dtype=pos_encode.dtype)], axis=2
    )                                                        # [B, NQ, K+1, DIM]

    h = q_attn[:, :, None, :] - k_attn + pos_encode
    gamma = jax.nn.relu(h @ Wg1 + bg1) @ Wg2 + bg2
    attn = jax.nn.softmax(gamma, axis=-2)
    res = jnp.sum(attn * (v_attn + pos_encode), axis=2)      # einsum bmnf,bmnf->bmf
    return res

if __name__ == "__main__":
    import jax
    _d = setup_inputs()
    print(jax.jit(kernel)(*tuple(_d.values())))

</pallas_src>

<mosaic_0001>
#map = affine_map<(d0, d1) -> (0, 0)>
#map1 = affine_map<(d0, d1) -> (0)>
module attributes {stable_mosaic.version = 14 : i64} {
  func.func @gather_k(%arg0: i32, %arg1: i32, %arg2: memref<16384x160xf32, #tpu.memory_space<hbm>>, %arg3: memref<131072xi32, #tpu.memory_space<hbm>>, %arg4: memref<131072x160xf32, #tpu.memory_space<hbm>>, %arg5: memref<4096xi32, #tpu.memory_space<vmem>>, %arg6: memref<128x160xf32, #tpu.memory_space<vmem>>, %arg7: memref<128x160xf32, #tpu.memory_space<vmem>>, %arg8: memref<!tpu.dma_semaphore, #tpu.memory_space<semaphore_mem>>, %arg9: memref<!tpu.dma_semaphore, #tpu.memory_space<semaphore_mem>>, %arg10: memref<!tpu.dma_semaphore, #tpu.memory_space<semaphore_mem>>, %arg11: memref<!tpu.dma_semaphore, #tpu.memory_space<semaphore_mem>>) attributes {dimension_semantics = [#tpu.dimension_semantics<core_parallel>, #tpu.dimension_semantics<subcore_parallel>], iteration_bounds = array<i64: 2, 16>, scalar_prefetch = 0 : i64, scratch_operands = 7 : i64, tpu.core_type = #tpu.core_type<sc_vector_subcore>, window_params = [{transform_indices = #map}, {transform_indices = #map1}, {transform_indices = #map}]} {
    %mul3A = arith.constant 2 : i32
    %mul3A_0 = arith.muli %arg1, %mul3A : i32
    %add3A = arith.addi %mul3A_0, %arg0 : i32
    %mul3A_1 = arith.constant 4096 : i32
    %mul3A_2 = arith.muli %add3A, %mul3A_1 : i32
    "tpu.region"() ({
      %run_scoped3A = tpu.sem_alloc : memref<!tpu.dma_semaphore, #tpu.memory_space<semaphore_mem>>
      %dma_start3A_641 = tpu.memref_slice %arg3[%mul3A_2] : memref<131072xi32, #tpu.memory_space<hbm>> -> memref<4096xi32, #tpu.memory_space<hbm>>
      %dma_start3A_642 = tpu.memref_slice %arg3[%mul3A_2] : memref<131072xi32, #tpu.memory_space<hbm>> -> memref<4096xi32, #tpu.memory_space<hbm>>
      tpu.enqueue_dma source(%dma_start3A_642 : memref<4096xi32, #tpu.memory_space<hbm>>) target(%arg5 : memref<4096xi32, #tpu.memory_space<vmem>>) target_semaphore(%run_scoped3A : memref<!tpu.dma_semaphore, #tpu.memory_space<semaphore_mem>>)
      %dma_wait3A_643 = tpu.memref_slice %arg3[%mul3A_2] : memref<131072xi32, #tpu.memory_space<hbm>> -> memref<4096xi32, #tpu.memory_space<hbm>>
      %dma_wait3A_644 = tpu.memref_slice %arg3[%mul3A_2] : memref<131072xi32, #tpu.memory_space<hbm>> -> memref<4096xi32, #tpu.memory_space<hbm>>
      tpu.wait_dma2 semaphore(%run_scoped3A : memref<!tpu.dma_semaphore, #tpu.memory_space<semaphore_mem>>) src(%dma_wait3A_644 : memref<4096xi32, #tpu.memory_space<hbm>>) dst(%arg5 : memref<4096xi32, #tpu.memory_space<vmem>>)
      tpu.yield
    }) : () -> ()
    %dma_start3A = arith.constant 0 : i32
    %dma_start3A_3 = tpu.memref_slice %arg5[%dma_start3A] : memref<4096xi32, #tpu.memory_space<vmem>> -> memref<128xi32, #tpu.memory_space<vmem>>
    %dma_start3A_4 = arith.constant 0 : i32
    %dma_start3A_5 = arith.constant 0 : i32
    %dma_start3A_6 = tpu.memref_slice %arg2[%dma_start3A_4, %dma_start3A_5] : memref<16384x160xf32, #tpu.memory_space<hbm>> -> memref<16384x160xf32, #tpu.memory_space<hbm>>
    tpu.enqueue_indirect_dma source(%dma_start3A_6 : memref<16384x160xf32, #tpu.memory_space<hbm>>) target(%arg6 : memref<128x160xf32, #tpu.memory_space<vmem>>) offsets(%dma_start3A_3 : memref<128xi32, #tpu.memory_space<vmem>>) semaphore(%arg8 : memref<!tpu.dma_semaphore, #tpu.memory_space<semaphore_mem>>)
    %dma_start3A_7 = arith.constant 128 : i32
    %dma_start3A_8 = tpu.memref_slice %arg5[%dma_start3A_7] : memref<4096xi32, #tpu.memory_space<vmem>> -> memref<128xi32, #tpu.memory_space<vmem>>
    %dma_start3A_9 = arith.constant 0 : i32
    %dma_start3A_10 = arith.constant 0 : i32
    %dma_start3A_11 = tpu.memref_slice %arg2[%dma_start3A_9, %dma_start3A_10] : memref<16384x160xf32, #tpu.memory_space<hbm>> -> memref<16384x160xf32, #tpu.memory_space<hbm>>
    tpu.enqueue_indirect_dma source(%dma_start3A_11 : memref<16384x160xf32, #tpu.memory_space<hbm>>) target(%arg7 : memref<128x160xf32, #tpu.memory_space<vmem>>) offsets(%dma_start3A_8 : memref<128xi32, #tpu.memory_space<vmem>>) semaphore(%arg9 : memref<!tpu.dma_semaphore, #tpu.memory_space<semaphore_mem>>)
    %dma_wait3A = arith.constant 0 : i32
    %dma_wait3A_12 = tpu.memref_slice %arg5[%dma_wait3A] : memref<4096xi32, #tpu.memory_space<vmem>> -> memref<128xi32, #tpu.memory_space<vmem>>
    %dma_wait3A_13 = arith.constant 0 : i32
    %dma_wait3A_14 = arith.constant 0 : i32
    %dma_wait3A_15 = tpu.memref_slice %arg2[%dma_wait3A_13, %dma_wait3A_14] : memref<16384x160xf32, #tpu.memory_space<hbm>> -> memref<16384x160xf32, #tpu.memory_space<hbm>>
    tpu.wait_indirect_dma semaphore(%arg8 : memref<!tpu.dma_semaphore, #tpu.memory_space<semaphore_mem>>) src(%dma_wait3A_15 : memref<16384x160xf32, #tpu.memory_space<hbm>>) dst(%arg6 : memref<128x160xf32, #tpu.memory_space<vmem>>)
    %add3A_16 = arith.constant 0 : i32
    %add3A_17 = arith.addi %mul3A_2, %add3A_16 : i32
    %dma_start3A_18 = arith.constant 0 : i32
    %dma_start3A_19 = tpu.memref_slice %arg4[%add3A_17, %dma_start3A_18] : memref<131072x160xf32, #tpu.memory_space<hbm>> -> memref<128x160xf32, #tpu.memory_space<hbm>>
    %dma_start3A_20 = arith.constant 0 : i32
    %dma_start3A_21 = tpu.memref_slice %arg4[%add3A_17, %dma_start3A_20] : memref<131072x160xf32, #tpu.memory_space<hbm>> -> memref<128x160xf32, #tpu.memory_space<hbm>>
    tpu.enqueue_dma source(%arg6 : memref<128x160xf32, #tpu.memory_space<vmem>>) target(%dma_start3A_21 : memref<128x160xf32, #tpu.memory_space<hbm>>) target_semaphore(%arg10 : memref<!tpu.dma_semaphore, #tpu.memory_space<semaphore_mem>>)
    %dma_wait3A_22 = arith.constant 0 : i32
    %dma_wait3A_23 = tpu.memref_slice %arg4[%add3A_17, %dma_wait3A_22] : memref<131072x160xf32, #tpu.memory_space<hbm>> -> memref<128x160xf32, #tpu.memory_space<hbm>>
    %dma_wait3A_24 = arith.constant 0 : i32
    %dma_wait3A_25 = tpu.memref_slice %arg4[%add3A_17, %dma_wait3A_24] : memref<131072x160xf32, #tpu.memory_space<hbm>> -> memref<128x160xf32, #tpu.memory_space<hbm>>
    tpu.wait_dma2 semaphore(%arg10 : memref<!tpu.dma_semaphore, #tpu.memory_space<semaphore_mem>>) src(%arg6 : memref<128x160xf32, #tpu.memory_space<vmem>>) dst(%dma_wait3A_25 : memref<128x160xf32, #tpu.memory_space<hbm>>)
    %dma_start3A_26 = arith.constant 256 : i32
    %dma_start3A_27 = tpu.memref_slice %arg5[%dma_start3A_26] : memref<4096xi32, #tpu.memory_space<vmem>> -> memref<128xi32, #tpu.memory_space<vmem>>
    %dma_start3A_28 = arith.constant 0 : i32
    %dma_start3A_29 = arith.constant 0 : i32
    %dma_start3A_30 = tpu.memref_slice %arg2[%dma_start3A_28, %dma_start3A_29] : memref<16384x160xf32, #tpu.memory_space<hbm>> -> memref<16384x160xf32, #tpu.memory_space<hbm>>
    tpu.enqueue_indirect_dma source(%dma_start3A_30 : memref<16384x160xf32, #tpu.memory_space<hbm>>) target(%arg6 : memref<128x160xf32, #tpu.memory_space<vmem>>) offsets(%dma_start3A_27 : memref<128xi32, #tpu.memory_space<vmem>>) semaphore(%arg8 : memref<!tpu.dma_semaphore, #tpu.memory_space<semaphore_mem>>)
    %dma_wait3A_31 = arith.constant 128 : i32
    %dma_wait3A_32 = tpu.memref_slice %arg5[%dma_wait3A_31] : memref<4096xi32, #tpu.memory_space<vmem>> -> memref<128xi32, #tpu.memory_space<vmem>>
    %dma_wait3A_33 = arith.constant 0 : i32
    %dma_wait3A_34 = arith.constant 0 : i32
    %dma_wait3A_35 = tpu.memref_slice %arg2[%dma_wait3A_33, %dma_wait3A_34] : memref<16384x160xf32, #tpu.memory_space<hbm>> -> memref<16384x160xf32, #tpu.memory_space<hbm>>
    tpu.wait_indirect_dma semaphore(%arg9 : memref<!tpu.dma_semaphore, #tpu.memory_space<semaphore_mem>>) src(%dma_wait3A_35 : memref<16384x160xf32, #tpu.memory_space<hbm>>) dst(%arg7 : memref<128x160xf32, #tpu.memory_space<vmem>>)
    %add3A_36 = arith.constant 128 : i32
    %add3A_37 = arith.addi %mul3A_2, %add3A_36 : i32
    %dma_start3A_38 = arith.constant 0 : i32
    %dma_start3A_39 = tpu.memref_slice %arg4[%add3A_37, %dma_start3A_38] : memref<131072x160xf32, #tpu.memory_space<hbm>> -> memref<128x160xf32, #tpu.memory_space<hbm>>
    %dma_start3A_40 = arith.constant 0 : i32
    %dma_start3A_41 = tpu.memref_slice %arg4[%add3A_37, %dma_start3A_40] : memref<131072x160xf32, #tpu.memory_space<hbm>> -> memref<128x160xf32, #tpu.memory_space<hbm>>
    tpu.enqueue_dma source(%arg7 : memref<128x160xf32, #tpu.memory_space<vmem>>) target(%dma_start3A_41 : memref<128x160xf32, #tpu.memory_space<hbm>>) target_semaphore(%arg11 : memref<!tpu.dma_semaphore, #tpu.memory_space<semaphore_mem>>)
    %dma_wait3A_42 = arith.constant 0 : i32
    %dma_wait3A_43 = tpu.memref_slice %arg4[%add3A_37, %dma_wait3A_42] : memref<131072x160xf32, #tpu.memory_space<hbm>> -> memref<128x160xf32, #tpu.memory_space<hbm>>
    %dma_wait3A_44 = arith.constant 0 : i32
    %dma_wait3A_45 = tpu.memref_slice %arg4[%add3A_37, %dma_wait3A_44] : memref<131072x160xf32, #tpu.memory_space<hbm>> -> memref<128x160xf32, #tpu.memory_space<hbm>>
    tpu.wait_dma2 semaphore(%arg11 : memref<!tpu.dma_semaphore, #tpu.memory_space<semaphore_mem>>) src(%arg7 : memref<128x160xf32, #tpu.memory_space<vmem>>) dst(%dma_wait3A_45 : memref<128x160xf32, #tpu.memory_space<hbm>>)
    %dma_start3A_46 = arith.constant 384 : i32
    %dma_start3A_47 = tpu.memref_slice %arg5[%dma_start3A_46] : memref<4096xi32, #tpu.memory_space<vmem>> -> memref<128xi32, #tpu.memory_space<vmem>>
    %dma_start3A_48 = arith.constant 0 : i32
    %dma_start3A_49 = arith.constant 0 : i32
    %dma_start3A_50 = tpu.memref_slice %arg2[%dma_start3A_48, %dma_start3A_49] : memref<16384x160xf32, #tpu.memory_space<hbm>> -> memref<16384x160xf32, #tpu.memory_space<hbm>>
    tpu.enqueue_indirect_dma source(%dma_start3A_50 : memref<16384x160xf32, #tpu.memory_space<hbm>>) target(%arg7 : memref<128x160xf32, #tpu.memory_space<vmem>>) offsets(%dma_start3A_47 : memref<128xi32, #tpu.memory_space<vmem>>) semaphore(%arg9 : memref<!tpu.dma_semaphore, #tpu.memory_space<semaphore_mem>>)
    %dma_wait3A_51 = arith.constant 256 : i32
    %dma_wait3A_52 = tpu.memref_slice %arg5[%dma_wait3A_51] : memref<4096xi32, #tpu.memory_space<vmem>> -> memref<128xi32, #tpu.memory_space<vmem>>
    %dma_wait3A_53 = arith.constant 0 : i32
    %dma_wait3A_54 = arith.constant 0 : i32
    %dma_wait3A_55 = tpu.memref_slice %arg2[%dma_wait3A_53, %dma_wait3A_54] : memref<16384x160xf32, #tpu.memory_space<hbm>> -> memref<16384x160xf32, #tpu.memory_space<hbm>>
    tpu.wait_indirect_dma semaphore(%arg8 : memref<!tpu.dma_semaphore, #tpu.memory_space<semaphore_mem>>) src(%dma_wait3A_55 : memref<16384x160xf32, #tpu.memory_space<hbm>>) dst(%arg6 : memref<128x160xf32, #tpu.memory_space<vmem>>)
    %add3A_56 = arith.constant 256 : i32
    %add3A_57 = arith.addi %mul3A_2, %add3A_56 : i32
    %dma_start3A_58 = arith.constant 0 : i32
    %dma_start3A_59 = tpu.memref_slice %arg4[%add3A_57, %dma_start3A_58] : memref<131072x160xf32, #tpu.memory_space<hbm>> -> memref<128x160xf32, #tpu.memory_space<hbm>>
    %dma_start3A_60 = arith.constant 0 : i32
    %dma_start3A_61 = tpu.memref_slice %arg4[%add3A_57, %dma_start3A_60] : memref<131072x160xf32, #tpu.memory_space<hbm>> -> memref<128x160xf32, #tpu.memory_space<hbm>>
    tpu.enqueue_dma source(%arg6 : memref<128x160xf32, #tpu.memory_space<vmem>>) target(%dma_start3A_61 : memref<128x160xf32, #tpu.memory_space<hbm>>) target_semaphore(%arg10 : memref<!tpu.dma_semaphore, #tpu.memory_space<semaphore_mem>>)
    %dma_wait3A_62 = arith.constant 0 : i32
    %dma_wait3A_63 = tpu.memref_slice %arg4[%add3A_57, %dma_wait3A_62] : memref<131072x160xf32, #tpu.memory_space<hbm>> -> memref<128x160xf32, #tpu.memory_space<hbm>>
    %dma_wait3A_64 = arith.constant 0 : i32
    %dma_wait3A_65 = tpu.memref_slice %arg4[%add3A_57, %dma_wait3A_64] : memref<131072x160xf32, #tpu.memory_space<hbm>> -> memref<128x160xf32, #tpu.memory_space<hbm>>
    tpu.wait_dma2 semaphore(%arg10 : memref<!tpu.dma_semaphore, #tpu.memory_space<semaphore_mem>>) src(%arg6 : memref<128x160xf32, #tpu.memory_space<vmem>>) dst(%dma_wait3A_65 : memref<128x160xf32, #tpu.memory_space<hbm>>)
    %dma_start3A_66 = arith.constant 512 : i32
    %dma_start3A_67 = tpu.memref_slice %arg5[%dma_start3A_66] : memref<4096xi32, #tpu.memory_space<vmem>> -> memref<128xi32, #tpu.memory_space<vmem>>
    %dma_start3A_68 = arith.constant 0 : i32
    %dma_start3A_69 = arith.constant 0 : i32
    %dma_start3A_70 = tpu.memref_slice %arg2[%dma_start3A_68, %dma_start3A_69] : memref<16384x160xf32, #tpu.memory_space<hbm>> -> memref<16384x160xf32, #tpu.memory_space<hbm>>
    tpu.enqueue_indirect_dma source(%dma_start3A_70 : memref<16384x160xf32, #tpu.memory_space<hbm>>) target(%arg6 : memref<128x160xf32, #tpu.memory_space<vmem>>) offsets(%dma_start3A_67 : memref<128xi32, #tpu.memory_space<vmem>>) semaphore(%arg8 : memref<!tpu.dma_semaphore, #tpu.memory_space<semaphore_mem>>)
    %dma_wait3A_71 = arith.constant 384 : i32
    %dma_wait3A_72 = tpu.memref_slice %arg5[%dma_wait3A_71] : memref<4096xi32, #tpu.memory_space<vmem>> -> memref<128xi32, #tpu.memory_space<vmem>>
    %dma_wait3A_73 = arith.constant 0 : i32
    %dma_wait3A_74 = arith.constant 0 : i32
    %dma_wait3A_75 = tpu.memref_slice %arg2[%dma_wait3A_73, %dma_wait3A_74] : memref<16384x160xf32, #tpu.memory_space<hbm>> -> memref<16384x160xf32, #tpu.memory_space<hbm>>
    tpu.wait_indirect_dma semaphore(%arg9 : memref<!tpu.dma_semaphore, #tpu.memory_space<semaphore_mem>>) src(%dma_wait3A_75 : memref<16384x160xf32, #tpu.memory_space<hbm>>) dst(%arg7 : memref<128x160xf32, #tpu.memory_space<vmem>>)
    %add3A_76 = arith.constant 384 : i32
    %add3A_77 = arith.addi %mul3A_2, %add3A_76 : i32
    %dma_start3A_78 = arith.constant 0 : i32
    %dma_start3A_79 = tpu.memref_slice %arg4[%add3A_77, %dma_start3A_78] : memref<131072x160xf32, #tpu.memory_space<hbm>> -> memref<128x160xf32, #tpu.memory_space<hbm>>
    %dma_start3A_80 = arith.constant 0 : i32
    %dma_start3A_81 = tpu.memref_slice %arg4[%add3A_77, %dma_start3A_80] : memref<131072x160xf32, #tpu.memory_space<hbm>> -> memref<128x160xf32, #tpu.memory_space<hbm>>
    tpu.enqueue_dma source(%arg7 : memref<128x160xf32, #tpu.memory_space<vmem>>) target(%dma_start3A_81 : memref<128x160xf32, #tpu.memory_space<hbm>>) target_semaphore(%arg11 : memref<!tpu.dma_semaphore, #tpu.memory_space<semaphore_mem>>)
    %dma_wait3A_82 = arith.constant 0 : i32
    %dma_wait3A_83 = tpu.memref_slice %arg4[%add3A_77, %dma_wait3A_82] : memref<131072x160xf32, #tpu.memory_space<hbm>> -> memref<128x160xf32, #tpu.memory_space<hbm>>
    %dma_wait3A_84 = arith.constant 0 : i32
    %dma_wait3A_85 = tpu.memref_slice %arg4[%add3A_77, %dma_wait3A_84] : memref<131072x160xf32, #tpu.memory_space<hbm>> -> memref<128x160xf32, #tpu.memory_space<hbm>>
    tpu.wait_dma2 semaphore(%arg11 : memref<!tpu.dma_semaphore, #tpu.memory_space<semaphore_mem>>) src(%arg7 : memref<128x160xf32, #tpu.memory_space<vmem>>) dst(%dma_wait3A_85 : memref<128x160xf32, #tpu.memory_space<hbm>>)
    %dma_start3A_86 = arith.constant 640 : i32
    %dma_start3A_87 = tpu.memref_slice %arg5[%dma_start3A_86] : memref<4096xi32, #tpu.memory_space<vmem>> -> memref<128xi32, #tpu.memory_space<vmem>>
    %dma_start3A_88 = arith.constant 0 : i32
    %dma_start3A_89 = arith.constant 0 : i32
    %dma_start3A_90 = tpu.memref_slice %arg2[%dma_start3A_88, %dma_start3A_89] : memref<16384x160xf32, #tpu.memory_space<hbm>> -> memref<16384x160xf32, #tpu.memory_space<hbm>>
    tpu.enqueue_indirect_dma source(%dma_start3A_90 : memref<16384x160xf32, #tpu.memory_space<hbm>>) target(%arg7 : memref<128x160xf32, #tpu.memory_space<vmem>>) offsets(%dma_start3A_87 : memref<128xi32, #tpu.memory_space<vmem>>) semaphore(%arg9 : memref<!tpu.dma_semaphore, #tpu.memory_space<semaphore_mem>>)
    %dma_wait3A_91 = arith.constant 512 : i32
    %dma_wait3A_92 = tpu.memref_slice %arg5[%dma_wait3A_91] : memref<4096xi32, #tpu.memory_space<vmem>> -> memref<128xi32, #tpu.memory_space<vmem>>
    %dma_wait3A_93 = arith.constant 0 : i32
    %dma_wait3A_94 = arith.constant 0 : i32
    %dma_wait3A_95 = tpu.memref_slice %arg2[%dma_wait3A_93, %dma_wait3A_94] : memref<16384x160xf32, #tpu.memory_space<hbm>> -> memref<16384x160xf32, #tpu.memory_space<hbm>>
    tpu.wait_indirect_dma semaphore(%arg8 : memref<!tpu.dma_semaphore, #tpu.memory_space<semaphore_mem>>) src(%dma_wait3A_95 : memref<16384x160xf32, #tpu.memory_space<hbm>>) dst(%arg6 : memref<128x160xf32, #tpu.memory_space<vmem>>)
    %add3A_96 = arith.constant 512 : i32
    %add3A_97 = arith.addi %mul3A_2, %add3A_96 : i32
    %dma_start3A_98 = arith.constant 0 : i32
    %dma_start3A_99 = tpu.memref_slice %arg4[%add3A_97, %dma_start3A_98] : memref<131072x160xf32, #tpu.memory_space<hbm>> -> memref<128x160xf32, #tpu.memory_space<hbm>>
    %dma_start3A_100 = arith.constant 0 : i32
    %dma_start3A_101 = tpu.memref_slice %arg4[%add3A_97, %dma_start3A_100] : memref<131072x160xf32, #tpu.memory_space<hbm>> -> memref<128x160xf32, #tpu.memory_space<hbm>>
    tpu.enqueue_dma source(%arg6 : memref<128x160xf32, #tpu.memory_space<vmem>>) target(%dma_start3A_101 : memref<128x160xf32, #tpu.memory_space<hbm>>) target_semaphore(%arg10 : memref<!tpu.dma_semaphore, #tpu.memory_space<semaphore_mem>>)
    %dma_wait3A_102 = arith.constant 0 : i32
    %dma_wait3A_103 = tpu.memref_slice %arg4[%add3A_97, %dma_wait3A_102] : memref<131072x160xf32, #tpu.memory_space<hbm>> -> memref<128x160xf32, #tpu.memory_space<hbm>>
    %dma_wait3A_104 = arith.constant 0 : i32
    %dma_wait3A_105 = tpu.memref_slice %arg4[%add3A_97, %dma_wait3A_104] : memref<131072x160xf32, #tpu.memory_space<hbm>> -> memref<128x160xf32, #tpu.memory_space<hbm>>
    tpu.wait_dma2 semaphore(%arg10 : memref<!tpu.dma_semaphore, #tpu.memory_space<semaphore_mem>>) src(%arg6 : memref<128x160xf32, #tpu.memory_space<vmem>>) dst(%dma_wait3A_105 : memref<128x160xf32, #tpu.memory_space<hbm>>)
    %dma_start3A_106 = arith.constant 768 : i32
    %dma_start3A_107 = tpu.memref_slice %arg5[%dma_start3A_106] : memref<4096xi32, #tpu.memory_space<vmem>> -> memref<128xi32, #tpu.memory_space<vmem>>
    %dma_start3A_108 = arith.constant 0 : i32
    %dma_start3A_109 = arith.constant 0 : i32
    %dma_start3A_110 = tpu.memref_slice %arg2[%dma_start3A_108, %dma_start3A_109] : memref<16384x160xf32, #tpu.memory_space<hbm>> -> memref<16384x160xf32, #tpu.memory_space<hbm>>
    tpu.enqueue_indirect_dma source(%dma_start3A_110 : memref<16384x160xf32, #tpu.memory_space<hbm>>) target(%arg6 : memref<128x160xf32, #tpu.memory_space<vmem>>) offsets(%dma_start3A_107 : memref<128xi32, #tpu.memory_space<vmem>>) semaphore(%arg8 : memref<!tpu.dma_semaphore, #tpu.memory_space<semaphore_mem>>)
    %dma_wait3A_111 = arith.constant 640 : i32
    %dma_wait3A_112 = tpu.memref_slice %arg5[%dma_wait3A_111] : memref<4096xi32, #tpu.memory_space<vmem>> -> memref<128xi32, #tpu.memory_space<vmem>>
    %dma_wait3A_113 = arith.constant 0 : i32
    %dma_wait3A_114 = arith.constant 0 : i32
    %dma_wait3A_115 = tpu.memref_slice %arg2[%dma_wait3A_113, %dma_wait3A_114] : memref<16384x160xf32, #tpu.memory_space<hbm>> -> memref<16384x160xf32, #tpu.memory_space<hbm>>
    tpu.wait_indirect_dma semaphore(%arg9 : memref<!tpu.dma_semaphore, #tpu.memory_space<semaphore_mem>>) src(%dma_wait3A_115 : memref<16384x160xf32, #tpu.memory_space<hbm>>) dst(%arg7 : memref<128x160xf32, #tpu.memory_space<vmem>>)
    %add3A_116 = arith.constant 640 : i32
    %add3A_117 = arith.addi %mul3A_2, %add3A_116 : i32
    %dma_start3A_118 = arith.constant 0 : i32
    %dma_start3A_119 = tpu.memref_slice %arg4[%add3A_117, %dma_start3A_118] : memref<131072x160xf32, #tpu.memory_space<hbm>> -> memref<128x160xf32, #tpu.memory_space<hbm>>
    %dma_start3A_120 = arith.constant 0 : i32
    %dma_start3A_121 = tpu.memref_slice %arg4[%add3A_117, %dma_start3A_120] : memref<131072x160xf32, #tpu.memory_space<hbm>> -> memref<128x160xf32, #tpu.memory_space<hbm>>
    tpu.enqueue_dma source(%arg7 : memref<128x160xf32, #tpu.memory_space<vmem>>) target(%dma_start3A_121 : memref<128x160xf32, #tpu.memory_space<hbm>>) target_semaphore(%arg11 : memref<!tpu.dma_semaphore, #tpu.memory_space<semaphore_mem>>)
    %dma_wait3A_122 = arith.constant 0 : i32
    %dma_wait3A_123 = tpu.memref_slice %arg4[%add3A_117, %dma_wait3A_122] : memref<131072x160xf32, #tpu.memory_space<hbm>> -> memref<128x160xf32, #tpu.memory_space<hbm>>
    %dma_wait3A_124 = arith.constant 0 : i32
    %dma_wait3A_125 = tpu.memref_slice %arg4[%add3A_117, %dma_wait3A_124] : memref<131072x160xf32, #tpu.memory_space<hbm>> -> memref<128x160xf32, #tpu.memory_space<hbm>>
    tpu.wait_dma2 semaphore(%arg11 : memref<!tpu.dma_semaphore, #tpu.memory_space<semaphore_mem>>) src(%arg7 : memref<128x160xf32, #tpu.memory_space<vmem>>) dst(%dma_wait3A_125 : memref<128x160xf32, #tpu.memory_space<hbm>>)
    %dma_start3A_126 = arith.constant 896 : i32
    %dma_start3A_127 = tpu.memref_slice %arg5[%dma_start3A_126] : memref<4096xi32, #tpu.memory_space<vmem>> -> memref<128xi32, #tpu.memory_space<vmem>>
    %dma_start3A_128 = arith.constant 0 : i32
    %dma_start3A_129 = arith.constant 0 : i32
    %dma_start3A_130 = tpu.memref_slice %arg2[%dma_start3A_128, %dma_start3A_129] : memref<16384x160xf32, #tpu.memory_space<hbm>> -> memref<16384x160xf32, #tpu.memory_space<hbm>>
    tpu.enqueue_indirect_dma source(%dma_start3A_130 : memref<16384x160xf32, #tpu.memory_space<hbm>>) target(%arg7 : memref<128x160xf32, #tpu.memory_space<vmem>>) offsets(%dma_start3A_127 : memref<128xi32, #tpu.memory_space<vmem>>) semaphore(%arg9 : memref<!tpu.dma_semaphore, #tpu.memory_space<semaphore_mem>>)
    %dma_wait3A_131 = arith.constant 768 : i32
    %dma_wait3A_132 = tpu.memref_slice %arg5[%dma_wait3A_131] : memref<4096xi32, #tpu.memory_space<vmem>> -> memref<128xi32, #tpu.memory_space<vmem>>
    %dma_wait3A_133 = arith.constant 0 : i32
    %dma_wait3A_134 = arith.constant 0 : i32
    %dma_wait3A_135 = tpu.memref_slice %arg2[%dma_wait3A_133, %dma_wait3A_134] : memref<16384x160xf32, #tpu.memory_space<hbm>> -> memref<16384x160xf32, #tpu.memory_space<hbm>>
    tpu.wait_indirect_dma semaphore(%arg8 : memref<!tpu.dma_semaphore, #tpu.memory_space<semaphore_mem>>) src(%dma_wait3A_135 : memref<16384x160xf32, #tpu.memory_space<hbm>>) dst(%arg6 : memref<128x160xf32, #tpu.memory_space<vmem>>)
    %add3A_136 = arith.constant 768 : i32
    %add3A_137 = arith.addi %mul3A_2, %add3A_136 : i32
    %dma_start3A_138 = arith.constant 0 : i32
    %dma_start3A_139 = tpu.memref_slice %arg4[%add3A_137, %dma_start3A_138] : memref<131072x160xf32, #tpu.memory_space<hbm>> -> memref<128x160xf32, #tpu.memory_space<hbm>>
    %dma_start3A_140 = arith.constant 0 : i32
    %dma_start3A_141 = tpu.memref_slice %arg4[%add3A_137, %dma_start3A_140] : memref<131072x160xf32, #tpu.memory_space<hbm>> -> memref<128x160xf32, #tpu.memory_space<hbm>>
    tpu.enqueue_dma source(%arg6 : memref<128x160xf32, #tpu.memory_space<vmem>>) target(%dma_start3A_141 : memref<128x160xf32, #tpu.memory_space<hbm>>) target_semaphore(%arg10 : memref<!tpu.dma_semaphore, #tpu.memory_space<semaphore_mem>>)
    %dma_wait3A_142 = arith.constant 0 : i32
    %dma_wait3A_143 = tpu.memref_slice %arg4[%add3A_137, %dma_wait3A_142] : memref<131072x160xf32, #tpu.memory_space<hbm>> -> memref<128x160xf32, #tpu.memory_space<hbm>>
    %dma_wait3A_144 = arith.constant 0 : i32
    %dma_wait3A_145 = tpu.memref_slice %arg4[%add3A_137, %dma_wait3A_144] : memref<131072x160xf32, #tpu.memory_space<hbm>> -> memref<128x160xf32, #tpu.memory_space<hbm>>
    tpu.wait_dma2 semaphore(%arg10 : memref<!tpu.dma_semaphore, #tpu.memory_space<semaphore_mem>>) src(%arg6 : memref<128x160xf32, #tpu.memory_space<vmem>>) dst(%dma_wait3A_145 : memref<128x160xf32, #tpu.memory_space<hbm>>)
    %dma_start3A_146 = arith.constant 1024 : i32
    %dma_start3A_147 = tpu.memref_slice %arg5[%dma_start3A_146] : memref<4096xi32, #tpu.memory_space<vmem>> -> memref<128xi32, #tpu.memory_space<vmem>>
    %dma_start3A_148 = arith.constant 0 : i32
    %dma_start3A_149 = arith.constant 0 : i32
    %dma_start3A_150 = tpu.memref_slice %arg2[%dma_start3A_148, %dma_start3A_149] : memref<16384x160xf32, #tpu.memory_space<hbm>> -> memref<16384x160xf32, #tpu.memory_space<hbm>>
    tpu.enqueue_indirect_dma source(%dma_start3A_150 : memref<16384x160xf32, #tpu.memory_space<hbm>>) target(%arg6 : memref<128x160xf32, #tpu.memory_space<vmem>>) offsets(%dma_start3A_147 : memref<128xi32, #tpu.memory_space<vmem>>) semaphore(%arg8 : memref<!tpu.dma_semaphore, #tpu.memory_space<semaphore_mem>>)
    %dma_wait3A_151 = arith.constant 896 : i32
    %dma_wait3A_152 = tpu.memref_slice %arg5[%dma_wait3A_151] : memref<4096xi32, #tpu.memory_space<vmem>> -> memref<128xi32, #tpu.memory_space<vmem>>
    %dma_wait3A_153 = arith.constant 0 : i32
    %dma_wait3A_154 = arith.constant 0 : i32
    %dma_wait3A_155 = tpu.memref_slice %arg2[%dma_wait3A_153, %dma_wait3A_154] : memref<16384x160xf32, #tpu.memory_space<hbm>> -> memref<16384x160xf32, #tpu.memory_space<hbm>>
    tpu.wait_indirect_dma semaphore(%arg9 : memref<!tpu.dma_semaphore, #tpu.memory_space<semaphore_mem>>) src(%dma_wait3A_155 : memref<16384x160xf32, #tpu.memory_space<hbm>>) dst(%arg7 : memref<128x160xf32, #tpu.memory_space<vmem>>)
    %add3A_156 = arith.constant 896 : i32
    %add3A_157 = arith.addi %mul3A_2, %add3A_156 : i32
    %dma_start3A_158 = arith.constant 0 : i32
    %dma_start3A_159 = tpu.memref_slice %arg4[%add3A_157, %dma_start3A_158] : memref<131072x160xf32, #tpu.memory_space<hbm>> -> memref<128x160xf32, #tpu.memory_space<hbm>>
    %dma_start3A_160 = arith.constant 0 : i32
    %dma_start3A_161 = tpu.memref_slice %arg4[%add3A_157, %dma_start3A_160] : memref<131072x160xf32, #tpu.memory_space<hbm>> -> memref<128x160xf32, #tpu.memory_space<hbm>>
    tpu.enqueue_dma source(%arg7 : memref<128x160xf32, #tpu.memory_space<vmem>>) target(%dma_start3A_161 : memref<128x160xf32, #tpu.memory_space<hbm>>) target_semaphore(%arg11 : memref<!tpu.dma_semaphore, #tpu.memory_space<semaphore_mem>>)
    %dma_wait3A_162 = arith.constant 0 : i32
    %dma_wait3A_163 = tpu.memref_slice %arg4[%add3A_157, %dma_wait3A_162] : memref<131072x160xf32, #tpu.memory_space<hbm>> -> memref<128x160xf32, #tpu.memory_space<hbm>>
    %dma_wait3A_164 = arith.constant 0 : i32
    %dma_wait3A_165 = tpu.memref_slice %arg4[%add3A_157, %dma_wait3A_164] : memref<131072x160xf32, #tpu.memory_space<hbm>> -> memref<128x160xf32, #tpu.memory_space<hbm>>
    tpu.wait_dma2 semaphore(%arg11 : memref<!tpu.dma_semaphore, #tpu.memory_space<semaphore_mem>>) src(%arg7 : memref<128x160xf32, #tpu.memory_space<vmem>>) dst(%dma_wait3A_165 : memref<128x160xf32, #tpu.memory_space<hbm>>)
    %dma_start3A_166 = arith.constant 1152 : i32
    %dma_start3A_167 = tpu.memref_slice %arg5[%dma_start3A_166] : memref<4096xi32, #tpu.memory_space<vmem>> -> memref<128xi32, #tpu.memory_space<vmem>>
    %dma_start3A_168 = arith.constant 0 : i32
    %dma_start3A_169 = arith.constant 0 : i32
    %dma_start3A_170 = tpu.memref_slice %arg2[%dma_start3A_168, %dma_start3A_169] : memref<16384x160xf32, #tpu.memory_space<hbm>> -> memref<16384x160xf32, #tpu.memory_space<hbm>>
    tpu.enqueue_indirect_dma source(%dma_start3A_170 : memref<16384x160xf32, #tpu.memory_space<hbm>>) target(%arg7 : memref<128x160xf32, #tpu.memory_space<vmem>>) offsets(%dma_start3A_167 : memref<128xi32, #tpu.memory_space<vmem>>) semaphore(%arg9 : memref<!tpu.dma_semaphore, #tpu.memory_space<semaphore_mem>>)
    %dma_wait3A_171 = arith.constant 1024 : i32
    %dma_wait3A_172 = tpu.memref_slice %arg5[%dma_wait3A_171] : memref<4096xi32, #tpu.memory_space<vmem>> -> memref<128xi32, #tpu.memory_space<vmem>>
    %dma_wait3A_173 = arith.constant 0 : i32
    %dma_wait3A_174 = arith.constant 0 : i32
    %dma_wait3A_175 = tpu.memref_slice %arg2[%dma_wait3A_173, %dma_wait3A_174] : memref<16384x160xf32, #tpu.memory_space<hbm>> -> memref<16384x160xf32, #tpu.memory_space<hbm>>
    tpu.wait_indirect_dma semaphore(%arg8 : memref<!tpu.dma_semaphore, #tpu.memory_space<semaphore_mem>>) src(%dma_wait3A_175 : memref<16384x160xf32, #tpu.memory_space<hbm>>) dst(%arg6 : memref<128x160xf32, #tpu.memory_space<vmem>>)
    %add3A_176 = arith.constant 1024 : i32
    %add3A_177 = arith.addi %mul3A_2, %add3A_176 : i32
    %dma_start3A_178 = arith.constant 0 : i32
    %dma_start3A_179 = tpu.memref_slice %arg4[%add3A_177, %dma_start3A_178] : memref<131072x160xf32, #tpu.memory_space<hbm>> -> memref<128x160xf32, #tpu.memory_space<hbm>>
    %dma_start3A_180 = arith.constant 0 : i32
    %dma_start3A_181 = tpu.memref_slice %arg4[%add3A_177, %dma_start3A_180] : memref<131072x160xf32, #tpu.memory_space<hbm>> -> memref<128x160xf32, #tpu.memory_space<hbm>>
    tpu.enqueue_dma source(%arg6 : memref<128x160xf32, #tpu.memory_space<vmem>>) target(%dma_start3A_181 : memref<128x160xf32, #tpu.memory_space<hbm>>) target_semaphore(%arg10 : memref<!tpu.dma_semaphore, #tpu.memory_space<semaphore_mem>>)
    %dma_wait3A_182 = arith.constant 0 : i32
    %dma_wait3A_183 = tpu.memref_slice %arg4[%add3A_177, %dma_wait3A_182] : memref<131072x160xf32, #tpu.memory_space<hbm>> -> memref<128x160xf32, #tpu.memory_space<hbm>>
    %dma_wait3A_184 = arith.constant 0 : i32
    %dma_wait3A_185 = tpu.memref_slice %arg4[%add3A_177, %dma_wait3A_184] : memref<131072x160xf32, #tpu.memory_space<hbm>> -> memref<128x160xf32, #tpu.memory_space<hbm>>
    tpu.wait_dma2 semaphore(%arg10 : memref<!tpu.dma_semaphore, #tpu.memory_space<semaphore_mem>>) src(%arg6 : memref<128x160xf32, #tpu.memory_space<vmem>>) dst(%dma_wait3A_185 : memref<128x160xf32, #tpu.memory_space<hbm>>)
    %dma_start3A_186 = arith.constant 1280 : i32
    %dma_start3A_187 = tpu.memref_slice %arg5[%dma_start3A_186] : memref<4096xi32, #tpu.memory_space<vmem>> -> memref<128xi32, #tpu.memory_space<vmem>>
    %dma_start3A_188 = arith.constant 0 : i32
    %dma_start3A_189 = arith.constant 0 : i32
    %dma_start3A_190 = tpu.memref_slice %arg2[%dma_start3A_188, %dma_start3A_189] : memref<16384x160xf32, #tpu.memory_space<hbm>> -> memref<16384x160xf32, #tpu.memory_space<hbm>>
    tpu.enqueue_indirect_dma source(%dma_start3A_190 : memref<16384x160xf32, #tpu.memory_space<hbm>>) target(%arg6 : memref<128x160xf32, #tpu.memory_space<vmem>>) offsets(%dma_start3A_187 : memref<128xi32, #tpu.memory_space<vmem>>) semaphore(%arg8 : memref<!tpu.dma_semaphore, #tpu.memory_space<semaphore_mem>>)
    %dma_wait3A_191 = arith.constant 1152 : i32
    %dma_wait3A_192 = tpu.memref_slice %arg5[%dma_wait3A_191] : memref<4096xi32, #tpu.memory_space<vmem>> -> memref<128xi32, #tpu.memory_space<vmem>>
    %dma_wait3A_193 = arith.constant 0 : i32
    %dma_wait3A_194 = arith.constant 0 : i32
    %dma_wait3A_195 = tpu.memref_slice %arg2[%dma_wait3A_193, %dma_wait3A_194] : memref<16384x160xf32, #tpu.memory_space<hbm>> -> memref<16384x160xf32, #tpu.memory_space<hbm>>
    tpu.wait_indirect_dma semaphore(%arg9 : memref<!tpu.dma_semaphore, #tpu.memory_space<semaphore_mem>>) src(%dma_wait3A_195 : memref<16384x160xf32, #tpu.memory_space<hbm>>) dst(%arg7 : memref<128x160xf32, #tpu.memory_space<vmem>>)
    %add3A_196 = arith.constant 1152 : i32
    %add3A_197 = arith.addi %mul3A_2, %add3A_196 : i32
    %dma_start3A_198 = arith.constant 0 : i32
    %dma_start3A_199 = tpu.memref_slice %arg4[%add3A_197, %dma_start3A_198] : memref<131072x160xf32, #tpu.memory_space<hbm>> -> memref<128x160xf32, #tpu.memory_space<hbm>>
    %dma_start3A_200 = arith.constant 0 : i32
    %dma_start3A_201 = tpu.memref_slice %arg4[%add3A_197, %dma_start3A_200] : memref<131072x160xf32, #tpu.memory_space<hbm>> -> memref<128x160xf32, #tpu.memory_space<hbm>>
    tpu.enqueue_dma source(%arg7 : memref<128x160xf32, #tpu.memory_space<vmem>>) target(%dma_start3A_201 : memref<128x160xf32, #tpu.memory_space<hbm>>) target_semaphore(%arg11 : memref<!tpu.dma_semaphore, #tpu.memory_space<semaphore_mem>>)
    %dma_wait3A_202 = arith.constant 0 : i32
    %dma_wait3A_203 = tpu.memref_slice %arg4[%add3A_197, %dma_wait3A_202] : memref<131072x160xf32, #tpu.memory_space<hbm>> -> memref<128x160xf32, #tpu.memory_space<hbm>>
    %dma_wait3A_204 = arith.constant 0 : i32
    %dma_wait3A_205 = tpu.memref_slice %arg4[%add3A_197, %dma_wait3A_204] : memref<131072x160xf32, #tpu.memory_space<hbm>> -> memref<128x160xf32, #tpu.memory_space<hbm>>
    tpu.wait_dma2 semaphore(%arg11 : memref<!tpu.dma_semaphore, #tpu.memory_space<semaphore_mem>>) src(%arg7 : memref<128x160xf32, #tpu.memory_space<vmem>>) dst(%dma_wait3A_205 : memref<128x160xf32, #tpu.memory_space<hbm>>)
    %dma_start3A_206 = arith.constant 1408 : i32
    %dma_start3A_207 = tpu.memref_slice %arg5[%dma_start3A_206] : memref<4096xi32, #tpu.memory_space<vmem>> -> memref<128xi32, #tpu.memory_space<vmem>>
    %dma_start3A_208 = arith.constant 0 : i32
    %dma_start3A_209 = arith.constant 0 : i32
    %dma_start3A_210 = tpu.memref_slice %arg2[%dma_start3A_208, %dma_start3A_209] : memref<16384x160xf32, #tpu.memory_space<hbm>> -> memref<16384x160xf32, #tpu.memory_space<hbm>>
    tpu.enqueue_indirect_dma source(%dma_start3A_210 : memref<16384x160xf32, #tpu.memory_space<hbm>>) target(%arg7 : memref<128x160xf32, #tpu.memory_space<vmem>>) offsets(%dma_start3A_207 : memref<128xi32, #tpu.memory_space<vmem>>) semaphore(%arg9 : memref<!tpu.dma_semaphore, #tpu.memory_space<semaphore_mem>>)
    %dma_wait3A_211 = arith.constant 1280 : i32
    %dma_wait3A_212 = tpu.memref_slice %arg5[%dma_wait3A_211] : memref<4096xi32, #tpu.memory_space<vmem>> -> memref<128xi32, #tpu.memory_space<vmem>>
    %dma_wait3A_213 = arith.constant 0 : i32
    %dma_wait3A_214 = arith.constant 0 : i32
    %dma_wait3A_215 = tpu.memref_slice %arg2[%dma_wait3A_213, %dma_wait3A_214] : memref<16384x160xf32, #tpu.memory_space<hbm>> -> memref<16384x160xf32, #tpu.memory_space<hbm>>
    tpu.wait_indirect_dma semaphore(%arg8 : memref<!tpu.dma_semaphore, #tpu.memory_space<semaphore_mem>>) src(%dma_wait3A_215 : memref<16384x160xf32, #tpu.memory_space<hbm>>) dst(%arg6 : memref<128x160xf32, #tpu.memory_space<vmem>>)
    %add3A_216 = arith.constant 1280 : i32
    %add3A_217 = arith.addi %mul3A_2, %add3A_216 : i32
    %dma_start3A_218 = arith.constant 0 : i32
    %dma_start3A_219 = tpu.memref_slice %arg4[%add3A_217, %dma_start3A_218] : memref<131072x160xf32, #tpu.memory_space<hbm>> -> memref<128x160xf32, #tpu.memory_space<hbm>>
    %dma_start3A_220 = arith.constant 0 : i32
    %dma_start3A_221 = tpu.memref_slice %arg4[%add3A_217, %dma_start3A_220] : memref<131072x160xf32, #tpu.memory_space<hbm>> -> memref<128x160xf32, #tpu.memory_space<hbm>>
    tpu.enqueue_dma source(%arg6 : memref<128x160xf32, #tpu.memory_space<vmem>>) target(%dma_start3A_221 : memref<128x160xf32, #tpu.memory_space<hbm>>) target_semaphore(%arg10 : memref<!tpu.dma_semaphore, #tpu.memory_space<semaphore_mem>>)
    %dma_wait3A_222 = arith.constant 0 : i32
    %dma_wait3A_223 = tpu.memref_slice %arg4[%add3A_217, %dma_wait3A_222] : memref<131072x160xf32, #tpu.memory_space<hbm>> -> memref<128x160xf32, #tpu.memory_space<hbm>>
    %dma_wait3A_224 = arith.constant 0 : i32
    %dma_wait3A_225 = tpu.memref_slice %arg4[%add3A_217, %dma_wait3A_224] : memref<131072x160xf32, #tpu.memory_space<hbm>> -> memref<128x160xf32, #tpu.memory_space<hbm>>
    tpu.wait_dma2 semaphore(%arg10 : memref<!tpu.dma_semaphore, #tpu.memory_space<semaphore_mem>>) src(%arg6 : memref<128x160xf32, #tpu.memory_space<vmem>>) dst(%dma_wait3A_225 : memref<128x160xf32, #tpu.memory_space<hbm>>)
    %dma_start3A_226 = arith.constant 1536 : i32
    %dma_start3A_227 = tpu.memref_slice %arg5[%dma_start3A_226] : memref<4096xi32, #tpu.memory_space<vmem>> -> memref<128xi32, #tpu.memory_space<vmem>>
    %dma_start3A_228 = arith.constant 0 : i32
    %dma_start3A_229 = arith.constant 0 : i32
    %dma_start3A_230 = tpu.memref_slice %arg2[%dma_start3A_228, %dma_start3A_229] : memref<16384x160xf32, #tpu.memory_space<hbm>> -> memref<16384x160xf32, #tpu.memory_space<hbm>>
    tpu.enqueue_indirect_dma source(%dma_start3A_230 : memref<16384x160xf32, #tpu.memory_space<hbm>>) target(%arg6 : memref<128x160xf32, #tpu.memory_space<vmem>>) offsets(%dma_start3A_227 : memref<128xi32, #tpu.memory_space<vmem>>) semaphore(%arg8 : memref<!tpu.dma_semaphore, #tpu.memory_space<semaphore_mem>>)
    %dma_wait3A_231 = arith.constant 1408 : i32
    %dma_wait3A_232 = tpu.memref_slice %arg5[%dma_wait3A_231] : memref<4096xi32, #tpu.memory_space<vmem>> -> memref<128xi32, #tpu.memory_space<vmem>>
    %dma_wait3A_233 = arith.constant 0 : i32
    %dma_wait3A_234 = arith.constant 0 : i32
    %dma_wait3A_235 = tpu.memref_slice %arg2[%dma_wait3A_233, %dma_wait3A_234] : memref<16384x160xf32, #tpu.memory_space<hbm>> -> memref<16384x160xf32, #tpu.memory_space<hbm>>
    tpu.wait_indirect_dma semaphore(%arg9 : memref<!tpu.dma_semaphore, #tpu.memory_space<semaphore_mem>>) src(%dma_wait3A_235 : memref<16384x160xf32, #tpu.memory_space<hbm>>) dst(%arg7 : memref<128x160xf32, #tpu.memory_space<vmem>>)
    %add3A_236 = arith.constant 1408 : i32
    %add3A_237 = arith.addi %mul3A_2, %add3A_236 : i32
    %dma_start3A_238 = arith.constant 0 : i32
    %dma_start3A_239 = tpu.memref_slice %arg4[%add3A_237, %dma_start3A_238] : memref<131072x160xf32, #tpu.memory_space<hbm>> -> memref<128x160xf32, #tpu.memory_space<hbm>>
    %dma_start3A_240 = arith.constant 0 : i32
    %dma_start3A_241 = tpu.memref_slice %arg4[%add3A_237, %dma_start3A_240] : memref<131072x160xf32, #tpu.memory_space<hbm>> -> memref<128x160xf32, #tpu.memory_space<hbm>>
    tpu.enqueue_dma source(%arg7 : memref<128x160xf32, #tpu.memory_space<vmem>>) target(%dma_start3A_241 : memref<128x160xf32, #tpu.memory_space<hbm>>) target_semaphore(%arg11 : memref<!tpu.dma_semaphore, #tpu.memory_space<semaphore_mem>>)
    %dma_wait3A_242 = arith.constant 0 : i32
    %dma_wait3A_243 = tpu.memref_slice %arg4[%add3A_237, %dma_wait3A_242] : memref<131072x160xf32, #tpu.memory_space<hbm>> -> memref<128x160xf32, #tpu.memory_space<hbm>>
    %dma_wait3A_244 = arith.constant 0 : i32
    %dma_wait3A_245 = tpu.memref_slice %arg4[%add3A_237, %dma_wait3A_244] : memref<131072x160xf32, #tpu.memory_space<hbm>> -> memref<128x160xf32, #tpu.memory_space<hbm>>
    tpu.wait_dma2 semaphore(%arg11 : memref<!tpu.dma_semaphore, #tpu.memory_space<semaphore_mem>>) src(%arg7 : memref<128x160xf32, #tpu.memory_space<vmem>>) dst(%dma_wait3A_245 : memref<128x160xf32, #tpu.memory_space<hbm>>)
    %dma_start3A_246 = arith.constant 1664 : i32
    %dma_start3A_247 = tpu.memref_slice %arg5[%dma_start3A_246] : memref<4096xi32, #tpu.memory_space<vmem>> -> memref<128xi32, #tpu.memory_space<vmem>>
    %dma_start3A_248 = arith.constant 0 : i32
    %dma_start3A_249 = arith.constant 0 : i32
    %dma_start3A_250 = tpu.memref_slice %arg2[%dma_start3A_248, %dma_start3A_249] : memref<16384x160xf32, #tpu.memory_space<hbm>> -> memref<16384x160xf32, #tpu.memory_space<hbm>>
    tpu.enqueue_indirect_dma source(%dma_start3A_250 : memref<16384x160xf32, #tpu.memory_space<hbm>>) target(%arg7 : memref<128x160xf32, #tpu.memory_space<vmem>>) offsets(%dma_start3A_247 : memref<128xi32, #tpu.memory_space<vmem>>) semaphore(%arg9 : memref<!tpu.dma_semaphore, #tpu.memory_space<semaphore_mem>>)
    %dma_wait3A_251 = arith.constant 1536 : i32
    %dma_wait3A_252 = tpu.memref_slice %arg5[%dma_wait3A_251] : memref<4096xi32, #tpu.memory_space<vmem>> -> memref<128xi32, #tpu.memory_space<vmem>>
    %dma_wait3A_253 = arith.constant 0 : i32
    %dma_wait3A_254 = arith.constant 0 : i32
    %dma_wait3A_255 = tpu.memref_slice %arg2[%dma_wait3A_253, %dma_wait3A_254] : memref<16384x160xf32, #tpu.memory_space<hbm>> -> memref<16384x160xf32, #tpu.memory_space<hbm>>
    tpu.wait_indirect_dma semaphore(%arg8 : memref<!tpu.dma_semaphore, #tpu.memory_space<semaphore_mem>>) src(%dma_wait3A_255 : memref<16384x160xf32, #tpu.memory_space<hbm>>) dst(%arg6 : memref<128x160xf32, #tpu.memory_space<vmem>>)
    %add3A_256 = arith.constant 1536 : i32
    %add3A_257 = arith.addi %mul3A_2, %add3A_256 : i32
    %dma_start3A_258 = arith.constant 0 : i32
    %dma_start3A_259 = tpu.memref_slice %arg4[%add3A_257, %dma_start3A_258] : memref<131072x160xf32, #tpu.memory_space<hbm>> -> memref<128x160xf32, #tpu.memory_space<hbm>>
    %dma_start3A_260 = arith.constant 0 : i32
    %dma_start3A_261 = tpu.memref_slice %arg4[%add3A_257, %dma_start3A_260] : memref<131072x160xf32, #tpu.memory_space<hbm>> -> memref<128x160xf32, #tpu.memory_space<hbm>>
    tpu.enqueue_dma source(%arg6 : memref<128x160xf32, #tpu.memory_space<vmem>>) target(%dma_start3A_261 : memref<128x160xf32, #tpu.memory_space<hbm>>) target_semaphore(%arg10 : memref<!tpu.dma_semaphore, #tpu.memory_space<semaphore_mem>>)
    %dma_wait3A_262 = arith.constant 0 : i32
    %dma_wait3A_263 = tpu.memref_slice %arg4[%add3A_257, %dma_wait3A_262] : memref<131072x160xf32, #tpu.memory_space<hbm>> -> memref<128x160xf32, #tpu.memory_space<hbm>>
    %dma_wait3A_264 = arith.constant 0 : i32
    %dma_wait3A_265 = tpu.memref_slice %arg4[%add3A_257, %dma_wait3A_264] : memref<131072x160xf32, #tpu.memory_space<hbm>> -> memref<128x160xf32, #tpu.memory_space<hbm>>
    tpu.wait_dma2 semaphore(%arg10 : memref<!tpu.dma_semaphore, #tpu.memory_space<semaphore_mem>>) src(%arg6 : memref<128x160xf32, #tpu.memory_space<vmem>>) dst(%dma_wait3A_265 : memref<128x160xf32, #tpu.memory_space<hbm>>)
    %dma_start3A_266 = arith.constant 1792 : i32
    %dma_start3A_267 = tpu.memref_slice %arg5[%dma_start3A_266] : memref<4096xi32, #tpu.memory_space<vmem>> -> memref<128xi32, #tpu.memory_space<vmem>>
    %dma_start3A_268 = arith.constant 0 : i32
    %dma_start3A_269 = arith.constant 0 : i32
    %dma_start3A_270 = tpu.memref_slice %arg2[%dma_start3A_268, %dma_start3A_269] : memref<16384x160xf32, #tpu.memory_space<hbm>> -> memref<16384x160xf32, #tpu.memory_space<hbm>>
    tpu.enqueue_indirect_dma source(%dma_start3A_270 : memref<16384x160xf32, #tpu.memory_space<hbm>>) target(%arg6 : memref<128x160xf32, #tpu.memory_space<vmem>>) offsets(%dma_start3A_267 : memref<128xi32, #tpu.memory_space<vmem>>) semaphore(%arg8 : memref<!tpu.dma_semaphore, #tpu.memory_space<semaphore_mem>>)
    %dma_wait3A_271 = arith.constant 1664 : i32
    %dma_wait3A_272 = tpu.memref_slice %arg5[%dma_wait3A_271] : memref<4096xi32, #tpu.memory_space<vmem>> -> memref<128xi32, #tpu.memory_space<vmem>>
    %dma_wait3A_273 = arith.constant 0 : i32
    %dma_wait3A_274 = arith.constant 0 : i32
    %dma_wait3A_275 = tpu.memref_slice %arg2[%dma_wait3A_273, %dma_wait3A_274] : memref<16384x160xf32, #tpu.memory_space<hbm>> -> memref<16384x160xf32, #tpu.memory_space<hbm>>
    tpu.wait_indirect_dma semaphore(%arg9 : memref<!tpu.dma_semaphore, #tpu.memory_space<semaphore_mem>>) src(%dma_wait3A_275 : memref<16384x160xf32, #tpu.memory_space<hbm>>) dst(%arg7 : memref<128x160xf32, #tpu.memory_space<vmem>>)
    %add3A_276 = arith.constant 1664 : i32
    %add3A_277 = arith.addi %mul3A_2, %add3A_276 : i32
    %dma_start3A_278 = arith.constant 0 : i32
    %dma_start3A_279 = tpu.memref_slice %arg4[%add3A_277, %dma_start3A_278] : memref<131072x160xf32, #tpu.memory_space<hbm>> -> memref<128x160xf32, #tpu.memory_space<hbm>>
    %dma_start3A_280 = arith.constant 0 : i32
    %dma_start3A_281 = tpu.memref_slice %arg4[%add3A_277, %dma_start3A_280] : memref<131072x160xf32, #tpu.memory_space<hbm>> -> memref<128x160xf32, #tpu.memory_space<hbm>>
    tpu.enqueue_dma source(%arg7 : memref<128x160xf32, #tpu.memory_space<vmem>>) target(%dma_start3A_281 : memref<128x160xf32, #tpu.memory_space<hbm>>) target_semaphore(%arg11 : memref<!tpu.dma_semaphore, #tpu.memory_space<semaphore_mem>>)
    %dma_wait3A_282 = arith.constant 0 : i32
    %dma_wait3A_283 = tpu.memref_slice %arg4[%add3A_277, %dma_wait3A_282] : memref<131072x160xf32, #tpu.memory_space<hbm>> -> memref<128x160xf32, #tpu.memory_space<hbm>>
    %dma_wait3A_284 = arith.constant 0 : i32
    %dma_wait3A_285 = tpu.memref_slice %arg4[%add3A_277, %dma_wait3A_284] : memref<131072x160xf32, #tpu.memory_space<hbm>> -> memref<128x160xf32, #tpu.memory_space<hbm>>
    tpu.wait_dma2 semaphore(%arg11 : memref<!tpu.dma_semaphore, #tpu.memory_space<semaphore_mem>>) src(%arg7 : memref<128x160xf32, #tpu.memory_space<vmem>>) dst(%dma_wait3A_285 : memref<128x160xf32, #tpu.memory_space<hbm>>)
    %dma_start3A_286 = arith.constant 1920 : i32
    %dma_start3A_287 = tpu.memref_slice %arg5[%dma_start3A_286] : memref<4096xi32, #tpu.memory_space<vmem>> -> memref<128xi32, #tpu.memory_space<vmem>>
    %dma_start3A_288 = arith.constant 0 : i32
    %dma_start3A_289 = arith.constant 0 : i32
    %dma_start3A_290 = tpu.memref_slice %arg2[%dma_start3A_288, %dma_start3A_289] : memref<16384x160xf32, #tpu.memory_space<hbm>> -> memref<16384x160xf32, #tpu.memory_space<hbm>>
    tpu.enqueue_indirect_dma source(%dma_start3A_290 : memref<16384x160xf32, #tpu.memory_space<hbm>>) target(%arg7 : memref<128x160xf32, #tpu.memory_space<vmem>>) offsets(%dma_start3A_287 : memref<128xi32, #tpu.memory_space<vmem>>) semaphore(%arg9 : memref<!tpu.dma_semaphore, #tpu.memory_space<semaphore_mem>>)
    %dma_wait3A_291 = arith.constant 1792 : i32
    %dma_wait3A_292 = tpu.memref_slice %arg5[%dma_wait3A_291] : memref<4096xi32, #tpu.memory_space<vmem>> -> memref<128xi32, #tpu.memory_space<vmem>>
    %dma_wait3A_293 = arith.constant 0 : i32
    %dma_wait3A_294 = arith.constant 0 : i32
    %dma_wait3A_295 = tpu.memref_slice %arg2[%dma_wait3A_293, %dma_wait3A_294] : memref<16384x160xf32, #tpu.memory_space<hbm>> -> memref<16384x160xf32, #tpu.memory_space<hbm>>
    tpu.wait_indirect_dma semaphore(%arg8 : memref<!tpu.dma_semaphore, #tpu.memory_space<semaphore_mem>>) src(%dma_wait3A_295 : memref<16384x160xf32, #tpu.memory_space<hbm>>) dst(%arg6 : memref<128x160xf32, #tpu.memory_space<vmem>>)
    %add3A_296 = arith.constant 1792 : i32
    %add3A_297 = arith.addi %mul3A_2, %add3A_296 : i32
    %dma_start3A_298 = arith.constant 0 : i32
    %dma_start3A_299 = tpu.memref_slice %arg4[%add3A_297, %dma_start3A_298] : memref<131072x160xf32, #tpu.memory_space<hbm>> -> memref<128x160xf32, #tpu.memory_space<hbm>>
    %dma_start3A_300 = arith.constant 0 : i32
    %dma_start3A_301 = tpu.memref_slice %arg4[%add3A_297, %dma_start3A_300] : memref<131072x160xf32, #tpu.memory_space<hbm>> -> memref<128x160xf32, #tpu.memory_space<hbm>>
    tpu.enqueue_dma source(%arg6 : memref<128x160xf32, #tpu.memory_space<vmem>>) target(%dma_start3A_301 : memref<128x160xf32, #tpu.memory_space<hbm>>) target_semaphore(%arg10 : memref<!tpu.dma_semaphore, #tpu.memory_space<semaphore_mem>>)
    %dma_wait3A_302 = arith.constant 0 : i32
    %dma_wait3A_303 = tpu.memref_slice %arg4[%add3A_297, %dma_wait3A_302] : memref<131072x160xf32, #tpu.memory_space<hbm>> -> memref<128x160xf32, #tpu.memory_space<hbm>>
    %dma_wait3A_304 = arith.constant 0 : i32
    %dma_wait3A_305 = tpu.memref_slice %arg4[%add3A_297, %dma_wait3A_304] : memref<131072x160xf32, #tpu.memory_space<hbm>> -> memref<128x160xf32, #tpu.memory_space<hbm>>
    tpu.wait_dma2 semaphore(%arg10 : memref<!tpu.dma_semaphore, #tpu.memory_space<semaphore_mem>>) src(%arg6 : memref<128x160xf32, #tpu.memory_space<vmem>>) dst(%dma_wait3A_305 : memref<128x160xf32, #tpu.memory_space<hbm>>)
    %dma_start3A_306 = arith.constant 2048 : i32
    %dma_start3A_307 = tpu.memref_slice %arg5[%dma_start3A_306] : memref<4096xi32, #tpu.memory_space<vmem>> -> memref<128xi32, #tpu.memory_space<vmem>>
    %dma_start3A_308 = arith.constant 0 : i32
    %dma_start3A_309 = arith.constant 0 : i32
    %dma_start3A_310 = tpu.memref_slice %arg2[%dma_start3A_308, %dma_start3A_309] : memref<16384x160xf32, #tpu.memory_space<hbm>> -> memref<16384x160xf32, #tpu.memory_space<hbm>>
    tpu.enqueue_indirect_dma source(%dma_start3A_310 : memref<16384x160xf32, #tpu.memory_space<hbm>>) target(%arg6 : memref<128x160xf32, #tpu.memory_space<vmem>>) offsets(%dma_start3A_307 : memref<128xi32, #tpu.memory_space<vmem>>) semaphore(%arg8 : memref<!tpu.dma_semaphore, #tpu.memory_space<semaphore_mem>>)
    %dma_wait3A_311 = arith.constant 1920 : i32
    %dma_wait3A_312 = tpu.memref_slice %arg5[%dma_wait3A_311] : memref<4096xi32, #tpu.memory_space<vmem>> -> memref<128xi32, #tpu.memory_space<vmem>>
    %dma_wait3A_313 = arith.constant 0 : i32
    %dma_wait3A_314 = arith.constant 0 : i32
    %dma_wait3A_315 = tpu.memref_slice %arg2[%dma_wait3A_313, %dma_wait3A_314] : memref<16384x160xf32, #tpu.memory_space<hbm>> -> memref<16384x160xf32, #tpu.memory_space<hbm>>
    tpu.wait_indirect_dma semaphore(%arg9 : memref<!tpu.dma_semaphore, #tpu.memory_space<semaphore_mem>>) src(%dma_wait3A_315 : memref<16384x160xf32, #tpu.memory_space<hbm>>) dst(%arg7 : memref<128x160xf32, #tpu.memory_space<vmem>>)
    %add3A_316 = arith.constant 1920 : i32
    %add3A_317 = arith.addi %mul3A_2, %add3A_316 : i32
    %dma_start3A_318 = arith.constant 0 : i32
    %dma_start3A_319 = tpu.memref_slice %arg4[%add3A_317, %dma_start3A_318] : memref<131072x160xf32, #tpu.memory_space<hbm>> -> memref<128x160xf32, #tpu.memory_space<hbm>>
    %dma_start3A_320 = arith.constant 0 : i32
    %dma_start3A_321 = tpu.memref_slice %arg4[%add3A_317, %dma_start3A_320] : memref<131072x160xf32, #tpu.memory_space<hbm>> -> memref<128x160xf32, #tpu.memory_space<hbm>>
    tpu.enqueue_dma source(%arg7 : memref<128x160xf32, #tpu.memory_space<vmem>>) target(%dma_start3A_321 : memref<128x160xf32, #tpu.memory_space<hbm>>) target_semaphore(%arg11 : memref<!tpu.dma_semaphore, #tpu.memory_space<semaphore_mem>>)
    %dma_wait3A_322 = arith.constant 0 : i32
    %dma_wait3A_323 = tpu.memref_slice %arg4[%add3A_317, %dma_wait3A_322] : memref<131072x160xf32, #tpu.memory_space<hbm>> -> memref<128x160xf32, #tpu.memory_space<hbm>>
    %dma_wait3A_324 = arith.constant 0 : i32
    %dma_wait3A_325 = tpu.memref_slice %arg4[%add3A_317, %dma_wait3A_324] : memref<131072x160xf32, #tpu.memory_space<hbm>> -> memref<128x160xf32, #tpu.memory_space<hbm>>
    tpu.wait_dma2 semaphore(%arg11 : memref<!tpu.dma_semaphore, #tpu.memory_space<semaphore_mem>>) src(%arg7 : memref<128x160xf32, #tpu.memory_space<vmem>>) dst(%dma_wait3A_325 : memref<128x160xf32, #tpu.memory_space<hbm>>)
    %dma_start3A_326 = arith.constant 2176 : i32
    %dma_start3A_327 = tpu.memref_slice %arg5[%dma_start3A_326] : memref<4096xi32, #tpu.memory_space<vmem>> -> memref<128xi32, #tpu.memory_space<vmem>>
    %dma_start3A_328 = arith.constant 0 : i32
    %dma_start3A_329 = arith.constant 0 : i32
    %dma_start3A_330 = tpu.memref_slice %arg2[%dma_start3A_328, %dma_start3A_329] : memref<16384x160xf32, #tpu.memory_space<hbm>> -> memref<16384x160xf32, #tpu.memory_space<hbm>>
    tpu.enqueue_indirect_dma source(%dma_start3A_330 : memref<16384x160xf32, #tpu.memory_space<hbm>>) target(%arg7 : memref<128x160xf32, #tpu.memory_space<vmem>>) offsets(%dma_start3A_327 : memref<128xi32, #tpu.memory_space<vmem>>) semaphore(%arg9 : memref<!tpu.dma_semaphore, #tpu.memory_space<semaphore_mem>>)
    %dma_wait3A_331 = arith.constant 2048 : i32
    %dma_wait3A_332 = tpu.memref_slice %arg5[%dma_wait3A_331] : memref<4096xi32, #tpu.memory_space<vmem>> -> memref<128xi32, #tpu.memory_space<vmem>>
    %dma_wait3A_333 = arith.constant 0 : i32
    %dma_wait3A_334 = arith.constant 0 : i32
    %dma_wait3A_335 = tpu.memref_slice %arg2[%dma_wait3A_333, %dma_wait3A_334] : memref<16384x160xf32, #tpu.memory_space<hbm>> -> memref<16384x160xf32, #tpu.memory_space<hbm>>
    tpu.wait_indirect_dma semaphore(%arg8 : memref<!tpu.dma_semaphore, #tpu.memory_space<semaphore_mem>>) src(%dma_wait3A_335 : memref<16384x160xf32, #tpu.memory_space<hbm>>) dst(%arg6 : memref<128x160xf32, #tpu.memory_space<vmem>>)
    %add3A_336 = arith.constant 2048 : i32
    %add3A_337 = arith.addi %mul3A_2, %add3A_336 : i32
    %dma_start3A_338 = arith.constant 0 : i32
    %dma_start3A_339 = tpu.memref_slice %arg4[%add3A_337, %dma_start3A_338] : memref<131072x160xf32, #tpu.memory_space<hbm>> -> memref<128x160xf32, #tpu.memory_space<hbm>>
    %dma_start3A_340 = arith.constant 0 : i32
    %dma_start3A_341 = tpu.memref_slice %arg4[%add3A_337, %dma_start3A_340] : memref<131072x160xf32, #tpu.memory_space<hbm>> -> memref<128x160xf32, #tpu.memory_space<hbm>>
    tpu.enqueue_dma source(%arg6 : memref<128x160xf32, #tpu.memory_space<vmem>>) target(%dma_start3A_341 : memref<128x160xf32, #tpu.memory_space<hbm>>) target_semaphore(%arg10 : memref<!tpu.dma_semaphore, #tpu.memory_space<semaphore_mem>>)
    %dma_wait3A_342 = arith.constant 0 : i32
    %dma_wait3A_343 = tpu.memref_slice %arg4[%add3A_337, %dma_wait3A_342] : memref<131072x160xf32, #tpu.memory_space<hbm>> -> memref<128x160xf32, #tpu.memory_space<hbm>>
    %dma_wait3A_344 = arith.constant 0 : i32
    %dma_wait3A_345 = tpu.memref_slice %arg4[%add3A_337, %dma_wait3A_344] : memref<131072x160xf32, #tpu.memory_space<hbm>> -> memref<128x160xf32, #tpu.memory_space<hbm>>
    tpu.wait_dma2 semaphore(%arg10 : memref<!tpu.dma_semaphore, #tpu.memory_space<semaphore_mem>>) src(%arg6 : memref<128x160xf32, #tpu.memory_space<vmem>>) dst(%dma_wait3A_345 : memref<128x160xf32, #tpu.memory_space<hbm>>)
    %dma_start3A_346 = arith.constant 2304 : i32
    %dma_start3A_347 = tpu.memref_slice %arg5[%dma_start3A_346] : memref<4096xi32, #tpu.memory_space<vmem>> -> memref<128xi32, #tpu.memory_space<vmem>>
    %dma_start3A_348 = arith.constant 0 : i32
    %dma_start3A_349 = arith.constant 0 : i32
    %dma_start3A_350 = tpu.memref_slice %arg2[%dma_start3A_348, %dma_start3A_349] : memref<16384x160xf32, #tpu.memory_space<hbm>> -> memref<16384x160xf32, #tpu.memory_space<hbm>>
    tpu.enqueue_indirect_dma source(%dma_start3A_350 : memref<16384x160xf32, #tpu.memory_space<hbm>>) target(%arg6 : memref<128x160xf32, #tpu.memory_space<vmem>>) offsets(%dma_start3A_347 : memref<128xi32, #tpu.memory_space<vmem>>) semaphore(%arg8 : memref<!tpu.dma_semaphore, #tpu.memory_space<semaphore_mem>>)
    %dma_wait3A_351 = arith.constant 2176 : i32
    %dma_wait3A_352 = tpu.memref_slice %arg5[%dma_wait3A_351] : memref<4096xi32, #tpu.memory_space<vmem>> -> memref<128xi32, #tpu.memory_space<vmem>>
    %dma_wait3A_353 = arith.constant 0 : i32
    %dma_wait3A_354 = arith.constant 0 : i32
    %dma_wait3A_355 = tpu.memref_slice %arg2[%dma_wait3A_353, %dma_wait3A_354] : memref<16384x160xf32, #tpu.memory_space<hbm>> -> memref<16384x160xf32, #tpu.memory_space<hbm>>
    tpu.wait_indirect_dma semaphore(%arg9 : memref<!tpu.dma_semaphore, #tpu.memory_space<semaphore_mem>>) src(%dma_wait3A_355 : memref<16384x160xf32, #tpu.memory_space<hbm>>) dst(%arg7 : memref<128x160xf32, #tpu.memory_space<vmem>>)
    %add3A_356 = arith.constant 2176 : i32
    %add3A_357 = arith.addi %mul3A_2, %add3A_356 : i32
    %dma_start3A_358 = arith.constant 0 : i32
    %dma_start3A_359 = tpu.memref_slice %arg4[%add3A_357, %dma_start3A_358] : memref<131072x160xf32, #tpu.memory_space<hbm>> -> memref<128x160xf32, #tpu.memory_space<hbm>>
    %dma_start3A_360 = arith.constant 0 : i32
    %dma_start3A_361 = tpu.memref_slice %arg4[%add3A_357, %dma_start3A_360] : memref<131072x160xf32, #tpu.memory_space<hbm>> -> memref<128x160xf32, #tpu.memory_space<hbm>>
    tpu.enqueue_dma source(%arg7 : memref<128x160xf32, #tpu.memory_space<vmem>>) target(%dma_start3A_361 : memref<128x160xf32, #tpu.memory_space<hbm>>) target_semaphore(%arg11 : memref<!tpu.dma_semaphore, #tpu.memory_space<semaphore_mem>>)
    %dma_wait3A_362 = arith.constant 0 : i32
    %dma_wait3A_363 = tpu.memref_slice %arg4[%add3A_357, %dma_wait3A_362] : memref<131072x160xf32, #tpu.memory_space<hbm>> -> memref<128x160xf32, #tpu.memory_space<hbm>>
    %dma_wait3A_364 = arith.constant 0 : i32
    %dma_wait3A_365 = tpu.memref_slice %arg4[%add3A_357, %dma_wait3A_364] : memref<131072x160xf32, #tpu.memory_space<hbm>> -> memref<128x160xf32, #tpu.memory_space<hbm>>
    tpu.wait_dma2 semaphore(%arg11 : memref<!tpu.dma_semaphore, #tpu.memory_space<semaphore_mem>>) src(%arg7 : memref<128x160xf32, #tpu.memory_space<vmem>>) dst(%dma_wait3A_365 : memref<128x160xf32, #tpu.memory_space<hbm>>)
    %dma_start3A_366 = arith.constant 2432 : i32
    %dma_start3A_367 = tpu.memref_slice %arg5[%dma_start3A_366] : memref<4096xi32, #tpu.memory_space<vmem>> -> memref<128xi32, #tpu.memory_space<vmem>>
    %dma_start3A_368 = arith.constant 0 : i32
    %dma_start3A_369 = arith.constant 0 : i32
    %dma_start3A_370 = tpu.memref_slice %arg2[%dma_start3A_368, %dma_start3A_369] : memref<16384x160xf32, #tpu.memory_space<hbm>> -> memref<16384x160xf32, #tpu.memory_space<hbm>>
    tpu.enqueue_indirect_dma source(%dma_start3A_370 : memref<16384x160xf32, #tpu.memory_space<hbm>>) target(%arg7 : memref<128x160xf32, #tpu.memory_space<vmem>>) offsets(%dma_start3A_367 : memref<128xi32, #tpu.memory_space<vmem>>) semaphore(%arg9 : memref<!tpu.dma_semaphore, #tpu.memory_space<semaphore_mem>>)
    %dma_wait3A_371 = arith.constant 2304 : i32
    %dma_wait3A_372 = tpu.memref_slice %arg5[%dma_wait3A_371] : memref<4096xi32, #tpu.memory_space<vmem>> -> memref<128xi32, #tpu.memory_space<vmem>>
    %dma_wait3A_373 = arith.constant 0 : i32
    %dma_wait3A_374 = arith.constant 0 : i32
    %dma_wait3A_375 = tpu.memref_slice %arg2[%dma_wait3A_373, %dma_wait3A_374] : memref<16384x160xf32, #tpu.memory_space<hbm>> -> memref<16384x160xf32, #tpu.memory_space<hbm>>
    tpu.wait_indirect_dma semaphore(%arg8 : memref<!tpu.dma_semaphore, #tpu.memory_space<semaphore_mem>>) src(%dma_wait3A_375 : memref<16384x160xf32, #tpu.memory_space<hbm>>) dst(%arg6 : memref<128x160xf32, #tpu.memory_space<vmem>>)
    %add3A_376 = arith.constant 2304 : i32
    %add3A_377 = arith.addi %mul3A_2, %add3A_376 : i32
    %dma_start3A_378 = arith.constant 0 : i32
    %dma_start3A_379 = tpu.memref_slice %arg4[%add3A_377, %dma_start3A_378] : memref<131072x160xf32, #tpu.memory_space<hbm>> -> memref<128x160xf32, #tpu.memory_space<hbm>>
    %dma_start3A_380 = arith.constant 0 : i32
    %dma_start3A_381 = tpu.memref_slice %arg4[%add3A_377, %dma_start3A_380] : memref<131072x160xf32, #tpu.memory_space<hbm>> -> memref<128x160xf32, #tpu.memory_space<hbm>>
    tpu.enqueue_dma source(%arg6 : memref<128x160xf32, #tpu.memory_space<vmem>>) target(%dma_start3A_381 : memref<128x160xf32, #tpu.memory_space<hbm>>) target_semaphore(%arg10 : memref<!tpu.dma_semaphore, #tpu.memory_space<semaphore_mem>>)
    %dma_wait3A_382 = arith.constant 0 : i32
    %dma_wait3A_383 = tpu.memref_slice %arg4[%add3A_377, %dma_wait3A_382] : memref<131072x160xf32, #tpu.memory_space<hbm>> -> memref<128x160xf32, #tpu.memory_space<hbm>>
    %dma_wait3A_384 = arith.constant 0 : i32
    %dma_wait3A_385 = tpu.memref_slice %arg4[%add3A_377, %dma_wait3A_384] : memref<131072x160xf32, #tpu.memory_space<hbm>> -> memref<128x160xf32, #tpu.memory_space<hbm>>
    tpu.wait_dma2 semaphore(%arg10 : memref<!tpu.dma_semaphore, #tpu.memory_space<semaphore_mem>>) src(%arg6 : memref<128x160xf32, #tpu.memory_space<vmem>>) dst(%dma_wait3A_385 : memref<128x160xf32, #tpu.memory_space<hbm>>)
    %dma_start3A_386 = arith.constant 2560 : i32
    %dma_start3A_387 = tpu.memref_slice %arg5[%dma_start3A_386] : memref<4096xi32, #tpu.memory_space<vmem>> -> memref<128xi32, #tpu.memory_space<vmem>>
    %dma_start3A_388 = arith.constant 0 : i32
    %dma_start3A_389 = arith.constant 0 : i32
    %dma_start3A_390 = tpu.memref_slice %arg2[%dma_start3A_388, %dma_start3A_389] : memref<16384x160xf32, #tpu.memory_space<hbm>> -> memref<16384x160xf32, #tpu.memory_space<hbm>>
    tpu.enqueue_indirect_dma source(%dma_start3A_390 : memref<16384x160xf32, #tpu.memory_space<hbm>>) target(%arg6 : memref<128x160xf32, #tpu.memory_space<vmem>>) offsets(%dma_start3A_387 : memref<128xi32, #tpu.memory_space<vmem>>) semaphore(%arg8 : memref<!tpu.dma_semaphore, #tpu.memory_space<semaphore_mem>>)
    %dma_wait3A_391 = arith.constant 2432 : i32
    %dma_wait3A_392 = tpu.memref_slice %arg5[%dma_wait3A_391] : memref<4096xi32, #tpu.memory_space<vmem>> -> memref<128xi32, #tpu.memory_space<vmem>>
    %dma_wait3A_393 = arith.constant 0 : i32
    %dma_wait3A_394 = arith.constant 0 : i32
    %dma_wait3A_395 = tpu.memref_slice %arg2[%dma_wait3A_393, %dma_wait3A_394] : memref<16384x160xf32, #tpu.memory_space<hbm>> -> memref<16384x160xf32, #tpu.memory_space<hbm>>
    tpu.wait_indirect_dma semaphore(%arg9 : memref<!tpu.dma_semaphore, #tpu.memory_space<semaphore_mem>>) src(%dma_wait3A_395 : memref<16384x160xf32, #tpu.memory_space<hbm>>) dst(%arg7 : memref<128x160xf32, #tpu.memory_space<vmem>>)
    %add3A_396 = arith.constant 2432 : i32
    %add3A_397 = arith.addi %mul3A_2, %add3A_396 : i32
    %dma_start3A_398 = arith.constant 0 : i32
    %dma_start3A_399 = tpu.memref_slice %arg4[%add3A_397, %dma_start3A_398] : memref<131072x160xf32, #tpu.memory_space<hbm>> -> memref<128x160xf32, #tpu.memory_space<hbm>>
    %dma_start3A_400 = arith.constant 0 : i32
    %dma_start3A_401 = tpu.memref_slice %arg4[%add3A_397, %dma_start3A_400] : memref<131072x160xf32, #tpu.memory_space<hbm>> -> memref<128x160xf32, #tpu.memory_space<hbm>>
    tpu.enqueue_dma source(%arg7 : memref<128x160xf32, #tpu.memory_space<vmem>>) target(%dma_start3A_401 : memref<128x160xf32, #tpu.memory_space<hbm>>) target_semaphore(%arg11 : memref<!tpu.dma_semaphore, #tpu.memory_space<semaphore_mem>>)
    %dma_wait3A_402 = arith.constant 0 : i32
    %dma_wait3A_403 = tpu.memref_slice %arg4[%add3A_397, %dma_wait3A_402] : memref<131072x160xf32, #tpu.memory_space<hbm>> -> memref<128x160xf32, #tpu.memory_space<hbm>>
    %dma_wait3A_404 = arith.constant 0 : i32
    %dma_wait3A_405 = tpu.memref_slice %arg4[%add3A_397, %dma_wait3A_404] : memref<131072x160xf32, #tpu.memory_space<hbm>> -> memref<128x160xf32, #tpu.memory_space<hbm>>
    tpu.wait_dma2 semaphore(%arg11 : memref<!tpu.dma_semaphore, #tpu.memory_space<semaphore_mem>>) src(%arg7 : memref<128x160xf32, #tpu.memory_space<vmem>>) dst(%dma_wait3A_405 : memref<128x160xf32, #tpu.memory_space<hbm>>)
    %dma_start3A_406 = arith.constant 2688 : i32
    %dma_start3A_407 = tpu.memref_slice %arg5[%dma_start3A_406] : memref<4096xi32, #tpu.memory_space<vmem>> -> memref<128xi32, #tpu.memory_space<vmem>>
    %dma_start3A_408 = arith.constant 0 : i32
    %dma_start3A_409 = arith.constant 0 : i32
    %dma_start3A_410 = tpu.memref_slice %arg2[%dma_start3A_408, %dma_start3A_409] : memref<16384x160xf32, #tpu.memory_space<hbm>> -> memref<16384x160xf32, #tpu.memory_space<hbm>>
    tpu.enqueue_indirect_dma source(%dma_start3A_410 : memref<16384x160xf32, #tpu.memory_space<hbm>>) target(%arg7 : memref<128x160xf32, #tpu.memory_space<vmem>>) offsets(%dma_start3A_407 : memref<128xi32, #tpu.memory_space<vmem>>) semaphore(%arg9 : memref<!tpu.dma_semaphore, #tpu.memory_space<semaphore_mem>>)
    %dma_wait3A_411 = arith.constant 2560 : i32
    %dma_wait3A_412 = tpu.memref_slice %arg5[%dma_wait3A_411] : memref<4096xi32, #tpu.memory_space<vmem>> -> memref<128xi32, #tpu.memory_space<vmem>>
    %dma_wait3A_413 = arith.constant 0 : i32
    %dma_wait3A_414 = arith.constant 0 : i32
    %dma_wait3A_415 = tpu.memref_slice %arg2[%dma_wait3A_413, %dma_wait3A_414] : memref<16384x160xf32, #tpu.memory_space<hbm>> -> memref<16384x160xf32, #tpu.memory_space<hbm>>
    tpu.wait_indirect_dma semaphore(%arg8 : memref<!tpu.dma_semaphore, #tpu.memory_space<semaphore_mem>>) src(%dma_wait3A_415 : memref<16384x160xf32, #tpu.memory_space<hbm>>) dst(%arg6 : memref<128x160xf32, #tpu.memory_space<vmem>>)
    %add3A_416 = arith.constant 2560 : i32
    %add3A_417 = arith.addi %mul3A_2, %add3A_416 : i32
    %dma_start3A_418 = arith.constant 0 : i32
    %dma_start3A_419 = tpu.memref_slice %arg4[%add3A_417, %dma_start3A_418] : memref<131072x160xf32, #tpu.memory_space<hbm>> -> memref<128x160xf32, #tpu.memory_space<hbm>>
    %dma_start3A_420 = arith.constant 0 : i32
    %dma_start3A_421 = tpu.memref_slice %arg4[%add3A_417, %dma_start3A_420] : memref<131072x160xf32, #tpu.memory_space<hbm>> -> memref<128x160xf32, #tpu.memory_space<hbm>>
    tpu.enqueue_dma source(%arg6 : memref<128x160xf32, #tpu.memory_space<vmem>>) target(%dma_start3A_421 : memref<128x160xf32, #tpu.memory_space<hbm>>) target_semaphore(%arg10 : memref<!tpu.dma_semaphore, #tpu.memory_space<semaphore_mem>>)
    %dma_wait3A_422 = arith.constant 0 : i32
    %dma_wait3A_423 = tpu.memref_slice %arg4[%add3A_417, %dma_wait3A_422] : memref<131072x160xf32, #tpu.memory_space<hbm>> -> memref<128x160xf32, #tpu.memory_space<hbm>>
    %dma_wait3A_424 = arith.constant 0 : i32
    %dma_wait3A_425 = tpu.memref_slice %arg4[%add3A_417, %dma_wait3A_424] : memref<131072x160xf32, #tpu.memory_space<hbm>> -> memref<128x160xf32, #tpu.memory_space<hbm>>
    tpu.wait_dma2 semaphore(%arg10 : memref<!tpu.dma_semaphore, #tpu.memory_space<semaphore_mem>>) src(%arg6 : memref<128x160xf32, #tpu.memory_space<vmem>>) dst(%dma_wait3A_425 : memref<128x160xf32, #tpu.memory_space<hbm>>)
    %dma_start3A_426 = arith.constant 2816 : i32
    %dma_start3A_427 = tpu.memref_slice %arg5[%dma_start3A_426] : memref<4096xi32, #tpu.memory_space<vmem>> -> memref<128xi32, #tpu.memory_space<vmem>>
    %dma_start3A_428 = arith.constant 0 : i32
    %dma_start3A_429 = arith.constant 0 : i32
    %dma_start3A_430 = tpu.memref_slice %arg2[%dma_start3A_428, %dma_start3A_429] : memref<16384x160xf32, #tpu.memory_space<hbm>> -> memref<16384x160xf32, #tpu.memory_space<hbm>>
    tpu.enqueue_indirect_dma source(%dma_start3A_430 : memref<16384x160xf32, #tpu.memory_space<hbm>>) target(%arg6 : memref<128x160xf32, #tpu.memory_space<vmem>>) offsets(%dma_start3A_427 : memref<128xi32, #tpu.memory_space<vmem>>) semaphore(%arg8 : memref<!tpu.dma_semaphore, #tpu.memory_space<semaphore_mem>>)
    %dma_wait3A_431 = arith.constant 2688 : i32
    %dma_wait3A_432 = tpu.memref_slice %arg5[%dma_wait3A_431] : memref<4096xi32, #tpu.memory_space<vmem>> -> memref<128xi32, #tpu.memory_space<vmem>>
    %dma_wait3A_433 = arith.constant 0 : i32
    %dma_wait3A_434 = arith.constant 0 : i32
    %dma_wait3A_435 = tpu.memref_slice %arg2[%dma_wait3A_433, %dma_wait3A_434] : memref<16384x160xf32, #tpu.memory_space<hbm>> -> memref<16384x160xf32, #tpu.memory_space<hbm>>
    tpu.wait_indirect_dma semaphore(%arg9 : memref<!tpu.dma_semaphore, #tpu.memory_space<semaphore_mem>>) src(%dma_wait3A_435 : memref<16384x160xf32, #tpu.memory_space<hbm>>) dst(%arg7 : memref<128x160xf32, #tpu.memory_space<vmem>>)
    %add3A_436 = arith.constant 2688 : i32
    %add3A_437 = arith.addi %mul3A_2, %add3A_436 : i32
    %dma_start3A_438 = arith.constant 0 : i32
    %dma_start3A_439 = tpu.memref_slice %arg4[%add3A_437, %dma_start3A_438] : memref<131072x160xf32, #tpu.memory_space<hbm>> -> memref<128x160xf32, #tpu.memory_space<hbm>>
    %dma_start3A_440 = arith.constant 0 : i32
    %dma_start3A_441 = tpu.memref_slice %arg4[%add3A_437, %dma_start3A_440] : memref<131072x160xf32, #tpu.memory_space<hbm>> -> memref<128x160xf32, #tpu.memory_space<hbm>>
    tpu.enqueue_dma source(%arg7 : memref<128x160xf32, #tpu.memory_space<vmem>>) target(%dma_start3A_441 : memref<128x160xf32, #tpu.memory_space<hbm>>) target_semaphore(%arg11 : memref<!tpu.dma_semaphore, #tpu.memory_space<semaphore_mem>>)
    %dma_wait3A_442 = arith.constant 0 : i32
    %dma_wait3A_443 = tpu.memref_slice %arg4[%add3A_437, %dma_wait3A_442] : memref<131072x160xf32, #tpu.memory_space<hbm>> -> memref<128x160xf32, #tpu.memory_space<hbm>>
    %dma_wait3A_444 = arith.constant 0 : i32
    %dma_wait3A_445 = tpu.memref_slice %arg4[%add3A_437, %dma_wait3A_444] : memref<131072x160xf32, #tpu.memory_space<hbm>> -> memref<128x160xf32, #tpu.memory_space<hbm>>
    tpu.wait_dma2 semaphore(%arg11 : memref<!tpu.dma_semaphore, #tpu.memory_space<semaphore_mem>>) src(%arg7 : memref<128x160xf32, #tpu.memory_space<vmem>>) dst(%dma_wait3A_445 : memref<128x160xf32, #tpu.memory_space<hbm>>)
    %dma_start3A_446 = arith.constant 2944 : i32
    %dma_start3A_447 = tpu.memref_slice %arg5[%dma_start3A_446] : memref<4096xi32, #tpu.memory_space<vmem>> -> memref<128xi32, #tpu.memory_space<vmem>>
    %dma_start3A_448 = arith.constant 0 : i32
    %dma_start3A_449 = arith.constant 0 : i32
    %dma_start3A_450 = tpu.memref_slice %arg2[%dma_start3A_448, %dma_start3A_449] : memref<16384x160xf32, #tpu.memory_space<hbm>> -> memref<16384x160xf32, #tpu.memory_space<hbm>>
    tpu.enqueue_indirect_dma source(%dma_start3A_450 : memref<16384x160xf32, #tpu.memory_space<hbm>>) target(%arg7 : memref<128x160xf32, #tpu.memory_space<vmem>>) offsets(%dma_start3A_447 : memref<128xi32, #tpu.memory_space<vmem>>) semaphore(%arg9 : memref<!tpu.dma_semaphore, #tpu.memory_space<semaphore_mem>>)
    %dma_wait3A_451 = arith.constant 2816 : i32
    %dma_wait3A_452 = tpu.memref_slice %arg5[%dma_wait3A_451] : memref<4096xi32, #tpu.memory_space<vmem>> -> memref<128xi32, #tpu.memory_space<vmem>>
    %dma_wait3A_453 = arith.constant 0 : i32
    %dma_wait3A_454 = arith.constant 0 : i32
    %dma_wait3A_455 = tpu.memref_slice %arg2[%dma_wait3A_453, %dma_wait3A_454] : memref<16384x160xf32, #tpu.memory_space<hbm>> -> memref<16384x160xf32, #tpu.memory_space<hbm>>
    tpu.wait_indirect_dma semaphore(%arg8 : memref<!tpu.dma_semaphore, #tpu.memory_space<semaphore_mem>>) src(%dma_wait3A_455 : memref<16384x160xf32, #tpu.memory_space<hbm>>) dst(%arg6 : memref<128x160xf32, #tpu.memory_space<vmem>>)
    %add3A_456 = arith.constant 2816 : i32
    %add3A_457 = arith.addi %mul3A_2, %add3A_456 : i32
    %dma_start3A_458 = arith.constant 0 : i32
    %dma_start3A_459 = tpu.memref_slice %arg4[%add3A_457, %dma_start3A_458] : memref<131072x160xf32, #tpu.memory_space<hbm>> -> memref<128x160xf32, #tpu.memory_space<hbm>>
    %dma_start3A_460 = arith.constant 0 : i32
    %dma_start3A_461 = tpu.memref_slice %arg4[%add3A_457, %dma_start3A_460] : memref<131072x160xf32, #tpu.memory_space<hbm>> -> memref<128x160xf32, #tpu.memory_space<hbm>>
    tpu.enqueue_dma source(%arg6 : memref<128x160xf32, #tpu.memory_space<vmem>>) target(%dma_start3A_461 : memref<128x160xf32, #tpu.memory_space<hbm>>) target_semaphore(%arg10 : memref<!tpu.dma_semaphore, #tpu.memory_space<semaphore_mem>>)
    %dma_wait3A_462 = arith.constant 0 : i32
    %dma_wait3A_463 = tpu.memref_slice %arg4[%add3A_457, %dma_wait3A_462] : memref<131072x160xf32, #tpu.memory_space<hbm>> -> memref<128x160xf32, #tpu.memory_space<hbm>>
    %dma_wait3A_464 = arith.constant 0 : i32
    %dma_wait3A_465 = tpu.memref_slice %arg4[%add3A_457, %dma_wait3A_464] : memref<131072x160xf32, #tpu.memory_space<hbm>> -> memref<128x160xf32, #tpu.memory_space<hbm>>
    tpu.wait_dma2 semaphore(%arg10 : memref<!tpu.dma_semaphore, #tpu.memory_space<semaphore_mem>>) src(%arg6 : memref<128x160xf32, #tpu.memory_space<vmem>>) dst(%dma_wait3A_465 : memref<128x160xf32, #tpu.memory_space<hbm>>)
    %dma_start3A_466 = arith.constant 3072 : i32
    %dma_start3A_467 = tpu.memref_slice %arg5[%dma_start3A_466] : memref<4096xi32, #tpu.memory_space<vmem>> -> memref<128xi32, #tpu.memory_space<vmem>>
    %dma_start3A_468 = arith.constant 0 : i32
    %dma_start3A_469 = arith.constant 0 : i32
    %dma_start3A_470 = tpu.memref_slice %arg2[%dma_start3A_468, %dma_start3A_469] : memref<16384x160xf32, #tpu.memory_space<hbm>> -> memref<16384x160xf32, #tpu.memory_space<hbm>>
    tpu.enqueue_indirect_dma source(%dma_start3A_470 : memref<16384x160xf32, #tpu.memory_space<hbm>>) target(%arg6 : memref<128x160xf32, #tpu.memory_space<vmem>>) offsets(%dma_start3A_467 : memref<128xi32, #tpu.memory_space<vmem>>) semaphore(%arg8 : memref<!tpu.dma_semaphore, #tpu.memory_space<semaphore_mem>>)
    %dma_wait3A_471 = arith.constant 2944 : i32
    %dma_wait3A_472 = tpu.memref_slice %arg5[%dma_wait3A_471] : memref<4096xi32, #tpu.memory_space<vmem>> -> memref<128xi32, #tpu.memory_space<vmem>>
    %dma_wait3A_473 = arith.constant 0 : i32
    %dma_wait3A_474 = arith.constant 0 : i32
    %dma_wait3A_475 = tpu.memref_slice %arg2[%dma_wait3A_473, %dma_wait3A_474] : memref<16384x160xf32, #tpu.memory_space<hbm>> -> memref<16384x160xf32, #tpu.memory_space<hbm>>
    tpu.wait_indirect_dma semaphore(%arg9 : memref<!tpu.dma_semaphore, #tpu.memory_space<semaphore_mem>>) src(%dma_wait3A_475 : memref<16384x160xf32, #tpu.memory_space<hbm>>) dst(%arg7 : memref<128x160xf32, #tpu.memory_space<vmem>>)
    %add3A_476 = arith.constant 2944 : i32
    %add3A_477 = arith.addi %mul3A_2, %add3A_476 : i32
    %dma_start3A_478 = arith.constant 0 : i32
    %dma_start3A_479 = tpu.memref_slice %arg4[%add3A_477, %dma_start3A_478] : memref<131072x160xf32, #tpu.memory_space<hbm>> -> memref<128x160xf32, #tpu.memory_space<hbm>>
    %dma_start3A_480 = arith.constant 0 : i32
    %dma_start3A_481 = tpu.memref_slice %arg4[%add3A_477, %dma_start3A_480] : memref<131072x160xf32, #tpu.memory_space<hbm>> -> memref<128x160xf32, #tpu.memory_space<hbm>>
    tpu.enqueue_dma source(%arg7 : memref<128x160xf32, #tpu.memory_space<vmem>>) target(%dma_start3A_481 : memref<128x160xf32, #tpu.memory_space<hbm>>) target_semaphore(%arg11 : memref<!tpu.dma_semaphore, #tpu.memory_space<semaphore_mem>>)
    %dma_wait3A_482 = arith.constant 0 : i32
    %dma_wait3A_483 = tpu.memref_slice %arg4[%add3A_477, %dma_wait3A_482] : memref<131072x160xf32, #tpu.memory_space<hbm>> -> memref<128x160xf32, #tpu.memory_space<hbm>>
    %dma_wait3A_484 = arith.constant 0 : i32
    %dma_wait3A_485 = tpu.memref_slice %arg4[%add3A_477, %dma_wait3A_484] : memref<131072x160xf32, #tpu.memory_space<hbm>> -> memref<128x160xf32, #tpu.memory_space<hbm>>
    tpu.wait_dma2 semaphore(%arg11 : memref<!tpu.dma_semaphore, #tpu.memory_space<semaphore_mem>>) src(%arg7 : memref<128x160xf32, #tpu.memory_space<vmem>>) dst(%dma_wait3A_485 : memref<128x160xf32, #tpu.memory_space<hbm>>)
    %dma_start3A_486 = arith.constant 3200 : i32
    %dma_start3A_487 = tpu.memref_slice %arg5[%dma_start3A_486] : memref<4096xi32, #tpu.memory_space<vmem>> -> memref<128xi32, #tpu.memory_space<vmem>>
    %dma_start3A_488 = arith.constant 0 : i32
    %dma_start3A_489 = arith.constant 0 : i32
    %dma_start3A_490 = tpu.memref_slice %arg2[%dma_start3A_488, %dma_start3A_489] : memref<16384x160xf32, #tpu.memory_space<hbm>> -> memref<16384x160xf32, #tpu.memory_space<hbm>>
    tpu.enqueue_indirect_dma source(%dma_start3A_490 : memref<16384x160xf32, #tpu.memory_space<hbm>>) target(%arg7 : memref<128x160xf32, #tpu.memory_space<vmem>>) offsets(%dma_start3A_487 : memref<128xi32, #tpu.memory_space<vmem>>) semaphore(%arg9 : memref<!tpu.dma_semaphore, #tpu.memory_space<semaphore_mem>>)
    %dma_wait3A_491 = arith.constant 3072 : i32
    %dma_wait3A_492 = tpu.memref_slice %arg5[%dma_wait3A_491] : memref<4096xi32, #tpu.memory_space<vmem>> -> memref<128xi32, #tpu.memory_space<vmem>>
    %dma_wait3A_493 = arith.constant 0 : i32
    %dma_wait3A_494 = arith.constant 0 : i32
    %dma_wait3A_495 = tpu.memref_slice %arg2[%dma_wait3A_493, %dma_wait3A_494] : memref<16384x160xf32, #tpu.memory_space<hbm>> -> memref<16384x160xf32, #tpu.memory_space<hbm>>
    tpu.wait_indirect_dma semaphore(%arg8 : memref<!tpu.dma_semaphore, #tpu.memory_space<semaphore_mem>>) src(%dma_wait3A_495 : memref<16384x160xf32, #tpu.memory_space<hbm>>) dst(%arg6 : memref<128x160xf32, #tpu.memory_space<vmem>>)
    %add3A_496 = arith.constant 3072 : i32
    %add3A_497 = arith.addi %mul3A_2, %add3A_496 : i32
    %dma_start3A_498 = arith.constant 0 : i32
    %dma_start3A_499 = tpu.memref_slice %arg4[%add3A_497, %dma_start3A_498] : memref<131072x160xf32, #tpu.memory_space<hbm>> -> memref<128x160xf32, #tpu.memory_space<hbm>>
    %dma_start3A_500 = arith.constant 0 : i32
    %dma_start3A_501 = tpu.memref_slice %arg4[%add3A_497, %dma_start3A_500] : memref<131072x160xf32, #tpu.memory_space<hbm>> -> memref<128x160xf32, #tpu.memory_space<hbm>>
    tpu.enqueue_dma source(%arg6 : memref<128x160xf32, #tpu.memory_space<vmem>>) target(%dma_start3A_501 : memref<128x160xf32, #tpu.memory_space<hbm>>) target_semaphore(%arg10 : memref<!tpu.dma_semaphore, #tpu.memory_space<semaphore_mem>>)
    %dma_wait3A_502 = arith.constant 0 : i32
    %dma_wait3A_503 = tpu.memref_slice %arg4[%add3A_497, %dma_wait3A_502] : memref<131072x160xf32, #tpu.memory_space<hbm>> -> memref<128x160xf32, #tpu.memory_space<hbm>>
    %dma_wait3A_504 = arith.constant 0 : i32
    %dma_wait3A_505 = tpu.memref_slice %arg4[%add3A_497, %dma_wait3A_504] : memref<131072x160xf32, #tpu.memory_space<hbm>> -> memref<128x160xf32, #tpu.memory_space<hbm>>
    tpu.wait_dma2 semaphore(%arg10 : memref<!tpu.dma_semaphore, #tpu.memory_space<semaphore_mem>>) src(%arg6 : memref<128x160xf32, #tpu.memory_space<vmem>>) dst(%dma_wait3A_505 : memref<128x160xf32, #tpu.memory_space<hbm>>)
    %dma_start3A_506 = arith.constant 3328 : i32
    %dma_start3A_507 = tpu.memref_slice %arg5[%dma_start3A_506] : memref<4096xi32, #tpu.memory_space<vmem>> -> memref<128xi32, #tpu.memory_space<vmem>>
    %dma_start3A_508 = arith.constant 0 : i32
    %dma_start3A_509 = arith.constant 0 : i32
    %dma_start3A_510 = tpu.memref_slice %arg2[%dma_start3A_508, %dma_start3A_509] : memref<16384x160xf32, #tpu.memory_space<hbm>> -> memref<16384x160xf32, #tpu.memory_space<hbm>>
    tpu.enqueue_indirect_dma source(%dma_start3A_510 : memref<16384x160xf32, #tpu.memory_space<hbm>>) target(%arg6 : memref<128x160xf32, #tpu.memory_space<vmem>>) offsets(%dma_start3A_507 : memref<128xi32, #tpu.memory_space<vmem>>) semaphore(%arg8 : memref<!tpu.dma_semaphore, #tpu.memory_space<semaphore_mem>>)
    %dma_wait3A_511 = arith.constant 3200 : i32
    %dma_wait3A_512 = tpu.memref_slice %arg5[%dma_wait3A_511] : memref<4096xi32, #tpu.memory_space<vmem>> -> memref<128xi32, #tpu.memory_space<vmem>>
    %dma_wait3A_513 = arith.constant 0 : i32
    %dma_wait3A_514 = arith.constant 0 : i32
    %dma_wait3A_515 = tpu.memref_slice %arg2[%dma_wait3A_513, %dma_wait3A_514] : memref<16384x160xf32, #tpu.memory_space<hbm>> -> memref<16384x160xf32, #tpu.memory_space<hbm>>
    tpu.wait_indirect_dma semaphore(%arg9 : memref<!tpu.dma_semaphore, #tpu.memory_space<semaphore_mem>>) src(%dma_wait3A_515 : memref<16384x160xf32, #tpu.memory_space<hbm>>) dst(%arg7 : memref<128x160xf32, #tpu.memory_space<vmem>>)
    %add3A_516 = arith.constant 3200 : i32
    %add3A_517 = arith.addi %mul3A_2, %add3A_516 : i32
    %dma_start3A_518 = arith.constant 0 : i32
    %dma_start3A_519 = tpu.memref_slice %arg4[%add3A_517, %dma_start3A_518] : memref<131072x160xf32, #tpu.memory_space<hbm>> -> memref<128x160xf32, #tpu.memory_space<hbm>>
    %dma_start3A_520 = arith.constant 0 : i32
    %dma_start3A_521 = tpu.memref_slice %arg4[%add3A_517, %dma_start3A_520] : memref<131072x160xf32, #tpu.memory_space<hbm>> -> memref<128x160xf32, #tpu.memory_space<hbm>>
    tpu.enqueue_dma source(%arg7 : memref<128x160xf32, #tpu.memory_space<vmem>>) target(%dma_start3A_521 : memref<128x160xf32, #tpu.memory_space<hbm>>) target_semaphore(%arg11 : memref<!tpu.dma_semaphore, #tpu.memory_space<semaphore_mem>>)
    %dma_wait3A_522 = arith.constant 0 : i32
    %dma_wait3A_523 = tpu.memref_slice %arg4[%add3A_517, %dma_wait3A_522] : memref<131072x160xf32, #tpu.memory_space<hbm>> -> memref<128x160xf32, #tpu.memory_space<hbm>>
    %dma_wait3A_524 = arith.constant 0 : i32
    %dma_wait3A_525 = tpu.memref_slice %arg4[%add3A_517, %dma_wait3A_524] : memref<131072x160xf32, #tpu.memory_space<hbm>> -> memref<128x160xf32, #tpu.memory_space<hbm>>
    tpu.wait_dma2 semaphore(%arg11 : memref<!tpu.dma_semaphore, #tpu.memory_space<semaphore_mem>>) src(%arg7 : memref<128x160xf32, #tpu.memory_space<vmem>>) dst(%dma_wait3A_525 : memref<128x160xf32, #tpu.memory_space<hbm>>)
    %dma_start3A_526 = arith.constant 3456 : i32
    %dma_start3A_527 = tpu.memref_slice %arg5[%dma_start3A_526] : memref<4096xi32, #tpu.memory_space<vmem>> -> memref<128xi32, #tpu.memory_space<vmem>>
    %dma_start3A_528 = arith.constant 0 : i32
    %dma_start3A_529 = arith.constant 0 : i32
    %dma_start3A_530 = tpu.memref_slice %arg2[%dma_start3A_528, %dma_start3A_529] : memref<16384x160xf32, #tpu.memory_space<hbm>> -> memref<16384x160xf32, #tpu.memory_space<hbm>>
    tpu.enqueue_indirect_dma source(%dma_start3A_530 : memref<16384x160xf32, #tpu.memory_space<hbm>>) target(%arg7 : memref<128x160xf32, #tpu.memory_space<vmem>>) offsets(%dma_start3A_527 : memref<128xi32, #tpu.memory_space<vmem>>) semaphore(%arg9 : memref<!tpu.dma_semaphore, #tpu.memory_space<semaphore_mem>>)
    %dma_wait3A_531 = arith.constant 3328 : i32
    %dma_wait3A_532 = tpu.memref_slice %arg5[%dma_wait3A_531] : memref<4096xi32, #tpu.memory_space<vmem>> -> memref<128xi32, #tpu.memory_space<vmem>>
    %dma_wait3A_533 = arith.constant 0 : i32
    %dma_wait3A_534 = arith.constant 0 : i32
    %dma_wait3A_535 = tpu.memref_slice %arg2[%dma_wait3A_533, %dma_wait3A_534] : memref<16384x160xf32, #tpu.memory_space<hbm>> -> memref<16384x160xf32, #tpu.memory_space<hbm>>
    tpu.wait_indirect_dma semaphore(%arg8 : memref<!tpu.dma_semaphore, #tpu.memory_space<semaphore_mem>>) src(%dma_wait3A_535 : memref<16384x160xf32, #tpu.memory_space<hbm>>) dst(%arg6 : memref<128x160xf32, #tpu.memory_space<vmem>>)
    %add3A_536 = arith.constant 3328 : i32
    %add3A_537 = arith.addi %mul3A_2, %add3A_536 : i32
    %dma_start3A_538 = arith.constant 0 : i32
    %dma_start3A_539 = tpu.memref_slice %arg4[%add3A_537, %dma_start3A_538] : memref<131072x160xf32, #tpu.memory_space<hbm>> -> memref<128x160xf32, #tpu.memory_space<hbm>>
    %dma_start3A_540 = arith.constant 0 : i32
    %dma_start3A_541 = tpu.memref_slice %arg4[%add3A_537, %dma_start3A_540] : memref<131072x160xf32, #tpu.memory_space<hbm>> -> memref<128x160xf32, #tpu.memory_space<hbm>>
    tpu.enqueue_dma source(%arg6 : memref<128x160xf32, #tpu.memory_space<vmem>>) target(%dma_start3A_541 : memref<128x160xf32, #tpu.memory_space<hbm>>) target_semaphore(%arg10 : memref<!tpu.dma_semaphore, #tpu.memory_space<semaphore_mem>>)
    %dma_wait3A_542 = arith.constant 0 : i32
    %dma_wait3A_543 = tpu.memref_slice %arg4[%add3A_537, %dma_wait3A_542] : memref<131072x160xf32, #tpu.memory_space<hbm>> -> memref<128x160xf32, #tpu.memory_space<hbm>>
    %dma_wait3A_544 = arith.constant 0 : i32
    %dma_wait3A_545 = tpu.memref_slice %arg4[%add3A_537, %dma_wait3A_544] : memref<131072x160xf32, #tpu.memory_space<hbm>> -> memref<128x160xf32, #tpu.memory_space<hbm>>
    tpu.wait_dma2 semaphore(%arg10 : memref<!tpu.dma_semaphore, #tpu.memory_space<semaphore_mem>>) src(%arg6 : memref<128x160xf32, #tpu.memory_space<vmem>>) dst(%dma_wait3A_545 : memref<128x160xf32, #tpu.memory_space<hbm>>)
    %dma_start3A_546 = arith.constant 3584 : i32
    %dma_start3A_547 = tpu.memref_slice %arg5[%dma_start3A_546] : memref<4096xi32, #tpu.memory_space<vmem>> -> memref<128xi32, #tpu.memory_space<vmem>>
    %dma_start3A_548 = arith.constant 0 : i32
    %dma_start3A_549 = arith.constant 0 : i32
    %dma_start3A_550 = tpu.memref_slice %arg2[%dma_start3A_548, %dma_start3A_549] : memref<16384x160xf32, #tpu.memory_space<hbm>> -> memref<16384x160xf32, #tpu.memory_space<hbm>>
    tpu.enqueue_indirect_dma source(%dma_start3A_550 : memref<16384x160xf32, #tpu.memory_space<hbm>>) target(%arg6 : memref<128x160xf32, #tpu.memory_space<vmem>>) offsets(%dma_start3A_547 : memref<128xi32, #tpu.memory_space<vmem>>) semaphore(%arg8 : memref<!tpu.dma_semaphore, #tpu.memory_space<semaphore_mem>>)
    %dma_wait3A_551 = arith.constant 3456 : i32
    %dma_wait3A_552 = tpu.memref_slice %arg5[%dma_wait3A_551] : memref<4096xi32, #tpu.memory_space<vmem>> -> memref<128xi32, #tpu.memory_space<vmem>>
    %dma_wait3A_553 = arith.constant 0 : i32
    %dma_wait3A_554 = arith.constant 0 : i32
    %dma_wait3A_555 = tpu.memref_slice %arg2[%dma_wait3A_553, %dma_wait3A_554] : memref<16384x160xf32, #tpu.memory_space<hbm>> -> memref<16384x160xf32, #tpu.memory_space<hbm>>
    tpu.wait_indirect_dma semaphore(%arg9 : memref<!tpu.dma_semaphore, #tpu.memory_space<semaphore_mem>>) src(%dma_wait3A_555 : memref<16384x160xf32, #tpu.memory_space<hbm>>) dst(%arg7 : memref<128x160xf32, #tpu.memory_space<vmem>>)
    %add3A_556 = arith.constant 3456 : i32
    %add3A_557 = arith.addi %mul3A_2, %add3A_556 : i32
    %dma_start3A_558 = arith.constant 0 : i32
    %dma_start3A_559 = tpu.memref_slice %arg4[%add3A_557, %dma_start3A_558] : memref<131072x160xf32, #tpu.memory_space<hbm>> -> memref<128x160xf32, #tpu.memory_space<hbm>>
    %dma_start3A_560 = arith.constant 0 : i32
    %dma_start3A_561 = tpu.memref_slice %arg4[%add3A_557, %dma_start3A_560] : memref<131072x160xf32, #tpu.memory_space<hbm>> -> memref<128x160xf32, #tpu.memory_space<hbm>>
    tpu.enqueue_dma source(%arg7 : memref<128x160xf32, #tpu.memory_space<vmem>>) target(%dma_start3A_561 : memref<128x160xf32, #tpu.memory_space<hbm>>) target_semaphore(%arg11 : memref<!tpu.dma_semaphore, #tpu.memory_space<semaphore_mem>>)
    %dma_wait3A_562 = arith.constant 0 : i32
    %dma_wait3A_563 = tpu.memref_slice %arg4[%add3A_557, %dma_wait3A_562] : memref<131072x160xf32, #tpu.memory_space<hbm>> -> memref<128x160xf32, #tpu.memory_space<hbm>>
    %dma_wait3A_564 = arith.constant 0 : i32
    %dma_wait3A_565 = tpu.memref_slice %arg4[%add3A_557, %dma_wait3A_564] : memref<131072x160xf32, #tpu.memory_space<hbm>> -> memref<128x160xf32, #tpu.memory_space<hbm>>
    tpu.wait_dma2 semaphore(%arg11 : memref<!tpu.dma_semaphore, #tpu.memory_space<semaphore_mem>>) src(%arg7 : memref<128x160xf32, #tpu.memory_space<vmem>>) dst(%dma_wait3A_565 : memref<128x160xf32, #tpu.memory_space<hbm>>)
    %dma_start3A_566 = arith.constant 3712 : i32
    %dma_start3A_567 = tpu.memref_slice %arg5[%dma_start3A_566] : memref<4096xi32, #tpu.memory_space<vmem>> -> memref<128xi32, #tpu.memory_space<vmem>>
    %dma_start3A_568 = arith.constant 0 : i32
    %dma_start3A_569 = arith.constant 0 : i32
    %dma_start3A_570 = tpu.memref_slice %arg2[%dma_start3A_568, %dma_start3A_569] : memref<16384x160xf32, #tpu.memory_space<hbm>> -> memref<16384x160xf32, #tpu.memory_space<hbm>>
    tpu.enqueue_indirect_dma source(%dma_start3A_570 : memref<16384x160xf32, #tpu.memory_space<hbm>>) target(%arg7 : memref<128x160xf32, #tpu.memory_space<vmem>>) offsets(%dma_start3A_567 : memref<128xi32, #tpu.memory_space<vmem>>) semaphore(%arg9 : memref<!tpu.dma_semaphore, #tpu.memory_space<semaphore_mem>>)
    %dma_wait3A_571 = arith.constant 3584 : i32
    %dma_wait3A_572 = tpu.memref_slice %arg5[%dma_wait3A_571] : memref<4096xi32, #tpu.memory_space<vmem>> -> memref<128xi32, #tpu.memory_space<vmem>>
    %dma_wait3A_573 = arith.constant 0 : i32
    %dma_wait3A_574 = arith.constant 0 : i32
    %dma_wait3A_575 = tpu.memref_slice %arg2[%dma_wait3A_573, %dma_wait3A_574] : memref<16384x160xf32, #tpu.memory_space<hbm>> -> memref<16384x160xf32, #tpu.memory_space<hbm>>
    tpu.wait_indirect_dma semaphore(%arg8 : memref<!tpu.dma_semaphore, #tpu.memory_space<semaphore_mem>>) src(%dma_wait3A_575 : memref<16384x160xf32, #tpu.memory_space<hbm>>) dst(%arg6 : memref<128x160xf32, #tpu.memory_space<vmem>>)
    %add3A_576 = arith.constant 3584 : i32
    %add3A_577 = arith.addi %mul3A_2, %add3A_576 : i32
    %dma_start3A_578 = arith.constant 0 : i32
    %dma_start3A_579 = tpu.memref_slice %arg4[%add3A_577, %dma_start3A_578] : memref<131072x160xf32, #tpu.memory_space<hbm>> -> memref<128x160xf32, #tpu.memory_space<hbm>>
    %dma_start3A_580 = arith.constant 0 : i32
    %dma_start3A_581 = tpu.memref_slice %arg4[%add3A_577, %dma_start3A_580] : memref<131072x160xf32, #tpu.memory_space<hbm>> -> memref<128x160xf32, #tpu.memory_space<hbm>>
    tpu.enqueue_dma source(%arg6 : memref<128x160xf32, #tpu.memory_space<vmem>>) target(%dma_start3A_581 : memref<128x160xf32, #tpu.memory_space<hbm>>) target_semaphore(%arg10 : memref<!tpu.dma_semaphore, #tpu.memory_space<semaphore_mem>>)
    %dma_wait3A_582 = arith.constant 0 : i32
    %dma_wait3A_583 = tpu.memref_slice %arg4[%add3A_577, %dma_wait3A_582] : memref<131072x160xf32, #tpu.memory_space<hbm>> -> memref<128x160xf32, #tpu.memory_space<hbm>>
    %dma_wait3A_584 = arith.constant 0 : i32
    %dma_wait3A_585 = tpu.memref_slice %arg4[%add3A_577, %dma_wait3A_584] : memref<131072x160xf32, #tpu.memory_space<hbm>> -> memref<128x160xf32, #tpu.memory_space<hbm>>
    tpu.wait_dma2 semaphore(%arg10 : memref<!tpu.dma_semaphore, #tpu.memory_space<semaphore_mem>>) src(%arg6 : memref<128x160xf32, #tpu.memory_space<vmem>>) dst(%dma_wait3A_585 : memref<128x160xf32, #tpu.memory_space<hbm>>)
    %dma_start3A_586 = arith.constant 3840 : i32
    %dma_start3A_587 = tpu.memref_slice %arg5[%dma_start3A_586] : memref<4096xi32, #tpu.memory_space<vmem>> -> memref<128xi32, #tpu.memory_space<vmem>>
    %dma_start3A_588 = arith.constant 0 : i32
    %dma_start3A_589 = arith.constant 0 : i32
    %dma_start3A_590 = tpu.memref_slice %arg2[%dma_start3A_588, %dma_start3A_589] : memref<16384x160xf32, #tpu.memory_space<hbm>> -> memref<16384x160xf32, #tpu.memory_space<hbm>>
    tpu.enqueue_indirect_dma source(%dma_start3A_590 : memref<16384x160xf32, #tpu.memory_space<hbm>>) target(%arg6 : memref<128x160xf32, #tpu.memory_space<vmem>>) offsets(%dma_start3A_587 : memref<128xi32, #tpu.memory_space<vmem>>) semaphore(%arg8 : memref<!tpu.dma_semaphore, #tpu.memory_space<semaphore_mem>>)
    %dma_wait3A_591 = arith.constant 3712 : i32
    %dma_wait3A_592 = tpu.memref_slice %arg5[%dma_wait3A_591] : memref<4096xi32, #tpu.memory_space<vmem>> -> memref<128xi32, #tpu.memory_space<vmem>>
    %dma_wait3A_593 = arith.constant 0 : i32
    %dma_wait3A_594 = arith.constant 0 : i32
    %dma_wait3A_595 = tpu.memref_slice %arg2[%dma_wait3A_593, %dma_wait3A_594] : memref<16384x160xf32, #tpu.memory_space<hbm>> -> memref<16384x160xf32, #tpu.memory_space<hbm>>
    tpu.wait_indirect_dma semaphore(%arg9 : memref<!tpu.dma_semaphore, #tpu.memory_space<semaphore_mem>>) src(%dma_wait3A_595 : memref<16384x160xf32, #tpu.memory_space<hbm>>) dst(%arg7 : memref<128x160xf32, #tpu.memory_space<vmem>>)
    %add3A_596 = arith.constant 3712 : i32
    %add3A_597 = arith.addi %mul3A_2, %add3A_596 : i32
    %dma_start3A_598 = arith.constant 0 : i32
    %dma_start3A_599 = tpu.memref_slice %arg4[%add3A_597, %dma_start3A_598] : memref<131072x160xf32, #tpu.memory_space<hbm>> -> memref<128x160xf32, #tpu.memory_space<hbm>>
    %dma_start3A_600 = arith.constant 0 : i32
    %dma_start3A_601 = tpu.memref_slice %arg4[%add3A_597, %dma_start3A_600] : memref<131072x160xf32, #tpu.memory_space<hbm>> -> memref<128x160xf32, #tpu.memory_space<hbm>>
    tpu.enqueue_dma source(%arg7 : memref<128x160xf32, #tpu.memory_space<vmem>>) target(%dma_start3A_601 : memref<128x160xf32, #tpu.memory_space<hbm>>) target_semaphore(%arg11 : memref<!tpu.dma_semaphore, #tpu.memory_space<semaphore_mem>>)
    %dma_wait3A_602 = arith.constant 0 : i32
    %dma_wait3A_603 = tpu.memref_slice %arg4[%add3A_597, %dma_wait3A_602] : memref<131072x160xf32, #tpu.memory_space<hbm>> -> memref<128x160xf32, #tpu.memory_space<hbm>>
    %dma_wait3A_604 = arith.constant 0 : i32
    %dma_wait3A_605 = tpu.memref_slice %arg4[%add3A_597, %dma_wait3A_604] : memref<131072x160xf32, #tpu.memory_space<hbm>> -> memref<128x160xf32, #tpu.memory_space<hbm>>
    tpu.wait_dma2 semaphore(%arg11 : memref<!tpu.dma_semaphore, #tpu.memory_space<semaphore_mem>>) src(%arg7 : memref<128x160xf32, #tpu.memory_space<vmem>>) dst(%dma_wait3A_605 : memref<128x160xf32, #tpu.memory_space<hbm>>)
    %dma_start3A_606 = arith.constant 3968 : i32
    %dma_start3A_607 = tpu.memref_slice %arg5[%dma_start3A_606] : memref<4096xi32, #tpu.memory_space<vmem>> -> memref<128xi32, #tpu.memory_space<vmem>>
    %dma_start3A_608 = arith.constant 0 : i32
    %dma_start3A_609 = arith.constant 0 : i32
    %dma_start3A_610 = tpu.memref_slice %arg2[%dma_start3A_608, %dma_start3A_609] : memref<16384x160xf32, #tpu.memory_space<hbm>> -> memref<16384x160xf32, #tpu.memory_space<hbm>>
    tpu.enqueue_indirect_dma source(%dma_start3A_610 : memref<16384x160xf32, #tpu.memory_space<hbm>>) target(%arg7 : memref<128x160xf32, #tpu.memory_space<vmem>>) offsets(%dma_start3A_607 : memref<128xi32, #tpu.memory_space<vmem>>) semaphore(%arg9 : memref<!tpu.dma_semaphore, #tpu.memory_space<semaphore_mem>>)
    %dma_wait3A_611 = arith.constant 3840 : i32
    %dma_wait3A_612 = tpu.memref_slice %arg5[%dma_wait3A_611] : memref<4096xi32, #tpu.memory_space<vmem>> -> memref<128xi32, #tpu.memory_space<vmem>>
    %dma_wait3A_613 = arith.constant 0 : i32
    %dma_wait3A_614 = arith.constant 0 : i32
    %dma_wait3A_615 = tpu.memref_slice %arg2[%dma_wait3A_613, %dma_wait3A_614] : memref<16384x160xf32, #tpu.memory_space<hbm>> -> memref<16384x160xf32, #tpu.memory_space<hbm>>
    tpu.wait_indirect_dma semaphore(%arg8 : memref<!tpu.dma_semaphore, #tpu.memory_space<semaphore_mem>>) src(%dma_wait3A_615 : memref<16384x160xf32, #tpu.memory_space<hbm>>) dst(%arg6 : memref<128x160xf32, #tpu.memory_space<vmem>>)
    %add3A_616 = arith.constant 3840 : i32
    %add3A_617 = arith.addi %mul3A_2, %add3A_616 : i32
    %dma_start3A_618 = arith.constant 0 : i32
    %dma_start3A_619 = tpu.memref_slice %arg4[%add3A_617, %dma_start3A_618] : memref<131072x160xf32, #tpu.memory_space<hbm>> -> memref<128x160xf32, #tpu.memory_space<hbm>>
    %dma_start3A_620 = arith.constant 0 : i32
    %dma_start3A_621 = tpu.memref_slice %arg4[%add3A_617, %dma_start3A_620] : memref<131072x160xf32, #tpu.memory_space<hbm>> -> memref<128x160xf32, #tpu.memory_space<hbm>>
    tpu.enqueue_dma source(%arg6 : memref<128x160xf32, #tpu.memory_space<vmem>>) target(%dma_start3A_621 : memref<128x160xf32, #tpu.memory_space<hbm>>) target_semaphore(%arg10 : memref<!tpu.dma_semaphore, #tpu.memory_space<semaphore_mem>>)
    %dma_wait3A_622 = arith.constant 3968 : i32
    %dma_wait3A_623 = tpu.memref_slice %arg5[%dma_wait3A_622] : memref<4096xi32, #tpu.memory_space<vmem>> -> memref<128xi32, #tpu.memory_space<vmem>>
    %dma_wait3A_624 = arith.constant 0 : i32
    %dma_wait3A_625 = arith.constant 0 : i32
    %dma_wait3A_626 = tpu.memref_slice %arg2[%dma_wait3A_624, %dma_wait3A_625] : memref<16384x160xf32, #tpu.memory_space<hbm>> -> memref<16384x160xf32, #tpu.memory_space<hbm>>
    tpu.wait_indirect_dma semaphore(%arg9 : memref<!tpu.dma_semaphore, #tpu.memory_space<semaphore_mem>>) src(%dma_wait3A_626 : memref<16384x160xf32, #tpu.memory_space<hbm>>) dst(%arg7 : memref<128x160xf32, #tpu.memory_space<vmem>>)
    %add3A_627 = arith.constant 3968 : i32
    %add3A_628 = arith.addi %mul3A_2, %add3A_627 : i32
    %dma_start3A_629 = arith.constant 0 : i32
    %dma_start3A_630 = tpu.memref_slice %arg4[%add3A_628, %dma_start3A_629] : memref<131072x160xf32, #tpu.memory_space<hbm>> -> memref<128x160xf32, #tpu.memory_space<hbm>>
    %dma_start3A_631 = arith.constant 0 : i32
    %dma_start3A_632 = tpu.memref_slice %arg4[%add3A_628, %dma_start3A_631] : memref<131072x160xf32, #tpu.memory_space<hbm>> -> memref<128x160xf32, #tpu.memory_space<hbm>>
    tpu.enqueue_dma source(%arg7 : memref<128x160xf32, #tpu.memory_space<vmem>>) target(%dma_start3A_632 : memref<128x160xf32, #tpu.memory_space<hbm>>) target_semaphore(%arg11 : memref<!tpu.dma_semaphore, #tpu.memory_space<semaphore_mem>>)
    %dma_wait3A_633 = arith.constant 0 : i32
    %dma_wait3A_634 = tpu.memref_slice %arg4[%add3A_617, %dma_wait3A_633] : memref<131072x160xf32, #tpu.memory_space<hbm>> -> memref<128x160xf32, #tpu.memory_space<hbm>>
    %dma_wait3A_635 = arith.constant 0 : i32
    %dma_wait3A_636 = tpu.memref_slice %arg4[%add3A_617, %dma_wait3A_635] : memref<131072x160xf32, #tpu.memory_space<hbm>> -> memref<128x160xf32, #tpu.memory_space<hbm>>
    tpu.wait_dma2 semaphore(%arg10 : memref<!tpu.dma_semaphore, #tpu.memory_space<semaphore_mem>>) src(%arg6 : memref<128x160xf32, #tpu.memory_space<vmem>>) dst(%dma_wait3A_636 : memref<128x160xf32, #tpu.memory_space<hbm>>)
    %dma_wait3A_637 = arith.constant 0 : i32
    %dma_wait3A_638 = tpu.memref_slice %arg4[%add3A_628, %dma_wait3A_637] : memref<131072x160xf32, #tpu.memory_space<hbm>> -> memref<128x160xf32, #tpu.memory_space<hbm>>
    %dma_wait3A_639 = arith.constant 0 : i32
    %dma_wait3A_640 = tpu.memref_slice %arg4[%add3A_628, %dma_wait3A_639] : memref<131072x160xf32, #tpu.memory_space<hbm>> -> memref<128x160xf32, #tpu.memory_space<hbm>>
    tpu.wait_dma2 semaphore(%arg11 : memref<!tpu.dma_semaphore, #tpu.memory_space<semaphore_mem>>) src(%arg7 : memref<128x160xf32, #tpu.memory_space<vmem>>) dst(%dma_wait3A_640 : memref<128x160xf32, #tpu.memory_space<hbm>>)
    return
  }
}

module attributes {stable_mosaic.version = 14 : i64} {
  func.func @_table_kernel(%arg0: i32, %arg1: memref<1024x128xf32, #tpu.memory_space<vmem>>, %arg2: memref<1024x3xf32, #tpu.memory_space<vmem>>, %arg3: memref<128x320xf32, #tpu.memory_space<vmem>>, %arg4: memref<35x64xf32, #tpu.memory_space<vmem>>, %arg5: memref<1x10xf32, #tpu.memory_space<vmem>>, %arg6: memref<1x5xf32, #tpu.memory_space<vmem>>, %arg7: memref<1024x160xf32, #tpu.memory_space<vmem>>) attributes {dimension_semantics = [#tpu.dimension_semantics<arbitrary>], iteration_bounds = array<i64: 16>, scalar_prefetch = 0 : i64, scratch_operands = 0 : i64, tpu.core_type = #tpu.core_type<tc>, window_params = [{transform_indices = @transform_0, window_bounds = array<i64: 1024, 128>}, {transform_indices = @transform_1, window_bounds = array<i64: 1024, 3>}, {pipeline_mode = #tpu.pipeline_mode<synchronous>, transform_indices = @transform_2, window_bounds = array<i64: 128, 320>}, {pipeline_mode = #tpu.pipeline_mode<synchronous>, transform_indices = @transform_3, window_bounds = array<i64: 35, 64>}, {pipeline_mode = #tpu.pipeline_mode<synchronous>, transform_indices = @transform_4, window_bounds = array<i64: 1, 10>}, {pipeline_mode = #tpu.pipeline_mode<synchronous>, transform_indices = @transform_5, window_bounds = array<i64: 1, 5>}, {transform_indices = @transform_6, window_bounds = array<i64: 1024, 160>}]} {
    %get3A = arith.constant 0 : index
    %get3A_0 = arith.constant 0 : index
    %get3A_1 = vector.load %arg1[%get3A, %get3A_0] : memref<1024x128xf32, #tpu.memory_space<vmem>>, vector<1024x128xf32>
    %get3A_2 = arith.constant 0 : index
    %get3A_3 = arith.constant 0 : index
    %get3A_4 = vector.load %arg3[%get3A_2, %get3A_3] : memref<128x320xf32, #tpu.memory_space<vmem>>, vector<128x128xf32>
    %dot_general3A = arith.constant dense<0.000000e+00> : vector<1024x128xf32>
    %dot_general3A_5 = tpu.matmul %get3A_1, %get3A_4, %dot_general3A {dimension_numbers = #tpu.dot_dimension_numbers<[1], [0], [0], [1], [0, 0, 1, 1], [], []>, transpose_lhs_hint = false} : vector<1024x128xf32>, vector<128x128xf32>, vector<1024x128xf32> -> vector<1024x128xf32>
    %get3A_6 = arith.constant 0 : index
    %get3A_7 = arith.constant 0 : index
    %get3A_8 = vector.load %arg2[%get3A_6, %get3A_7] : memref<1024x3xf32, #tpu.memory_space<vmem>>, vector<1024x3xf32>
    %slice3A = vector.extract_strided_slice %get3A_8 {offsets = [0, 0], sizes = [1024, 1], strides = [1, 1]} : vector<1024x3xf32> to vector<1024x1xf32>
    %slice3A_9 = vector.extract_strided_slice %get3A_8 {offsets = [0, 1], sizes = [1024, 1], strides = [1, 1]} : vector<1024x3xf32> to vector<1024x1xf32>
    %slice3A_10 = vector.extract_strided_slice %get3A_8 {offsets = [0, 2], sizes = [1024, 1], strides = [1, 1]} : vector<1024x3xf32> to vector<1024x1xf32>
    %broadcast_in_dim3A = vector.shape_cast %slice3A : vector<1024x1xf32> to vector<1024x1xf32>
    %broadcast_in_dim3A_11 = vector.broadcast %broadcast_in_dim3A : vector<1024x1xf32> to vector<1024x5xf32>
    %broadcast_in_dim3A_12 = vector.shape_cast %slice3A_9 : vector<1024x1xf32> to vector<1024x1xf32>
    %broadcast_in_dim3A_13 = vector.broadcast %broadcast_in_dim3A_12 : vector<1024x1xf32> to vector<1024x5xf32>
    %concatenate3A = tpu.concatenate %broadcast_in_dim3A_11, %broadcast_in_dim3A_13 in 1 : vector<1024x5xf32>, vector<1024x5xf32> -> vector<1024x10xf32>
    %get3A_14 = arith.constant 0 : index
    %get3A_15 = arith.constant 0 : index
    %get3A_16 = vector.load %arg5[%get3A_14, %get3A_15] : memref<1x10xf32, #tpu.memory_space<vmem>>, vector<1x10xf32>
    %mul3A = vector.broadcast %get3A_16 : vector<1x10xf32> to vector<1024x10xf32>
    %mul3A_17 = arith.mulf %concatenate3A, %mul3A : vector<1024x10xf32>
    %broadcast_in_dim3A_18 = vector.shape_cast %slice3A_10 : vector<1024x1xf32> to vector<1024x1xf32>
    %broadcast_in_dim3A_19 = vector.broadcast %broadcast_in_dim3A_18 : vector<1024x1xf32> to vector<1024x5xf32>
    %get3A_20 = arith.constant 0 : index
    %get3A_21 = arith.constant 0 : index
    %get3A_22 = vector.load %arg6[%get3A_20, %get3A_21] : memref<1x5xf32, #tpu.memory_space<vmem>>, vector<1x5xf32>
    %mul3A_23 = vector.broadcast %get3A_22 : vector<1x5xf32> to vector<1024x5xf32>
    %mul3A_24 = arith.mulf %broadcast_in_dim3A_19, %mul3A_23 : vector<1024x5xf32>
    %add3A = arith.constant 1.57079637 : f32
    %add3A_25 = vector.broadcast %add3A : f32 to vector<1024x10xf32>
    %add3A_26 = arith.addf %mul3A_17, %add3A_25 : vector<1024x10xf32>
    %add3A_27 = arith.constant 1.57079637 : f32
    %add3A_28 = vector.broadcast %add3A_27 : f32 to vector<1024x5xf32>
    %add3A_29 = arith.addf %mul3A_24, %add3A_28 : vector<1024x5xf32>
    %concatenate3A_30 = tpu.concatenate %mul3A_17, %add3A_26, %mul3A_24, %add3A_29 in 1 : vector<1024x10xf32>, vector<1024x10xf32>, vector<1024x5xf32>, vector<1024x5xf32> -> vector<1024x30xf32>
    %sin3A = math.sin %concatenate3A_30 : vector<1024x30xf32>
    %slice3A_31 = vector.extract_strided_slice %sin3A {offsets = [0, 0], sizes = [1024, 20], strides = [1, 1]} : vector<1024x30xf32> to vector<1024x20xf32>
    %slice3A_32 = vector.extract_strided_slice %sin3A {offsets = [0, 20], sizes = [1024, 10], strides = [1, 1]} : vector<1024x30xf32> to vector<1024x10xf32>
    %concatenate3A_33 = tpu.concatenate %slice3A_10, %slice3A_32, %slice3A, %slice3A_9 in 1 : vector<1024x1xf32>, vector<1024x10xf32>, vector<1024x1xf32>, vector<1024x1xf32> -> vector<1024x13xf32>
    %get3A_34 = arith.constant 0 : index
    %get3A_35 = arith.constant 0 : index
    %get3A_36 = vector.load %arg4[%get3A_34, %get3A_35] : memref<35x64xf32, #tpu.memory_space<vmem>>, vector<13x64xf32>
    %dot_general3A_37 = arith.constant dense<0.000000e+00> : vector<1024x64xf32>
    %dot_general3A_38 = tpu.matmul %concatenate3A_33, %get3A_36, %dot_general3A_37 {dimension_numbers = #tpu.dot_dimension_numbers<[1], [0], [0], [1], [0, 0, 1, 1], [], []>, transpose_lhs_hint = false} : vector<1024x13xf32>, vector<13x64xf32>, vector<1024x64xf32> -> vector<1024x64xf32>
    %slice3A_39 = vector.extract_strided_slice %dot_general3A_5 {offsets = [0, 0], sizes = [1024, 64], strides = [1, 1]} : vector<1024x128xf32> to vector<1024x64xf32>
    %sub3A = arith.subf %slice3A_39, %dot_general3A_38 : vector<1024x64xf32>
    %swap3A = arith.constant 0 : index
    %swap3A_40 = arith.constant 0 : index
    %swap3A_41 = vector.load %arg7[%swap3A, %swap3A_40] : memref<1024x160xf32, #tpu.memory_space<vmem>>, vector<1024x64xf32>
    tpu.vector_store %arg7[%swap3A, %swap3A_40], %sub3A {strides = array<i32>} : memref<1024x160xf32, #tpu.memory_space<vmem>>, vector<1024x64xf32>,
    %slice3A_42 = vector.extract_strided_slice %dot_general3A_5 {offsets = [0, 64], sizes = [1024, 64], strides = [1, 1]} : vector<1024x128xf32> to vector<1024x64xf32>
    %add3A_43 = arith.addf %slice3A_42, %dot_general3A_38 : vector<1024x64xf32>
    %swap3A_44 = arith.constant 0 : index
    %swap3A_45 = arith.constant 64 : index
    %swap3A_46 = vector.load %arg7[%swap3A_44, %swap3A_45] : memref<1024x160xf32, #tpu.memory_space<vmem>>, vector<1024x64xf32>
    tpu.vector_store %arg7[%swap3A_44, %swap3A_45], %add3A_43 {strides = array<i32>} : memref<1024x160xf32, #tpu.memory_space<vmem>>, vector<1024x64xf32>,
    %swap3A_47 = arith.constant 0 : index
    %swap3A_48 = arith.constant 128 : index
    %swap3A_49 = vector.load %arg7[%swap3A_47, %swap3A_48] : memref<1024x160xf32, #tpu.memory_space<vmem>>, vector<1024x20xf32>
    tpu.vector_store %arg7[%swap3A_47, %swap3A_48], %slice3A_31 {strides = array<i32>} : memref<1024x160xf32, #tpu.memory_space<vmem>>, vector<1024x20xf32>,
    %broadcast_in_dim3A_50 = arith.constant 0.000000e+00 : f32
    %broadcast_in_dim3A_51 = vector.broadcast %broadcast_in_dim3A_50 : f32 to vector<1024x12xf32>
    %swap3A_52 = arith.constant 0 : index
    %swap3A_53 = arith.constant 148 : index
    %swap3A_54 = vector.load %arg7[%swap3A_52, %swap3A_53] : memref<1024x160xf32, #tpu.memory_space<vmem>>, vector<1024x12xf32>
    tpu.vector_store %arg7[%swap3A_52, %swap3A_53], %broadcast_in_dim3A_51 {strides = array<i32>} : memref<1024x160xf32, #tpu.memory_space<vmem>>, vector<1024x12xf32>,
    return
  }
  func.func @transform_0(%arg0: i32) -> (i32, i32) {
    %c0_i32 = arith.constant 0 : i32
    %c0_i32_0 = arith.constant 0 : i32
    return %arg0, %c0_i32 : i32, i32
  }
  func.func @transform_1(%arg0: i32) -> (i32, i32) {
    %c0_i32 = arith.constant 0 : i32
    %c0_i32_0 = arith.constant 0 : i32
    return %arg0, %c0_i32 : i32, i32
  }
  func.func @transform_2(%arg0: i32) -> (i32, i32) {
    %c0_i32 = arith.constant 0 : i32
    %c0_i32_0 = arith.constant 0 : i32
    %c0_i32_1 = arith.constant 0 : i32
    return %c0_i32, %c0_i32_0 : i32, i32
  }
  func.func @transform_3(%arg0: i32) -> (i32, i32) {
    %c0_i32 = arith.constant 0 : i32
    %c0_i32_0 = arith.constant 0 : i32
    %c0_i32_1 = arith.constant 0 : i32
    return %c0_i32, %c0_i32_0 : i32, i32
  }
  func.func @transform_4(%arg0: i32) -> (i32, i32) {
    %c0_i32 = arith.constant 0 : i32
    %c0_i32_0 = arith.constant 0 : i32
    %c0_i32_1 = arith.constant 0 : i32
    return %c0_i32, %c0_i32_0 : i32, i32
  }
  func.func @transform_5(%arg0: i32) -> (i32, i32) {
    %c0_i32 = arith.constant 0 : i32
    %c0_i32_0 = arith.constant 0 : i32
    %c0_i32_1 = arith.constant 0 : i32
    return %c0_i32, %c0_i32_0 : i32, i32
  }
  func.func @transform_6(%arg0: i32) -> (i32, i32) {
    %c0_i32 = arith.constant 0 : i32
    %c0_i32_0 = arith.constant 0 : i32
    return %arg0, %c0_i32 : i32, i32
  }
}

module attributes {stable_mosaic.version = 14 : i64} {
  func.func @_knn_kernel(%arg0: i32, %arg1: memref<256x2xf32, #tpu.memory_space<vmem>>, %arg2: memref<1x2x4096xf32, #tpu.memory_space<vmem>>, %arg3: memref<256x16xi32, #tpu.memory_space<vmem>>) attributes {dimension_semantics = [#tpu.dimension_semantics<arbitrary>], iteration_bounds = array<i64: 32>, scalar_prefetch = 0 : i64, scratch_operands = 0 : i64, tpu.core_type = #tpu.core_type<tc>, window_params = [{transform_indices = @transform_0, window_bounds = array<i64: 256, 2>}, {transform_indices = @transform_1, window_bounds = array<i64: 1, 2, 4096>}, {transform_indices = @transform_2, window_bounds = array<i64: 256, 16>}]} {
    %jit3A = arith.constant 8 : i32
    %div3A = arith.divsi %arg0, %jit3A : i32
    %sign3A = arith.constant 0 : i32
    %sign3A_0 = arith.cmpi sgt, %arg0, %sign3A : i32
    %sign3A_1 = arith.extui %sign3A_0 : i1 to i32
    %sign3A_2 = arith.constant 0 : i32
    %sign3A_3 = arith.cmpi slt, %arg0, %sign3A_2 : i32
    %sign3A_4 = arith.extui %sign3A_3 : i1 to i32
    %sign3A_5 = arith.subi %sign3A_1, %sign3A_4 : i32
    %sign3A_6 = arith.constant 0 : i32
    %sign3A_7 = arith.cmpi sgt, %jit3A, %sign3A_6 : i32
    %sign3A_8 = arith.extui %sign3A_7 : i1 to i32
    %sign3A_9 = arith.constant 0 : i32
    %sign3A_10 = arith.cmpi slt, %jit3A, %sign3A_9 : i32
    %sign3A_11 = arith.extui %sign3A_10 : i1 to i32
    %sign3A_12 = arith.subi %sign3A_8, %sign3A_11 : i32
    %ne3A = arith.cmpi ne, %sign3A_5, %sign3A_12 : i32
    %rem3A = arith.remsi %arg0, %jit3A : i32
    %ne3A_13 = arith.constant 0 : i32
    %ne3A_14 = arith.cmpi ne, %rem3A, %ne3A_13 : i32
    %and3A = arith.andi %ne3A, %ne3A_14 : i1
    %sub3A = arith.constant 1 : i32
    %sub3A_15 = arith.subi %div3A, %sub3A : i32
    %select_n3A = arith.select %and3A, %sub3A_15, %div3A : i32
    %get3A = arith.constant 0 : index
    %get3A_16 = arith.constant 0 : index
    %get3A_17 = vector.load %arg1[%get3A, %get3A_16] : memref<256x2xf32, #tpu.memory_space<vmem>>, vector<256x2xf32>
    %get3A_18 = arith.constant 0 : index
    %get3A_19 = arith.constant 0 : index
    %get3A_20 = arith.constant 0 : index
    %get3A_21 = vector.load %arg2[%get3A_18, %get3A_19, %get3A_20] : memref<1x2x4096xf32, #tpu.memory_space<vmem>>, vector<1x1x4096xf32>
    %get3A_22 = vector.shape_cast %get3A_21 : vector<1x1x4096xf32> to vector<1x4096xf32>
    %get3A_23 = arith.constant 0 : index
    %get3A_24 = arith.constant 1 : index
    %get3A_25 = arith.constant 0 : index
    %get3A_26 = vector.load %arg2[%get3A_23, %get3A_24, %get3A_25] : memref<1x2x4096xf32, #tpu.memory_space<vmem>>, vector<1x1x4096xf32>
    %get3A_27 = vector.shape_cast %get3A_26 : vector<1x1x4096xf32> to vector<1x4096xf32>
    %slice3A = vector.extract_strided_slice %get3A_17 {offsets = [0, 0], sizes = [256, 1], strides = [1, 1]} : vector<256x2xf32> to vector<256x1xf32>
    %slice3A_28 = vector.extract_strided_slice %get3A_17 {offsets = [0, 1], sizes = [256, 1], strides = [1, 1]} : vector<256x2xf32> to vector<256x1xf32>
    %sub3A_29 = vector.broadcast %slice3A : vector<256x1xf32> to vector<256x4096xf32>
    %sub3A_30 = vector.broadcast %get3A_22 : vector<1x4096xf32> to vector<256x4096xf32>
    %sub3A_31 = arith.subf %sub3A_29, %sub3A_30 : vector<256x4096xf32>
    %integer_pow3A = arith.mulf %sub3A_31, %sub3A_31 : vector<256x4096xf32>
    %sub3A_32 = vector.broadcast %slice3A_28 : vector<256x1xf32> to vector<256x4096xf32>
    %sub3A_33 = vector.broadcast %get3A_27 : vector<1x4096xf32> to vector<256x4096xf32>
    %sub3A_34 = arith.subf %sub3A_32, %sub3A_33 : vector<256x4096xf32>
    %integer_pow3A_35 = arith.mulf %sub3A_34, %sub3A_34 : vector<256x4096xf32>
    %add3A = arith.addf %integer_pow3A, %integer_pow3A_35 : vector<256x4096xf32>
    %iota3A = tpu.iota {dimensions = array<i32: 1>} : vector<256x4096xi32>
    %convert_element_type3A = arith.sitofp %iota3A : vector<256x4096xi32> to vector<256x4096xf32>
    %mul3A = arith.constant 4096 : i32
    %mul3A_36 = arith.muli %mul3A, %select_n3A : i32
    %reduce_min3A = arith.constant dense<0x7F800000> : vector<256xf32>
    %reduce_min3A_37 = vector.multi_reduction <minimumf>, %add3A, %reduce_min3A [1] : vector<256x4096xf32> to vector<256xf32>
    %broadcast_in_dim3A = vector.shape_cast %reduce_min3A_37 : vector<256xf32> to vector<256x1xf32>
    %eq3A = vector.broadcast %broadcast_in_dim3A : vector<256x1xf32> to vector<256x4096xf32>
    %eq3A_38 = arith.cmpf oeq, %add3A, %eq3A : vector<256x4096xf32>
    %jit3A_39 = arith.constant 4.096000e+03 : f32
    %broadcast_in_dim3A_40 = vector.broadcast %jit3A_39 : f32 to vector<256x4096xf32>
    %select_n3A_41 = arith.select %eq3A_38, %convert_element_type3A, %broadcast_in_dim3A_40 : vector<256x4096xi1>, vector<256x4096xf32>
    %reduce_min3A_42 = arith.constant dense<0x7F800000> : vector<256xf32>
    %reduce_min3A_43 = vector.multi_reduction <minimumf>, %select_n3A_41, %reduce_min3A_42 [1] : vector<256x4096xf32> to vector<256xf32>
    %broadcast_in_dim3A_44 = vector.shape_cast %reduce_min3A_43 : vector<256xf32> to vector<256x1xf32>
    %convert_element_type3A_45 = arith.fptosi %broadcast_in_dim3A_44 : vector<256x1xf32> to vector<256x1xi32>
    %add3A_46 = vector.broadcast %mul3A_36 : i32 to vector<256x1xi32>
    %add3A_47 = arith.addi %convert_element_type3A_45, %add3A_46 : vector<256x1xi32>
    %swap3A = arith.constant 0 : index
    %swap3A_48 = arith.constant 0 : index
    %swap3A_49 = vector.load %arg3[%swap3A, %swap3A_48] : memref<256x16xi32, #tpu.memory_space<vmem>>, vector<256x1xi32>
    tpu.vector_store %arg3[%swap3A, %swap3A_48], %add3A_47 {strides = array<i32>} : memref<256x16xi32, #tpu.memory_space<vmem>>, vector<256x1xi32>,
    %eq3A_50 = vector.broadcast %broadcast_in_dim3A_44 : vector<256x1xf32> to vector<256x4096xf32>
    %eq3A_51 = arith.cmpf oeq, %convert_element_type3A, %eq3A_50 : vector<256x4096xf32>
    %jit3A_52 = arith.constant 0x7F800000 : f32
    %broadcast_in_dim3A_53 = vector.broadcast %jit3A_52 : f32 to vector<256x4096xf32>
    %select_n3A_54 = arith.select %eq3A_51, %broadcast_in_dim3A_53, %add3A : vector<256x4096xi1>, vector<256x4096xf32>
    %reduce_min3A_55 = arith.constant dense<0x7F800000> : vector<256xf32>
    %reduce_min3A_56 = vector.multi_reduction <minimumf>, %select_n3A_54, %reduce_min3A_55 [1] : vector<256x4096xf32> to vector<256xf32>
    %broadcast_in_dim3A_57 = vector.shape_cast %reduce_min3A_56 : vector<256xf32> to vector<256x1xf32>
    %eq3A_58 = vector.broadcast %broadcast_in_dim3A_57 : vector<256x1xf32> to vector<256x4096xf32>
    %eq3A_59 = arith.cmpf oeq, %select_n3A_54, %eq3A_58 : vector<256x4096xf32>
    %jit3A_60 = arith.constant 4.096000e+03 : f32
    %broadcast_in_dim3A_61 = vector.broadcast %jit3A_60 : f32 to vector<256x4096xf32>
    %select_n3A_62 = arith.select %eq3A_59, %convert_element_type3A, %broadcast_in_dim3A_61 : vector<256x4096xi1>, vector<256x4096xf32>
    %reduce_min3A_63 = arith.constant dense<0x7F800000> : vector<256xf32>
    %reduce_min3A_64 = vector.multi_reduction <minimumf>, %select_n3A_62, %reduce_min3A_63 [1] : vector<256x4096xf32> to vector<256xf32>
    %broadcast_in_dim3A_65 = vector.shape_cast %reduce_min3A_64 : vector<256xf32> to vector<256x1xf32>
    %convert_element_type3A_66 = arith.fptosi %broadcast_in_dim3A_65 : vector<256x1xf32> to vector<256x1xi32>
    %add3A_67 = vector.broadcast %mul3A_36 : i32 to vector<256x1xi32>
    %add3A_68 = arith.addi %convert_element_type3A_66, %add3A_67 : vector<256x1xi32>
    %swap3A_69 = arith.constant 0 : index
    %swap3A_70 = arith.constant 1 : index
    %swap3A_71 = vector.load %arg3[%swap3A_69, %swap3A_70] : memref<256x16xi32, #tpu.memory_space<vmem>>, vector<256x1xi32>
    tpu.vector_store %arg3[%swap3A_69, %swap3A_70], %add3A_68 {strides = array<i32>} : memref<256x16xi32, #tpu.memory_space<vmem>>, vector<256x1xi32>,
    %eq3A_72 = vector.broadcast %broadcast_in_dim3A_65 : vector<256x1xf32> to vector<256x4096xf32>
    %eq3A_73 = arith.cmpf oeq, %convert_element_type3A, %eq3A_72 : vector<256x4096xf32>
    %jit3A_74 = arith.constant 0x7F800000 : f32
    %broadcast_in_dim3A_75 = vector.broadcast %jit3A_74 : f32 to vector<256x4096xf32>
    %select_n3A_76 = arith.select %eq3A_73, %broadcast_in_dim3A_75, %select_n3A_54 : vector<256x4096xi1>, vector<256x4096xf32>
    %reduce_min3A_77 = arith.constant dense<0x7F800000> : vector<256xf32>
    %reduce_min3A_78 = vector.multi_reduction <minimumf>, %select_n3A_76, %reduce_min3A_77 [1] : vector<256x4096xf32> to vector<256xf32>
    %broadcast_in_dim3A_79 = vector.shape_cast %reduce_min3A_78 : vector<256xf32> to vector<256x1xf32>
    %eq3A_80 = vector.broadcast %broadcast_in_dim3A_79 : vector<256x1xf32> to vector<256x4096xf32>
    %eq3A_81 = arith.cmpf oeq, %select_n3A_76, %eq3A_80 : vector<256x4096xf32>
    %jit3A_82 = arith.constant 4.096000e+03 : f32
    %broadcast_in_dim3A_83 = vector.broadcast %jit3A_82 : f32 to vector<256x4096xf32>
    %select_n3A_84 = arith.select %eq3A_81, %convert_element_type3A, %broadcast_in_dim3A_83 : vector<256x4096xi1>, vector<256x4096xf32>
    %reduce_min3A_85 = arith.constant dense<0x7F800000> : vector<256xf32>
    %reduce_min3A_86 = vector.multi_reduction <minimumf>, %select_n3A_84, %reduce_min3A_85 [1] : vector<256x4096xf32> to vector<256xf32>
    %broadcast_in_dim3A_87 = vector.shape_cast %reduce_min3A_86 : vector<256xf32> to vector<256x1xf32>
    %convert_element_type3A_88 = arith.fptosi %broadcast_in_dim3A_87 : vector<256x1xf32> to vector<256x1xi32>
    %add3A_89 = vector.broadcast %mul3A_36 : i32 to vector<256x1xi32>
    %add3A_90 = arith.addi %convert_element_type3A_88, %add3A_89 : vector<256x1xi32>
    %swap3A_91 = arith.constant 0 : index
    %swap3A_92 = arith.constant 2 : index
    %swap3A_93 = vector.load %arg3[%swap3A_91, %swap3A_92] : memref<256x16xi32, #tpu.memory_space<vmem>>, vector<256x1xi32>
    tpu.vector_store %arg3[%swap3A_91, %swap3A_92], %add3A_90 {strides = array<i32>} : memref<256x16xi32, #tpu.memory_space<vmem>>, vector<256x1xi32>,
    %eq3A_94 = vector.broadcast %broadcast_in_dim3A_87 : vector<256x1xf32> to vector<256x4096xf32>
    %eq3A_95 = arith.cmpf oeq, %convert_element_type3A, %eq3A_94 : vector<256x4096xf32>
    %jit3A_96 = arith.constant 0x7F800000 : f32
    %broadcast_in_dim3A_97 = vector.broadcast %jit3A_96 : f32 to vector<256x4096xf32>
    %select_n3A_98 = arith.select %eq3A_95, %broadcast_in_dim3A_97, %select_n3A_76 : vector<256x4096xi1>, vector<256x4096xf32>
    %reduce_min3A_99 = arith.constant dense<0x7F800000> : vector<256xf32>
    %reduce_min3A_100 = vector.multi_reduction <minimumf>, %select_n3A_98, %reduce_min3A_99 [1] : vector<256x4096xf32> to vector<256xf32>
    %broadcast_in_dim3A_101 = vector.shape_cast %reduce_min3A_100 : vector<256xf32> to vector<256x1xf32>
    %eq3A_102 = vector.broadcast %broadcast_in_dim3A_101 : vector<256x1xf32> to vector<256x4096xf32>
    %eq3A_103 = arith.cmpf oeq, %select_n3A_98, %eq3A_102 : vector<256x4096xf32>
    %jit3A_104 = arith.constant 4.096000e+03 : f32
    %broadcast_in_dim3A_105 = vector.broadcast %jit3A_104 : f32 to vector<256x4096xf32>
    %select_n3A_106 = arith.select %eq3A_103, %convert_element_type3A, %broadcast_in_dim3A_105 : vector<256x4096xi1>, vector<256x4096xf32>
    %reduce_min3A_107 = arith.constant dense<0x7F800000> : vector<256xf32>
    %reduce_min3A_108 = vector.multi_reduction <minimumf>, %select_n3A_106, %reduce_min3A_107 [1] : vector<256x4096xf32> to vector<256xf32>
    %broadcast_in_dim3A_109 = vector.shape_cast %reduce_min3A_108 : vector<256xf32> to vector<256x1xf32>
    %convert_element_type3A_110 = arith.fptosi %broadcast_in_dim3A_109 : vector<256x1xf32> to vector<256x1xi32>
    %add3A_111 = vector.broadcast %mul3A_36 : i32 to vector<256x1xi32>
    %add3A_112 = arith.addi %convert_element_type3A_110, %add3A_111 : vector<256x1xi32>
    %swap3A_113 = arith.constant 0 : index
    %swap3A_114 = arith.constant 3 : index
    %swap3A_115 = vector.load %arg3[%swap3A_113, %swap3A_114] : memref<256x16xi32, #tpu.memory_space<vmem>>, vector<256x1xi32>
    tpu.vector_store %arg3[%swap3A_113, %swap3A_114], %add3A_112 {strides = array<i32>} : memref<256x16xi32, #tpu.memory_space<vmem>>, vector<256x1xi32>,
    %eq3A_116 = vector.broadcast %broadcast_in_dim3A_109 : vector<256x1xf32> to vector<256x4096xf32>
    %eq3A_117 = arith.cmpf oeq, %convert_element_type3A, %eq3A_116 : vector<256x4096xf32>
    %jit3A_118 = arith.constant 0x7F800000 : f32
    %broadcast_in_dim3A_119 = vector.broadcast %jit3A_118 : f32 to vector<256x4096xf32>
    %select_n3A_120 = arith.select %eq3A_117, %broadcast_in_dim3A_119, %select_n3A_98 : vector<256x4096xi1>, vector<256x4096xf32>
    %reduce_min3A_121 = arith.constant dense<0x7F800000> : vector<256xf32>
    %reduce_min3A_122 = vector.multi_reduction <minimumf>, %select_n3A_120, %reduce_min3A_121 [1] : vector<256x4096xf32> to vector<256xf32>
    %broadcast_in_dim3A_123 = vector.shape_cast %reduce_min3A_122 : vector<256xf32> to vector<256x1xf32>
    %eq3A_124 = vector.broadcast %broadcast_in_dim3A_123 : vector<256x1xf32> to vector<256x4096xf32>
    %eq3A_125 = arith.cmpf oeq, %select_n3A_120, %eq3A_124 : vector<256x4096xf32>
    %jit3A_126 = arith.constant 4.096000e+03 : f32
    %broadcast_in_dim3A_127 = vector.broadcast %jit3A_126 : f32 to vector<256x4096xf32>
    %select_n3A_128 = arith.select %eq3A_125, %convert_element_type3A, %broadcast_in_dim3A_127 : vector<256x4096xi1>, vector<256x4096xf32>
    %reduce_min3A_129 = arith.constant dense<0x7F800000> : vector<256xf32>
    %reduce_min3A_130 = vector.multi_reduction <minimumf>, %select_n3A_128, %reduce_min3A_129 [1] : vector<256x4096xf32> to vector<256xf32>
    %broadcast_in_dim3A_131 = vector.shape_cast %reduce_min3A_130 : vector<256xf32> to vector<256x1xf32>
    %convert_element_type3A_132 = arith.fptosi %broadcast_in_dim3A_131 : vector<256x1xf32> to vector<256x1xi32>
    %add3A_133 = vector.broadcast %mul3A_36 : i32 to vector<256x1xi32>
    %add3A_134 = arith.addi %convert_element_type3A_132, %add3A_133 : vector<256x1xi32>
    %swap3A_135 = arith.constant 0 : index
    %swap3A_136 = arith.constant 4 : index
    %swap3A_137 = vector.load %arg3[%swap3A_135, %swap3A_136] : memref<256x16xi32, #tpu.memory_space<vmem>>, vector<256x1xi32>
    tpu.vector_store %arg3[%swap3A_135, %swap3A_136], %add3A_134 {strides = array<i32>} : memref<256x16xi32, #tpu.memory_space<vmem>>, vector<256x1xi32>,
    %eq3A_138 = vector.broadcast %broadcast_in_dim3A_131 : vector<256x1xf32> to vector<256x4096xf32>
    %eq3A_139 = arith.cmpf oeq, %convert_element_type3A, %eq3A_138 : vector<256x4096xf32>
    %jit3A_140 = arith.constant 0x7F800000 : f32
    %broadcast_in_dim3A_141 = vector.broadcast %jit3A_140 : f32 to vector<256x4096xf32>
    %select_n3A_142 = arith.select %eq3A_139, %broadcast_in_dim3A_141, %select_n3A_120 : vector<256x4096xi1>, vector<256x4096xf32>
    %reduce_min3A_143 = arith.constant dense<0x7F800000> : vector<256xf32>
    %reduce_min3A_144 = vector.multi_reduction <minimumf>, %select_n3A_142, %reduce_min3A_143 [1] : vector<256x4096xf32> to vector<256xf32>
    %broadcast_in_dim3A_145 = vector.shape_cast %reduce_min3A_144 : vector<256xf32> to vector<256x1xf32>
    %eq3A_146 = vector.broadcast %broadcast_in_dim3A_145 : vector<256x1xf32> to vector<256x4096xf32>
    %eq3A_147 = arith.cmpf oeq, %select_n3A_142, %eq3A_146 : vector<256x4096xf32>
    %jit3A_148 = arith.constant 4.096000e+03 : f32
    %broadcast_in_dim3A_149 = vector.broadcast %jit3A_148 : f32 to vector<256x4096xf32>
    %select_n3A_150 = arith.select %eq3A_147, %convert_element_type3A, %broadcast_in_dim3A_149 : vector<256x4096xi1>, vector<256x4096xf32>
    %reduce_min3A_151 = arith.constant dense<0x7F800000> : vector<256xf32>
    %reduce_min3A_152 = vector.multi_reduction <minimumf>, %select_n3A_150, %reduce_min3A_151 [1] : vector<256x4096xf32> to vector<256xf32>
    %broadcast_in_dim3A_153 = vector.shape_cast %reduce_min3A_152 : vector<256xf32> to vector<256x1xf32>
    %convert_element_type3A_154 = arith.fptosi %broadcast_in_dim3A_153 : vector<256x1xf32> to vector<256x1xi32>
    %add3A_155 = vector.broadcast %mul3A_36 : i32 to vector<256x1xi32>
    %add3A_156 = arith.addi %convert_element_type3A_154, %add3A_155 : vector<256x1xi32>
    %swap3A_157 = arith.constant 0 : index
    %swap3A_158 = arith.constant 5 : index
    %swap3A_159 = vector.load %arg3[%swap3A_157, %swap3A_158] : memref<256x16xi32, #tpu.memory_space<vmem>>, vector<256x1xi32>
    tpu.vector_store %arg3[%swap3A_157, %swap3A_158], %add3A_156 {strides = array<i32>} : memref<256x16xi32, #tpu.memory_space<vmem>>, vector<256x1xi32>,
    %eq3A_160 = vector.broadcast %broadcast_in_dim3A_153 : vector<256x1xf32> to vector<256x4096xf32>
    %eq3A_161 = arith.cmpf oeq, %convert_element_type3A, %eq3A_160 : vector<256x4096xf32>
    %jit3A_162 = arith.constant 0x7F800000 : f32
    %broadcast_in_dim3A_163 = vector.broadcast %jit3A_162 : f32 to vector<256x4096xf32>
    %select_n3A_164 = arith.select %eq3A_161, %broadcast_in_dim3A_163, %select_n3A_142 : vector<256x4096xi1>, vector<256x4096xf32>
    %reduce_min3A_165 = arith.constant dense<0x7F800000> : vector<256xf32>
    %reduce_min3A_166 = vector.multi_reduction <minimumf>, %select_n3A_164, %reduce_min3A_165 [1] : vector<256x4096xf32> to vector<256xf32>
    %broadcast_in_dim3A_167 = vector.shape_cast %reduce_min3A_166 : vector<256xf32> to vector<256x1xf32>
    %eq3A_168 = vector.broadcast %broadcast_in_dim3A_167 : vector<256x1xf32> to vector<256x4096xf32>
    %eq3A_169 = arith.cmpf oeq, %select_n3A_164, %eq3A_168 : vector<256x4096xf32>
    %jit3A_170 = arith.constant 4.096000e+03 : f32
    %broadcast_in_dim3A_171 = vector.broadcast %jit3A_170 : f32 to vector<256x4096xf32>
    %select_n3A_172 = arith.select %eq3A_169, %convert_element_type3A, %broadcast_in_dim3A_171 : vector<256x4096xi1>, vector<256x4096xf32>
    %reduce_min3A_173 = arith.constant dense<0x7F800000> : vector<256xf32>
    %reduce_min3A_174 = vector.multi_reduction <minimumf>, %select_n3A_172, %reduce_min3A_173 [1] : vector<256x4096xf32> to vector<256xf32>
    %broadcast_in_dim3A_175 = vector.shape_cast %reduce_min3A_174 : vector<256xf32> to vector<256x1xf32>
    %convert_element_type3A_176 = arith.fptosi %broadcast_in_dim3A_175 : vector<256x1xf32> to vector<256x1xi32>
    %add3A_177 = vector.broadcast %mul3A_36 : i32 to vector<256x1xi32>
    %add3A_178 = arith.addi %convert_element_type3A_176, %add3A_177 : vector<256x1xi32>
    %swap3A_179 = arith.constant 0 : index
    %swap3A_180 = arith.constant 6 : index
    %swap3A_181 = vector.load %arg3[%swap3A_179, %swap3A_180] : memref<256x16xi32, #tpu.memory_space<vmem>>, vector<256x1xi32>
    tpu.vector_store %arg3[%swap3A_179, %swap3A_180], %add3A_178 {strides = array<i32>} : memref<256x16xi32, #tpu.memory_space<vmem>>, vector<256x1xi32>,
    %eq3A_182 = vector.broadcast %broadcast_in_dim3A_175 : vector<256x1xf32> to vector<256x4096xf32>
    %eq3A_183 = arith.cmpf oeq, %convert_element_type3A, %eq3A_182 : vector<256x4096xf32>
    %jit3A_184 = arith.constant 0x7F800000 : f32
    %broadcast_in_dim3A_185 = vector.broadcast %jit3A_184 : f32 to vector<256x4096xf32>
    %select_n3A_186 = arith.select %eq3A_183, %broadcast_in_dim3A_185, %select_n3A_164 : vector<256x4096xi1>, vector<256x4096xf32>
    %reduce_min3A_187 = arith.constant dense<0x7F800000> : vector<256xf32>
    %reduce_min3A_188 = vector.multi_reduction <minimumf>, %select_n3A_186, %reduce_min3A_187 [1] : vector<256x4096xf32> to vector<256xf32>
    %broadcast_in_dim3A_189 = vector.shape_cast %reduce_min3A_188 : vector<256xf32> to vector<256x1xf32>
    %eq3A_190 = vector.broadcast %broadcast_in_dim3A_189 : vector<256x1xf32> to vector<256x4096xf32>
    %eq3A_191 = arith.cmpf oeq, %select_n3A_186, %eq3A_190 : vector<256x4096xf32>
    %jit3A_192 = arith.constant 4.096000e+03 : f32
    %broadcast_in_dim3A_193 = vector.broadcast %jit3A_192 : f32 to vector<256x4096xf32>
    %select_n3A_194 = arith.select %eq3A_191, %convert_element_type3A, %broadcast_in_dim3A_193 : vector<256x4096xi1>, vector<256x4096xf32>
    %reduce_min3A_195 = arith.constant dense<0x7F800000> : vector<256xf32>
    %reduce_min3A_196 = vector.multi_reduction <minimumf>, %select_n3A_194, %reduce_min3A_195 [1] : vector<256x4096xf32> to vector<256xf32>
    %broadcast_in_dim3A_197 = vector.shape_cast %reduce_min3A_196 : vector<256xf32> to vector<256x1xf32>
    %convert_element_type3A_198 = arith.fptosi %broadcast_in_dim3A_197 : vector<256x1xf32> to vector<256x1xi32>
    %add3A_199 = vector.broadcast %mul3A_36 : i32 to vector<256x1xi32>
    %add3A_200 = arith.addi %convert_element_type3A_198, %add3A_199 : vector<256x1xi32>
    %swap3A_201 = arith.constant 0 : index
    %swap3A_202 = arith.constant 7 : index
    %swap3A_203 = vector.load %arg3[%swap3A_201, %swap3A_202] : memref<256x16xi32, #tpu.memory_space<vmem>>, vector<256x1xi32>
    tpu.vector_store %arg3[%swap3A_201, %swap3A_202], %add3A_200 {strides = array<i32>} : memref<256x16xi32, #tpu.memory_space<vmem>>, vector<256x1xi32>,
    %eq3A_204 = vector.broadcast %broadcast_in_dim3A_197 : vector<256x1xf32> to vector<256x4096xf32>
    %eq3A_205 = arith.cmpf oeq, %convert_element_type3A, %eq3A_204 : vector<256x4096xf32>
    %jit3A_206 = arith.constant 0x7F800000 : f32
    %broadcast_in_dim3A_207 = vector.broadcast %jit3A_206 : f32 to vector<256x4096xf32>
    %select_n3A_208 = arith.select %eq3A_205, %broadcast_in_dim3A_207, %select_n3A_186 : vector<256x4096xi1>, vector<256x4096xf32>
    %reduce_min3A_209 = arith.constant dense<0x7F800000> : vector<256xf32>
    %reduce_min3A_210 = vector.multi_reduction <minimumf>, %select_n3A_208, %reduce_min3A_209 [1] : vector<256x4096xf32> to vector<256xf32>
    %broadcast_in_dim3A_211 = vector.shape_cast %reduce_min3A_210 : vector<256xf32> to vector<256x1xf32>
    %eq3A_212 = vector.broadcast %broadcast_in_dim3A_211 : vector<256x1xf32> to vector<256x4096xf32>
    %eq3A_213 = arith.cmpf oeq, %select_n3A_208, %eq3A_212 : vector<256x4096xf32>
    %jit3A_214 = arith.constant 4.096000e+03 : f32
    %broadcast_in_dim3A_215 = vector.broadcast %jit3A_214 : f32 to vector<256x4096xf32>
    %select_n3A_216 = arith.select %eq3A_213, %convert_element_type3A, %broadcast_in_dim3A_215 : vector<256x4096xi1>, vector<256x4096xf32>
    %reduce_min3A_217 = arith.constant dense<0x7F800000> : vector<256xf32>
    %reduce_min3A_218 = vector.multi_reduction <minimumf>, %select_n3A_216, %reduce_min3A_217 [1] : vector<256x4096xf32> to vector<256xf32>
    %broadcast_in_dim3A_219 = vector.shape_cast %reduce_min3A_218 : vector<256xf32> to vector<256x1xf32>
    %convert_element_type3A_220 = arith.fptosi %broadcast_in_dim3A_219 : vector<256x1xf32> to vector<256x1xi32>
    %add3A_221 = vector.broadcast %mul3A_36 : i32 to vector<256x1xi32>
    %add3A_222 = arith.addi %convert_element_type3A_220, %add3A_221 : vector<256x1xi32>
    %swap3A_223 = arith.constant 0 : index
    %swap3A_224 = arith.constant 8 : index
    %swap3A_225 = vector.load %arg3[%swap3A_223, %swap3A_224] : memref<256x16xi32, #tpu.memory_space<vmem>>, vector<256x1xi32>
    tpu.vector_store %arg3[%swap3A_223, %swap3A_224], %add3A_222 {strides = array<i32>} : memref<256x16xi32, #tpu.memory_space<vmem>>, vector<256x1xi32>,
    %eq3A_226 = vector.broadcast %broadcast_in_dim3A_219 : vector<256x1xf32> to vector<256x4096xf32>
    %eq3A_227 = arith.cmpf oeq, %convert_element_type3A, %eq3A_226 : vector<256x4096xf32>
    %jit3A_228 = arith.constant 0x7F800000 : f32
    %broadcast_in_dim3A_229 = vector.broadcast %jit3A_228 : f32 to vector<256x4096xf32>
    %select_n3A_230 = arith.select %eq3A_227, %broadcast_in_dim3A_229, %select_n3A_208 : vector<256x4096xi1>, vector<256x4096xf32>
    %reduce_min3A_231 = arith.constant dense<0x7F800000> : vector<256xf32>
    %reduce_min3A_232 = vector.multi_reduction <minimumf>, %select_n3A_230, %reduce_min3A_231 [1] : vector<256x4096xf32> to vector<256xf32>
    %broadcast_in_dim3A_233 = vector.shape_cast %reduce_min3A_232 : vector<256xf32> to vector<256x1xf32>
    %eq3A_234 = vector.broadcast %broadcast_in_dim3A_233 : vector<256x1xf32> to vector<256x4096xf32>
    %eq3A_235 = arith.cmpf oeq, %select_n3A_230, %eq3A_234 : vector<256x4096xf32>
    %jit3A_236 = arith.constant 4.096000e+03 : f32
    %broadcast_in_dim3A_237 = vector.broadcast %jit3A_236 : f32 to vector<256x4096xf32>
    %select_n3A_238 = arith.select %eq3A_235, %convert_element_type3A, %broadcast_in_dim3A_237 : vector<256x4096xi1>, vector<256x4096xf32>
    %reduce_min3A_239 = arith.constant dense<0x7F800000> : vector<256xf32>
    %reduce_min3A_240 = vector.multi_reduction <minimumf>, %select_n3A_238, %reduce_min3A_239 [1] : vector<256x4096xf32> to vector<256xf32>
    %broadcast_in_dim3A_241 = vector.shape_cast %reduce_min3A_240 : vector<256xf32> to vector<256x1xf32>
    %convert_element_type3A_242 = arith.fptosi %broadcast_in_dim3A_241 : vector<256x1xf32> to vector<256x1xi32>
    %add3A_243 = vector.broadcast %mul3A_36 : i32 to vector<256x1xi32>
    %add3A_244 = arith.addi %convert_element_type3A_242, %add3A_243 : vector<256x1xi32>
    %swap3A_245 = arith.constant 0 : index
    %swap3A_246 = arith.constant 9 : index
    %swap3A_247 = vector.load %arg3[%swap3A_245, %swap3A_246] : memref<256x16xi32, #tpu.memory_space<vmem>>, vector<256x1xi32>
    tpu.vector_store %arg3[%swap3A_245, %swap3A_246], %add3A_244 {strides = array<i32>} : memref<256x16xi32, #tpu.memory_space<vmem>>, vector<256x1xi32>,
    %eq3A_248 = vector.broadcast %broadcast_in_dim3A_241 : vector<256x1xf32> to vector<256x4096xf32>
    %eq3A_249 = arith.cmpf oeq, %convert_element_type3A, %eq3A_248 : vector<256x4096xf32>
    %jit3A_250 = arith.constant 0x7F800000 : f32
    %broadcast_in_dim3A_251 = vector.broadcast %jit3A_250 : f32 to vector<256x4096xf32>
    %select_n3A_252 = arith.select %eq3A_249, %broadcast_in_dim3A_251, %select_n3A_230 : vector<256x4096xi1>, vector<256x4096xf32>
    %reduce_min3A_253 = arith.constant dense<0x7F800000> : vector<256xf32>
    %reduce_min3A_254 = vector.multi_reduction <minimumf>, %select_n3A_252, %reduce_min3A_253 [1] : vector<256x4096xf32> to vector<256xf32>
    %broadcast_in_dim3A_255 = vector.shape_cast %reduce_min3A_254 : vector<256xf32> to vector<256x1xf32>
    %eq3A_256 = vector.broadcast %broadcast_in_dim3A_255 : vector<256x1xf32> to vector<256x4096xf32>
    %eq3A_257 = arith.cmpf oeq, %select_n3A_252, %eq3A_256 : vector<256x4096xf32>
    %jit3A_258 = arith.constant 4.096000e+03 : f32
    %broadcast_in_dim3A_259 = vector.broadcast %jit3A_258 : f32 to vector<256x4096xf32>
    %select_n3A_260 = arith.select %eq3A_257, %convert_element_type3A, %broadcast_in_dim3A_259 : vector<256x4096xi1>, vector<256x4096xf32>
    %reduce_min3A_261 = arith.constant dense<0x7F800000> : vector<256xf32>
    %reduce_min3A_262 = vector.multi_reduction <minimumf>, %select_n3A_260, %reduce_min3A_261 [1] : vector<256x4096xf32> to vector<256xf32>
    %broadcast_in_dim3A_263 = vector.shape_cast %reduce_min3A_262 : vector<256xf32> to vector<256x1xf32>
    %convert_element_type3A_264 = arith.fptosi %broadcast_in_dim3A_263 : vector<256x1xf32> to vector<256x1xi32>
    %add3A_265 = vector.broadcast %mul3A_36 : i32 to vector<256x1xi32>
    %add3A_266 = arith.addi %convert_element_type3A_264, %add3A_265 : vector<256x1xi32>
    %swap3A_267 = arith.constant 0 : index
    %swap3A_268 = arith.constant 10 : index
    %swap3A_269 = vector.load %arg3[%swap3A_267, %swap3A_268] : memref<256x16xi32, #tpu.memory_space<vmem>>, vector<256x1xi32>
    tpu.vector_store %arg3[%swap3A_267, %swap3A_268], %add3A_266 {strides = array<i32>} : memref<256x16xi32, #tpu.memory_space<vmem>>, vector<256x1xi32>,
    %eq3A_270 = vector.broadcast %broadcast_in_dim3A_263 : vector<256x1xf32> to vector<256x4096xf32>
    %eq3A_271 = arith.cmpf oeq, %convert_element_type3A, %eq3A_270 : vector<256x4096xf32>
    %jit3A_272 = arith.constant 0x7F800000 : f32
    %broadcast_in_dim3A_273 = vector.broadcast %jit3A_272 : f32 to vector<256x4096xf32>
    %select_n3A_274 = arith.select %eq3A_271, %broadcast_in_dim3A_273, %select_n3A_252 : vector<256x4096xi1>, vector<256x4096xf32>
    %reduce_min3A_275 = arith.constant dense<0x7F800000> : vector<256xf32>
    %reduce_min3A_276 = vector.multi_reduction <minimumf>, %select_n3A_274, %reduce_min3A_275 [1] : vector<256x4096xf32> to vector<256xf32>
    %broadcast_in_dim3A_277 = vector.shape_cast %reduce_min3A_276 : vector<256xf32> to vector<256x1xf32>
    %eq3A_278 = vector.broadcast %broadcast_in_dim3A_277 : vector<256x1xf32> to vector<256x4096xf32>
    %eq3A_279 = arith.cmpf oeq, %select_n3A_274, %eq3A_278 : vector<256x4096xf32>
    %jit3A_280 = arith.constant 4.096000e+03 : f32
    %broadcast_in_dim3A_281 = vector.broadcast %jit3A_280 : f32 to vector<256x4096xf32>
    %select_n3A_282 = arith.select %eq3A_279, %convert_element_type3A, %broadcast_in_dim3A_281 : vector<256x4096xi1>, vector<256x4096xf32>
    %reduce_min3A_283 = arith.constant dense<0x7F800000> : vector<256xf32>
    %reduce_min3A_284 = vector.multi_reduction <minimumf>, %select_n3A_282, %reduce_min3A_283 [1] : vector<256x4096xf32> to vector<256xf32>
    %broadcast_in_dim3A_285 = vector.shape_cast %reduce_min3A_284 : vector<256xf32> to vector<256x1xf32>
    %convert_element_type3A_286 = arith.fptosi %broadcast_in_dim3A_285 : vector<256x1xf32> to vector<256x1xi32>
    %add3A_287 = vector.broadcast %mul3A_36 : i32 to vector<256x1xi32>
    %add3A_288 = arith.addi %convert_element_type3A_286, %add3A_287 : vector<256x1xi32>
    %swap3A_289 = arith.constant 0 : index
    %swap3A_290 = arith.constant 11 : index
    %swap3A_291 = vector.load %arg3[%swap3A_289, %swap3A_290] : memref<256x16xi32, #tpu.memory_space<vmem>>, vector<256x1xi32>
    tpu.vector_store %arg3[%swap3A_289, %swap3A_290], %add3A_288 {strides = array<i32>} : memref<256x16xi32, #tpu.memory_space<vmem>>, vector<256x1xi32>,
    %eq3A_292 = vector.broadcast %broadcast_in_dim3A_285 : vector<256x1xf32> to vector<256x4096xf32>
    %eq3A_293 = arith.cmpf oeq, %convert_element_type3A, %eq3A_292 : vector<256x4096xf32>
    %jit3A_294 = arith.constant 0x7F800000 : f32
    %broadcast_in_dim3A_295 = vector.broadcast %jit3A_294 : f32 to vector<256x4096xf32>
    %select_n3A_296 = arith.select %eq3A_293, %broadcast_in_dim3A_295, %select_n3A_274 : vector<256x4096xi1>, vector<256x4096xf32>
    %reduce_min3A_297 = arith.constant dense<0x7F800000> : vector<256xf32>
    %reduce_min3A_298 = vector.multi_reduction <minimumf>, %select_n3A_296, %reduce_min3A_297 [1] : vector<256x4096xf32> to vector<256xf32>
    %broadcast_in_dim3A_299 = vector.shape_cast %reduce_min3A_298 : vector<256xf32> to vector<256x1xf32>
    %eq3A_300 = vector.broadcast %broadcast_in_dim3A_299 : vector<256x1xf32> to vector<256x4096xf32>
    %eq3A_301 = arith.cmpf oeq, %select_n3A_296, %eq3A_300 : vector<256x4096xf32>
    %jit3A_302 = arith.constant 4.096000e+03 : f32
    %broadcast_in_dim3A_303 = vector.broadcast %jit3A_302 : f32 to vector<256x4096xf32>
    %select_n3A_304 = arith.select %eq3A_301, %convert_element_type3A, %broadcast_in_dim3A_303 : vector<256x4096xi1>, vector<256x4096xf32>
    %reduce_min3A_305 = arith.constant dense<0x7F800000> : vector<256xf32>
    %reduce_min3A_306 = vector.multi_reduction <minimumf>, %select_n3A_304, %reduce_min3A_305 [1] : vector<256x4096xf32> to vector<256xf32>
    %broadcast_in_dim3A_307 = vector.shape_cast %reduce_min3A_306 : vector<256xf32> to vector<256x1xf32>
    %convert_element_type3A_308 = arith.fptosi %broadcast_in_dim3A_307 : vector<256x1xf32> to vector<256x1xi32>
    %add3A_309 = vector.broadcast %mul3A_36 : i32 to vector<256x1xi32>
    %add3A_310 = arith.addi %convert_element_type3A_308, %add3A_309 : vector<256x1xi32>
    %swap3A_311 = arith.constant 0 : index
    %swap3A_312 = arith.constant 12 : index
    %swap3A_313 = vector.load %arg3[%swap3A_311, %swap3A_312] : memref<256x16xi32, #tpu.memory_space<vmem>>, vector<256x1xi32>
    tpu.vector_store %arg3[%swap3A_311, %swap3A_312], %add3A_310 {strides = array<i32>} : memref<256x16xi32, #tpu.memory_space<vmem>>, vector<256x1xi32>,
    %eq3A_314 = vector.broadcast %broadcast_in_dim3A_307 : vector<256x1xf32> to vector<256x4096xf32>
    %eq3A_315 = arith.cmpf oeq, %convert_element_type3A, %eq3A_314 : vector<256x4096xf32>
    %jit3A_316 = arith.constant 0x7F800000 : f32
    %broadcast_in_dim3A_317 = vector.broadcast %jit3A_316 : f32 to vector<256x4096xf32>
    %select_n3A_318 = arith.select %eq3A_315, %broadcast_in_dim3A_317, %select_n3A_296 : vector<256x4096xi1>, vector<256x4096xf32>
    %reduce_min3A_319 = arith.constant dense<0x7F800000> : vector<256xf32>
    %reduce_min3A_320 = vector.multi_reduction <minimumf>, %select_n3A_318, %reduce_min3A_319 [1] : vector<256x4096xf32> to vector<256xf32>
    %broadcast_in_dim3A_321 = vector.shape_cast %reduce_min3A_320 : vector<256xf32> to vector<256x1xf32>
    %eq3A_322 = vector.broadcast %broadcast_in_dim3A_321 : vector<256x1xf32> to vector<256x4096xf32>
    %eq3A_323 = arith.cmpf oeq, %select_n3A_318, %eq3A_322 : vector<256x4096xf32>
    %jit3A_324 = arith.constant 4.096000e+03 : f32
    %broadcast_in_dim3A_325 = vector.broadcast %jit3A_324 : f32 to vector<256x4096xf32>
    %select_n3A_326 = arith.select %eq3A_323, %convert_element_type3A, %broadcast_in_dim3A_325 : vector<256x4096xi1>, vector<256x4096xf32>
    %reduce_min3A_327 = arith.constant dense<0x7F800000> : vector<256xf32>
    %reduce_min3A_328 = vector.multi_reduction <minimumf>, %select_n3A_326, %reduce_min3A_327 [1] : vector<256x4096xf32> to vector<256xf32>
    %broadcast_in_dim3A_329 = vector.shape_cast %reduce_min3A_328 : vector<256xf32> to vector<256x1xf32>
    %convert_element_type3A_330 = arith.fptosi %broadcast_in_dim3A_329 : vector<256x1xf32> to vector<256x1xi32>
    %add3A_331 = vector.broadcast %mul3A_36 : i32 to vector<256x1xi32>
    %add3A_332 = arith.addi %convert_element_type3A_330, %add3A_331 : vector<256x1xi32>
    %swap3A_333 = arith.constant 0 : index
    %swap3A_334 = arith.constant 13 : index
    %swap3A_335 = vector.load %arg3[%swap3A_333, %swap3A_334] : memref<256x16xi32, #tpu.memory_space<vmem>>, vector<256x1xi32>
    tpu.vector_store %arg3[%swap3A_333, %swap3A_334], %add3A_332 {strides = array<i32>} : memref<256x16xi32, #tpu.memory_space<vmem>>, vector<256x1xi32>,
    %eq3A_336 = vector.broadcast %broadcast_in_dim3A_329 : vector<256x1xf32> to vector<256x4096xf32>
    %eq3A_337 = arith.cmpf oeq, %convert_element_type3A, %eq3A_336 : vector<256x4096xf32>
    %jit3A_338 = arith.constant 0x7F800000 : f32
    %broadcast_in_dim3A_339 = vector.broadcast %jit3A_338 : f32 to vector<256x4096xf32>
    %select_n3A_340 = arith.select %eq3A_337, %broadcast_in_dim3A_339, %select_n3A_318 : vector<256x4096xi1>, vector<256x4096xf32>
    %reduce_min3A_341 = arith.constant dense<0x7F800000> : vector<256xf32>
    %reduce_min3A_342 = vector.multi_reduction <minimumf>, %select_n3A_340, %reduce_min3A_341 [1] : vector<256x4096xf32> to vector<256xf32>
    %broadcast_in_dim3A_343 = vector.shape_cast %reduce_min3A_342 : vector<256xf32> to vector<256x1xf32>
    %eq3A_344 = vector.broadcast %broadcast_in_dim3A_343 : vector<256x1xf32> to vector<256x4096xf32>
    %eq3A_345 = arith.cmpf oeq, %select_n3A_340, %eq3A_344 : vector<256x4096xf32>
    %jit3A_346 = arith.constant 4.096000e+03 : f32
    %broadcast_in_dim3A_347 = vector.broadcast %jit3A_346 : f32 to vector<256x4096xf32>
    %select_n3A_348 = arith.select %eq3A_345, %convert_element_type3A, %broadcast_in_dim3A_347 : vector<256x4096xi1>, vector<256x4096xf32>
    %reduce_min3A_349 = arith.constant dense<0x7F800000> : vector<256xf32>
    %reduce_min3A_350 = vector.multi_reduction <minimumf>, %select_n3A_348, %reduce_min3A_349 [1] : vector<256x4096xf32> to vector<256xf32>
    %broadcast_in_dim3A_351 = vector.shape_cast %reduce_min3A_350 : vector<256xf32> to vector<256x1xf32>
    %convert_element_type3A_352 = arith.fptosi %broadcast_in_dim3A_351 : vector<256x1xf32> to vector<256x1xi32>
    %add3A_353 = vector.broadcast %mul3A_36 : i32 to vector<256x1xi32>
    %add3A_354 = arith.addi %convert_element_type3A_352, %add3A_353 : vector<256x1xi32>
    %swap3A_355 = arith.constant 0 : index
    %swap3A_356 = arith.constant 14 : index
    %swap3A_357 = vector.load %arg3[%swap3A_355, %swap3A_356] : memref<256x16xi32, #tpu.memory_space<vmem>>, vector<256x1xi32>
    tpu.vector_store %arg3[%swap3A_355, %swap3A_356], %add3A_354 {strides = array<i32>} : memref<256x16xi32, #tpu.memory_space<vmem>>, vector<256x1xi32>,
    %eq3A_358 = vector.broadcast %broadcast_in_dim3A_351 : vector<256x1xf32> to vector<256x4096xf32>
    %eq3A_359 = arith.cmpf oeq, %convert_element_type3A, %eq3A_358 : vector<256x4096xf32>
    %jit3A_360 = arith.constant 0x7F800000 : f32
    %broadcast_in_dim3A_361 = vector.broadcast %jit3A_360 : f32 to vector<256x4096xf32>
    %select_n3A_362 = arith.select %eq3A_359, %broadcast_in_dim3A_361, %select_n3A_340 : vector<256x4096xi1>, vector<256x4096xf32>
    %reduce_min3A_363 = arith.constant dense<0x7F800000> : vector<256xf32>
    %reduce_min3A_364 = vector.multi_reduction <minimumf>, %select_n3A_362, %reduce_min3A_363 [1] : vector<256x4096xf32> to vector<256xf32>
    %broadcast_in_dim3A_365 = vector.shape_cast %reduce_min3A_364 : vector<256xf32> to vector<256x1xf32>
    %eq3A_366 = vector.broadcast %broadcast_in_dim3A_365 : vector<256x1xf32> to vector<256x4096xf32>
    %eq3A_367 = arith.cmpf oeq, %select_n3A_362, %eq3A_366 : vector<256x4096xf32>
    %jit3A_368 = arith.constant 4.096000e+03 : f32
    %broadcast_in_dim3A_369 = vector.broadcast %jit3A_368 : f32 to vector<256x4096xf32>
    %select_n3A_370 = arith.select %eq3A_367, %convert_element_type3A, %broadcast_in_dim3A_369 : vector<256x4096xi1>, vector<256x4096xf32>
    %reduce_min3A_371 = arith.constant dense<0x7F800000> : vector<256xf32>
    %reduce_min3A_372 = vector.multi_reduction <minimumf>, %select_n3A_370, %reduce_min3A_371 [1] : vector<256x4096xf32> to vector<256xf32>
    %broadcast_in_dim3A_373 = vector.shape_cast %reduce_min3A_372 : vector<256xf32> to vector<256x1xf32>
    %convert_element_type3A_374 = arith.fptosi %broadcast_in_dim3A_373 : vector<256x1xf32> to vector<256x1xi32>
    %add3A_375 = vector.broadcast %mul3A_36 : i32 to vector<256x1xi32>
    %add3A_376 = arith.addi %convert_element_type3A_374, %add3A_375 : vector<256x1xi32>
    %swap3A_377 = arith.constant 0 : index
    %swap3A_378 = arith.constant 15 : index
    %swap3A_379 = vector.load %arg3[%swap3A_377, %swap3A_378] : memref<256x16xi32, #tpu.memory_space<vmem>>, vector<256x1xi32>
    tpu.vector_store %arg3[%swap3A_377, %swap3A_378], %add3A_376 {strides = array<i32>} : memref<256x16xi32, #tpu.memory_space<vmem>>, vector<256x1xi32>,
    return
  }
  func.func @transform_0(%arg0: i32) -> (i32, i32) {
    %c0_i32 = arith.constant 0 : i32
    %c0_i32_0 = arith.constant 0 : i32
    return %arg0, %c0_i32 : i32, i32
  }
  func.func @transform_1(%arg0: i32) -> (i32, i32, i32) {
    %jit3A = arith.constant 8 : i32
    %div3A = arith.divsi %arg0, %jit3A : i32
    %sign3A = arith.constant 0 : i32
    %sign3A_0 = arith.cmpi sgt, %arg0, %sign3A : i32
    %sign3A_1 = arith.extui %sign3A_0 : i1 to i32
    %sign3A_2 = arith.constant 0 : i32
    %sign3A_3 = arith.cmpi slt, %arg0, %sign3A_2 : i32
    %sign3A_4 = arith.extui %sign3A_3 : i1 to i32
    %sign3A_5 = arith.subi %sign3A_1, %sign3A_4 : i32
    %sign3A_6 = arith.constant 0 : i32
    %sign3A_7 = arith.cmpi sgt, %jit3A, %sign3A_6 : i32
    %sign3A_8 = arith.extui %sign3A_7 : i1 to i32
    %sign3A_9 = arith.constant 0 : i32
    %sign3A_10 = arith.cmpi slt, %jit3A, %sign3A_9 : i32
    %sign3A_11 = arith.extui %sign3A_10 : i1 to i32
    %sign3A_12 = arith.subi %sign3A_8, %sign3A_11 : i32
    %ne3A = arith.cmpi ne, %sign3A_5, %sign3A_12 : i32
    %rem3A = arith.remsi %arg0, %jit3A : i32
    %ne3A_13 = arith.constant 0 : i32
    %ne3A_14 = arith.cmpi ne, %rem3A, %ne3A_13 : i32
    %and3A = arith.andi %ne3A, %ne3A_14 : i1
    %sub3A = arith.constant 1 : i32
    %sub3A_15 = arith.subi %div3A, %sub3A : i32
    %select_n3A = arith.select %and3A, %sub3A_15, %div3A : i32
    %c0_i32 = arith.constant 0 : i32
    %c0_i32_16 = arith.constant 0 : i32
    %c0_i32_17 = arith.constant 0 : i32
    return %select_n3A, %c0_i32, %c0_i32_16 : i32, i32, i32
  }
  func.func @transform_2(%arg0: i32) -> (i32, i32) {
    %c0_i32 = arith.constant 0 : i32
    %c0_i32_0 = arith.constant 0 : i32
    return %arg0, %c0_i32 : i32, i32
  }
}

module attributes {stable_mosaic.version = 14 : i64} {
  func.func @_attn_kernel(%arg0: i32, %arg1: memref<4096x160xf32, #tpu.memory_space<vmem>>, %arg2: memref<256x128xf32, #tpu.memory_space<vmem>>, %arg3: memref<256x2xf32, #tpu.memory_space<vmem>>, %arg4: memref<128x320xf32, #tpu.memory_space<vmem>>, %arg5: memref<64x64xf32, #tpu.memory_space<vmem>>, %arg6: memref<64x64xf32, #tpu.memory_space<vmem>>, %arg7: memref<35x64xf32, #tpu.memory_space<vmem>>, %arg8: memref<3x64xf32, #tpu.memory_space<vmem>>, %arg9: memref<1x10xf32, #tpu.memory_space<vmem>>, %arg10: memref<256x64xf32, #tpu.memory_space<vmem>>) attributes {dimension_semantics = [#tpu.dimension_semantics<arbitrary>], iteration_bounds = array<i64: 32>, scalar_prefetch = 0 : i64, scratch_operands = 0 : i64, tpu.core_type = #tpu.core_type<tc>, window_params = [{transform_indices = @transform_0, window_bounds = array<i64: 4096, 160>}, {transform_indices = @transform_1, window_bounds = array<i64: 256, 128>}, {transform_indices = @transform_2, window_bounds = array<i64: 256, 2>}, {pipeline_mode = #tpu.pipeline_mode<synchronous>, transform_indices = @transform_3, window_bounds = array<i64: 128, 320>}, {pipeline_mode = #tpu.pipeline_mode<synchronous>, transform_indices = @transform_4, window_bounds = array<i64: 64, 64>}, {pipeline_mode = #tpu.pipeline_mode<synchronous>, transform_indices = @transform_5, window_bounds = array<i64: 64, 64>}, {pipeline_mode = #tpu.pipeline_mode<synchronous>, transform_indices = @transform_6, window_bounds = array<i64: 35, 64>}, {pipeline_mode = #tpu.pipeline_mode<synchronous>, transform_indices = @transform_7, window_bounds = array<i64: 3, 64>}, {pipeline_mode = #tpu.pipeline_mode<synchronous>, transform_indices = @transform_8, window_bounds = array<i64: 1, 10>}, {transform_indices = @transform_9, window_bounds = array<i64: 256, 64>}]} {
    %get3A = arith.constant 0 : index
    %get3A_0 = arith.constant 0 : index
    %get3A_1 = vector.load %arg1[%get3A, %get3A_0] : memref<4096x160xf32, #tpu.memory_space<vmem>>, vector<4096x160xf32>
    %slice3A = vector.extract_strided_slice %get3A_1 {offsets = [0, 0], sizes = [4096, 64], strides = [1, 1]} : vector<4096x160xf32> to vector<4096x64xf32>
    %slice3A_2 = vector.extract_strided_slice %get3A_1 {offsets = [0, 64], sizes = [4096, 64], strides = [1, 1]} : vector<4096x160xf32> to vector<4096x64xf32>
    %slice3A_3 = vector.extract_strided_slice %get3A_1 {offsets = [0, 128], sizes = [4096, 10], strides = [1, 1]} : vector<4096x160xf32> to vector<4096x10xf32>
    %slice3A_4 = vector.extract_strided_slice %get3A_1 {offsets = [0, 128], sizes = [4096, 10], strides = [1, 1]} : vector<4096x160xf32> to vector<4096x10xf32>
    %concatenate3A = tpu.concatenate %slice3A_3, %slice3A_4 in 1 : vector<4096x10xf32>, vector<4096x10xf32> -> vector<4096x20xf32>
    %slice3A_5 = vector.extract_strided_slice %get3A_1 {offsets = [0, 138], sizes = [4096, 10], strides = [1, 1]} : vector<4096x160xf32> to vector<4096x10xf32>
    %slice3A_6 = vector.extract_strided_slice %get3A_1 {offsets = [0, 138], sizes = [4096, 10], strides = [1, 1]} : vector<4096x160xf32> to vector<4096x10xf32>
    %concatenate3A_7 = tpu.concatenate %slice3A_5, %slice3A_6 in 1 : vector<4096x10xf32>, vector<4096x10xf32> -> vector<4096x20xf32>
    %get3A_8 = arith.constant 0 : index
    %get3A_9 = arith.constant 0 : index
    %get3A_10 = vector.load %arg2[%get3A_8, %get3A_9] : memref<256x128xf32, #tpu.memory_space<vmem>>, vector<256x128xf32>
    %get3A_11 = arith.constant 0 : index
    %get3A_12 = arith.constant 128 : index
    %get3A_13 = vector.load %arg4[%get3A_11, %get3A_12] : memref<128x320xf32, #tpu.memory_space<vmem>>, vector<128x192xf32>
    %dot_general3A = arith.constant dense<0.000000e+00> : vector<256x192xf32>
    %dot_general3A_14 = tpu.matmul %get3A_10, %get3A_13, %dot_general3A {dimension_numbers = #tpu.dot_dimension_numbers<[1], [0], [0], [1], [0, 0, 1, 1], [], []>, transpose_lhs_hint = false} : vector<256x128xf32>, vector<128x192xf32>, vector<256x192xf32> -> vector<256x192xf32>
    %slice3A_15 = vector.extract_strided_slice %dot_general3A_14 {offsets = [0, 0], sizes = [256, 64], strides = [1, 1]} : vector<256x192xf32> to vector<256x64xf32>
    %slice3A_16 = vector.extract_strided_slice %dot_general3A_14 {offsets = [0, 64], sizes = [256, 64], strides = [1, 1]} : vector<256x192xf32> to vector<256x64xf32>
    %slice3A_17 = vector.extract_strided_slice %dot_general3A_14 {offsets = [0, 128], sizes = [256, 64], strides = [1, 1]} : vector<256x192xf32> to vector<256x64xf32>
    %get3A_18 = arith.constant 0 : index
    %get3A_19 = arith.constant 0 : index
    %get3A_20 = vector.load %arg3[%get3A_18, %get3A_19] : memref<256x2xf32, #tpu.memory_space<vmem>>, vector<256x2xf32>
    %slice3A_21 = vector.extract_strided_slice %get3A_20 {offsets = [0, 0], sizes = [256, 1], strides = [1, 1]} : vector<256x2xf32> to vector<256x1xf32>
    %broadcast_in_dim3A = vector.shape_cast %slice3A_21 : vector<256x1xf32> to vector<256x1xf32>
    %broadcast_in_dim3A_22 = vector.broadcast %broadcast_in_dim3A : vector<256x1xf32> to vector<256x5xf32>
    %slice3A_23 = vector.extract_strided_slice %get3A_20 {offsets = [0, 1], sizes = [256, 1], strides = [1, 1]} : vector<256x2xf32> to vector<256x1xf32>
    %broadcast_in_dim3A_24 = vector.shape_cast %slice3A_23 : vector<256x1xf32> to vector<256x1xf32>
    %broadcast_in_dim3A_25 = vector.broadcast %broadcast_in_dim3A_24 : vector<256x1xf32> to vector<256x5xf32>
    %concatenate3A_26 = tpu.concatenate %broadcast_in_dim3A_22, %broadcast_in_dim3A_25 in 1 : vector<256x5xf32>, vector<256x5xf32> -> vector<256x10xf32>
    %get3A_27 = arith.constant 0 : index
    %get3A_28 = arith.constant 0 : index
    %get3A_29 = vector.load %arg9[%get3A_27, %get3A_28] : memref<1x10xf32, #tpu.memory_space<vmem>>, vector<1x10xf32>
    %mul3A = vector.broadcast %get3A_29 : vector<1x10xf32> to vector<256x10xf32>
    %mul3A_30 = arith.mulf %concatenate3A_26, %mul3A : vector<256x10xf32>
    %add3A = arith.constant 1.57079637 : f32
    %add3A_31 = vector.broadcast %add3A : f32 to vector<256x10xf32>
    %add3A_32 = arith.addf %mul3A_30, %add3A_31 : vector<256x10xf32>
    %concatenate3A_33 = tpu.concatenate %mul3A_30, %add3A_32 in 1 : vector<256x10xf32>, vector<256x10xf32> -> vector<256x20xf32>
    %sin3A = math.sin %concatenate3A_33 : vector<256x20xf32>
    %slice3A_34 = vector.extract_strided_slice %sin3A {offsets = [0, 10], sizes = [256, 10], strides = [1, 1]} : vector<256x20xf32> to vector<256x10xf32>
    %neg3A = arith.constant 0.000000e+00 : f32
    %neg3A_35 = vector.broadcast %neg3A : f32 to vector<256x10xf32>
    %neg3A_36 = arith.subf %neg3A_35, %slice3A_34 : vector<256x10xf32>
    %slice3A_37 = vector.extract_strided_slice %sin3A {offsets = [0, 0], sizes = [256, 10], strides = [1, 1]} : vector<256x20xf32> to vector<256x10xf32>
    %concatenate3A_38 = tpu.concatenate %neg3A_36, %slice3A_37 in 1 : vector<256x10xf32>, vector<256x10xf32> -> vector<256x20xf32>
    %get3A_39 = arith.constant 33 : index
    %get3A_40 = arith.constant 0 : index
    %get3A_41 = vector.load %arg7[%get3A_39, %get3A_40] : memref<35x64xf32, #tpu.memory_space<vmem>>, vector<2x64xf32>
    %dot_general3A_42 = arith.constant dense<0.000000e+00> : vector<256x64xf32>
    %dot_general3A_43 = tpu.matmul %get3A_20, %get3A_41, %dot_general3A_42 {dimension_numbers = #tpu.dot_dimension_numbers<[1], [0], [0], [1], [0, 0, 1, 1], [], []>, transpose_lhs_hint = false} : vector<256x2xf32>, vector<2x64xf32>, vector<256x64xf32> -> vector<256x64xf32>
    %get3A_44 = arith.constant 2 : index
    %get3A_45 = arith.constant 0 : index
    %get3A_46 = vector.load %arg8[%get3A_44, %get3A_45] : memref<3x64xf32, #tpu.memory_space<vmem>>, vector<1x64xf32>
    %add3A_47 = vector.broadcast %get3A_46 : vector<1x64xf32> to vector<256x64xf32>
    %add3A_48 = arith.addf %dot_general3A_43, %add3A_47 : vector<256x64xf32>
    %add3A_49 = arith.addf %slice3A_15, %add3A_48 : vector<256x64xf32>
    %broadcast_in_dim3A_50 = vector.shape_cast %sin3A : vector<256x20xf32> to vector<256x1x20xf32>
    %broadcast_in_dim3A_51 = vector.shape_cast %broadcast_in_dim3A_50 : vector<256x1x20xf32> to vector<256x1x20xf32>
    %broadcast_in_dim3A_52 = vector.broadcast %broadcast_in_dim3A_51 : vector<256x1x20xf32> to vector<256x16x20xf32>
    %reshape3A = vector.shape_cast %broadcast_in_dim3A_52 : vector<256x16x20xf32> to vector<4096x20xf32>
    %mul3A_53 = arith.mulf %reshape3A, %concatenate3A_7 : vector<4096x20xf32>
    %broadcast_in_dim3A_54 = vector.shape_cast %concatenate3A_38 : vector<256x20xf32> to vector<256x1x20xf32>
    %broadcast_in_dim3A_55 = vector.shape_cast %broadcast_in_dim3A_54 : vector<256x1x20xf32> to vector<256x1x20xf32>
    %broadcast_in_dim3A_56 = vector.broadcast %broadcast_in_dim3A_55 : vector<256x1x20xf32> to vector<256x16x20xf32>
    %reshape3A_57 = vector.shape_cast %broadcast_in_dim3A_56 : vector<256x16x20xf32> to vector<4096x20xf32>
    %mul3A_58 = arith.mulf %reshape3A_57, %concatenate3A : vector<4096x20xf32>
    %add3A_59 = arith.addf %mul3A_53, %mul3A_58 : vector<4096x20xf32>
    %get3A_60 = arith.constant 13 : index
    %get3A_61 = arith.constant 0 : index
    %get3A_62 = vector.load %arg7[%get3A_60, %get3A_61] : memref<35x64xf32, #tpu.memory_space<vmem>>, vector<20x64xf32>
    %dot_general3A_63 = arith.constant dense<0.000000e+00> : vector<4096x64xf32>
    %dot_general3A_64 = tpu.matmul %add3A_59, %get3A_62, %dot_general3A_63 {dimension_numbers = #tpu.dot_dimension_numbers<[1], [0], [0], [1], [0, 0, 1, 1], [], []>, transpose_lhs_hint = false} : vector<4096x20xf32>, vector<20x64xf32>, vector<4096x64xf32> -> vector<4096x64xf32>
    %get3A_65 = arith.constant 0 : index
    %get3A_66 = arith.constant 0 : index
    %get3A_67 = vector.load %arg8[%get3A_65, %get3A_66] : memref<3x64xf32, #tpu.memory_space<vmem>>, vector<1x64xf32>
    %get3A_68 = arith.constant 1 : index
    %get3A_69 = arith.constant 0 : index
    %get3A_70 = vector.load %arg8[%get3A_68, %get3A_69] : memref<3x64xf32, #tpu.memory_space<vmem>>, vector<1x64xf32>
    %get3A_71 = arith.constant 0 : index
    %get3A_72 = arith.constant 0 : index
    %get3A_73 = vector.load %arg5[%get3A_71, %get3A_72] : memref<64x64xf32, #tpu.memory_space<vmem>>, vector<64x64xf32>
    %get3A_74 = arith.constant 0 : index
    %get3A_75 = arith.constant 0 : index
    %get3A_76 = vector.load %arg6[%get3A_74, %get3A_75] : memref<64x64xf32, #tpu.memory_space<vmem>>, vector<64x64xf32>
    %broadcast_in_dim3A_77 = vector.shape_cast %add3A_49 : vector<256x64xf32> to vector<256x1x64xf32>
    %broadcast_in_dim3A_78 = vector.shape_cast %broadcast_in_dim3A_77 : vector<256x1x64xf32> to vector<256x1x64xf32>
    %broadcast_in_dim3A_79 = vector.broadcast %broadcast_in_dim3A_78 : vector<256x1x64xf32> to vector<256x16x64xf32>
    %reshape3A_80 = vector.shape_cast %broadcast_in_dim3A_79 : vector<256x16x64xf32> to vector<4096x64xf32>
    %sub3A = arith.subf %reshape3A_80, %slice3A : vector<4096x64xf32>
    %add3A_81 = arith.addf %sub3A, %dot_general3A_64 : vector<4096x64xf32>
    %dot_general3A_82 = arith.constant dense<0.000000e+00> : vector<4096x64xf32>
    %dot_general3A_83 = tpu.matmul %add3A_81, %get3A_73, %dot_general3A_82 {dimension_numbers = #tpu.dot_dimension_numbers<[1], [0], [0], [1], [0, 0, 1, 1], [], []>, transpose_lhs_hint = false} : vector<4096x64xf32>, vector<64x64xf32>, vector<4096x64xf32> -> vector<4096x64xf32>
    %add3A_84 = vector.broadcast %get3A_67 : vector<1x64xf32> to vector<4096x64xf32>
    %add3A_85 = arith.addf %dot_general3A_83, %add3A_84 : vector<4096x64xf32>
    %max3A = arith.constant 0.000000e+00 : f32
    %max3A_86 = vector.broadcast %max3A : f32 to vector<4096x64xf32>
    %max3A_87 = arith.maximumf %add3A_85, %max3A_86 : vector<4096x64xf32>
    %dot_general3A_88 = arith.constant dense<0.000000e+00> : vector<4096x64xf32>
    %dot_general3A_89 = tpu.matmul %max3A_87, %get3A_76, %dot_general3A_88 {dimension_numbers = #tpu.dot_dimension_numbers<[1], [0], [0], [1], [0, 0, 1, 1], [], []>, transpose_lhs_hint = false} : vector<4096x64xf32>, vector<64x64xf32>, vector<4096x64xf32> -> vector<4096x64xf32>
    %add3A_90 = vector.broadcast %get3A_70 : vector<1x64xf32> to vector<4096x64xf32>
    %add3A_91 = arith.addf %dot_general3A_89, %add3A_90 : vector<4096x64xf32>
    %sub3A_92 = arith.subf %slice3A_15, %slice3A_16 : vector<256x64xf32>
    %dot_general3A_93 = arith.constant dense<0.000000e+00> : vector<256x64xf32>
    %dot_general3A_94 = tpu.matmul %sub3A_92, %get3A_73, %dot_general3A_93 {dimension_numbers = #tpu.dot_dimension_numbers<[1], [0], [0], [1], [0, 0, 1, 1], [], []>, transpose_lhs_hint = false} : vector<256x64xf32>, vector<64x64xf32>, vector<256x64xf32> -> vector<256x64xf32>
    %add3A_95 = vector.broadcast %get3A_67 : vector<1x64xf32> to vector<256x64xf32>
    %add3A_96 = arith.addf %dot_general3A_94, %add3A_95 : vector<256x64xf32>
    %max3A_97 = arith.constant 0.000000e+00 : f32
    %max3A_98 = vector.broadcast %max3A_97 : f32 to vector<256x64xf32>
    %max3A_99 = arith.maximumf %add3A_96, %max3A_98 : vector<256x64xf32>
    %dot_general3A_100 = arith.constant dense<0.000000e+00> : vector<256x64xf32>
    %dot_general3A_101 = tpu.matmul %max3A_99, %get3A_76, %dot_general3A_100 {dimension_numbers = #tpu.dot_dimension_numbers<[1], [0], [0], [1], [0, 0, 1, 1], [], []>, transpose_lhs_hint = false} : vector<256x64xf32>, vector<64x64xf32>, vector<256x64xf32> -> vector<256x64xf32>
    %add3A_102 = vector.broadcast %get3A_70 : vector<1x64xf32> to vector<256x64xf32>
    %add3A_103 = arith.addf %dot_general3A_101, %add3A_102 : vector<256x64xf32>
    %reshape3A_104 = vector.shape_cast %add3A_91 : vector<4096x64xf32> to vector<256x16x64xf32>
    %reduce_max3A = arith.constant dense<0xFF800000> : vector<256x64xf32>
    %reduce_max3A_105 = vector.multi_reduction <maximumf>, %reshape3A_104, %reduce_max3A [1] : vector<256x16x64xf32> to vector<256x64xf32>
    %max3A_106 = arith.maximumf %reduce_max3A_105, %add3A_103 : vector<256x64xf32>
    %broadcast_in_dim3A_107 = vector.shape_cast %max3A_106 : vector<256x64xf32> to vector<256x1x64xf32>
    %sub3A_108 = vector.broadcast %broadcast_in_dim3A_107 : vector<256x1x64xf32> to vector<256x16x64xf32>
    %sub3A_109 = arith.subf %reshape3A_104, %sub3A_108 : vector<256x16x64xf32>
    %exp3A = math.exp %sub3A_109 : vector<256x16x64xf32>
    %sub3A_110 = arith.subf %add3A_103, %max3A_106 : vector<256x64xf32>
    %exp3A_111 = math.exp %sub3A_110 : vector<256x64xf32>
    %add3A_112 = arith.addf %slice3A_2, %dot_general3A_64 : vector<4096x64xf32>
    %broadcast_in_dim3A_113 = vector.shape_cast %add3A_48 : vector<256x64xf32> to vector<256x1x64xf32>
    %broadcast_in_dim3A_114 = vector.shape_cast %broadcast_in_dim3A_113 : vector<256x1x64xf32> to vector<256x1x64xf32>
    %broadcast_in_dim3A_115 = vector.broadcast %broadcast_in_dim3A_114 : vector<256x1x64xf32> to vector<256x16x64xf32>
    %reshape3A_116 = vector.shape_cast %broadcast_in_dim3A_115 : vector<256x16x64xf32> to vector<4096x64xf32>
    %add3A_117 = arith.addf %add3A_112, %reshape3A_116 : vector<4096x64xf32>
    %reshape3A_118 = vector.shape_cast %add3A_117 : vector<4096x64xf32> to vector<256x16x64xf32>
    %mul3A_119 = arith.mulf %exp3A, %reshape3A_118 : vector<256x16x64xf32>
    %reduce_sum3A = arith.constant dense<0.000000e+00> : vector<256x64xf32>
    %reduce_sum3A_120 = vector.multi_reduction <add>, %mul3A_119, %reduce_sum3A [1] : vector<256x16x64xf32> to vector<256x64xf32>
    %reduce_sum3A_121 = arith.constant dense<0.000000e+00> : vector<256x64xf32>
    %reduce_sum3A_122 = vector.multi_reduction <add>, %exp3A, %reduce_sum3A_121 [1] : vector<256x16x64xf32> to vector<256x64xf32>
    %add3A_123 = arith.addf %reduce_sum3A_122, %exp3A_111 : vector<256x64xf32>
    %mul3A_124 = arith.mulf %exp3A_111, %slice3A_17 : vector<256x64xf32>
    %add3A_125 = arith.addf %reduce_sum3A_120, %mul3A_124 : vector<256x64xf32>
    %div3A = arith.divf %add3A_125, %add3A_123 : vector<256x64xf32>
    %swap3A = arith.constant 0 : index
    %swap3A_126 = arith.constant 0 : index
    %swap3A_127 = vector.load %arg10[%swap3A, %swap3A_126] : memref<256x64xf32, #tpu.memory_space<vmem>>, vector<256x64xf32>
    tpu.vector_store %arg10[%swap3A, %swap3A_126], %div3A {strides = array<i32>} : memref<256x64xf32, #tpu.memory_space<vmem>>, vector<256x64xf32>,
    return
  }
  func.func @transform_0(%arg0: i32) -> (i32, i32) {
    %c0_i32 = arith.constant 0 : i32
    %c0_i32_0 = arith.constant 0 : i32
    return %arg0, %c0_i32 : i32, i32
  }
  func.func @transform_1(%arg0: i32) -> (i32, i32) {
    %c0_i32 = arith.constant 0 : i32
    %c0_i32_0 = arith.constant 0 : i32
    return %arg0, %c0_i32 : i32, i32
  }
  func.func @transform_2(%arg0: i32) -> (i32, i32) {
    %c0_i32 = arith.constant 0 : i32
    %c0_i32_0 = arith.constant 0 : i32
    return %arg0, %c0_i32 : i32, i32
  }
  func.func @transform_3(%arg0: i32) -> (i32, i32) {
    %c0_i32 = arith.constant 0 : i32
    %c0_i32_0 = arith.constant 0 : i32
    %c0_i32_1 = arith.constant 0 : i32
    return %c0_i32, %c0_i32_0 : i32, i32
  }
  func.func @transform_4(%arg0: i32) -> (i32, i32) {
    %c0_i32 = arith.constant 0 : i32
    %c0_i32_0 = arith.constant 0 : i32
    %c0_i32_1 = arith.constant 0 : i32
    return %c0_i32, %c0_i32_0 : i32, i32
  }
  func.func @transform_5(%arg0: i32) -> (i32, i32) {
    %c0_i32 = arith.constant 0 : i32
    %c0_i32_0 = arith.constant 0 : i32
    %c0_i32_1 = arith.constant 0 : i32
    return %c0_i32, %c0_i32_0 : i32, i32
  }
  func.func @transform_6(%arg0: i32) -> (i32, i32) {
    %c0_i32 = arith.constant 0 : i32
    %c0_i32_0 = arith.constant 0 : i32
    %c0_i32_1 = arith.constant 0 : i32
    return %c0_i32, %c0_i32_0 : i32, i32
  }
  func.func @transform_7(%arg0: i32) -> (i32, i32) {
    %c0_i32 = arith.constant 0 : i32
    %c0_i32_0 = arith.constant 0 : i32
    %c0_i32_1 = arith.constant 0 : i32
    return %c0_i32, %c0_i32_0 : i32, i32
  }
  func.func @transform_8(%arg0: i32) -> (i32, i32) {
    %c0_i32 = arith.constant 0 : i32
    %c0_i32_0 = arith.constant 0 : i32
    %c0_i32_1 = arith.constant 0 : i32
    return %c0_i32, %c0_i32_0 : i32, i32
  }
  func.func @transform_9(%arg0: i32) -> (i32, i32) {
    %c0_i32 = arith.constant 0 : i32
    %c0_i32_0 = arith.constant 0 : i32
    return %arg0, %c0_i32 : i32, i32
  }
}

</mosaic_0001>

<sc_bundles>
// kernel: kernel.6.cloned.1.call-start
scs
__scs_entry_jumppad:
0x0: {  	(pc) =	sbr.rel $0x88, $3  }
0x1: {  	(tag) =	ssettag $0x0;
	lr =	simm.s32 $0x1  }
0x2: {  	[smem:$0x3F92] =	sst lr;
	_ =	strace $0xD0000000  }
0x3: {  	_ = 	snop  }
0x4: {  	_ = 	snop  }
0x5: {  	_ = 	snop  }
0x6: {  	_ = 	snop  }
0x7: {  	_ = 	snop  }
__scs_overlays_trampoline_lowered:
0x8: {  	[smem:$0x3FA1] =	sst s0  }
0x9: {  	[smem:$0x3FA2] =	sst s1  }
0xa: {  	[smem:$0x3FA3] =	sst s2  }
0xb: {  	[smem:$0x3FA4] =	sst s3  }
0xc: {  	[smem:$0x3FA5] =	sst s4  }
0xd: {  	[smem:$0x3FA6] =	sst s5  }
0xe: {  	[smem:$0x3FA7] =	sst s6  }
0xf: {  	[smem:$0x3FA8] =	sst s7  }
0x10: {  	[smem:$0x3FA9] =	sst s8  }
0x11: {  	[smem:$0x3FAA] =	sst s9;
	s0 =	simm.s32 @!p0 $0x0  }
0x12: {  	s1 =	sld [smem:$0x3F90];
	s0 =	simm.s32 @p0 $0x1  }
0x13: {  	[smem:$0x3FAB] =	sst s0;
	s0 =	simm.s32 @!p1 $0x0  }
0x14: {  	s2 =	sld [smem:$0x3F8F];
	s0 =	simm.s32 @p1 $0x1  }
0x15: {  	[smem:$0x3FAC] =	sst s0;
	s0 =	simm.s32 @!p2 $0x0  }
0x16: {  	s3 =	sld [smem:$0x3FDB];
	s0 =	simm.s32 @p2 $0x1  }
0x17: {  	s4 =	simm.s32 $0x1BF5;
	[smem:$0x3FAE] =	sst s0  }
0x18: {  	s0 =	sld [smem:$0x3F91];
	_ =	swait.ge [sflag:s4], $0x0  }
0x19: {  	s7 =	sld [smem:$0x3F92]  }
0x1a: {  	s8 =	sadd.s32 $0xFFFFE003, lr  }
0x1b: {  	s9 =	sadd.s32 $0xFFFFFEF7, lr;
	s5 =	simm.s32 $0xFFFFFFFF;
	p2 =	slt.u32 s8, $0xFFFFF086  }
0x1c: {  	p1 =	slt.u32 s9, $0xF7A;
	s5 =	simm.s32 @!p2 $0x0  }
0x1d: {  	s5 =	simm.s32 @p1 $0x1;
	p0 =	seq.s32 s7, s2  }
0x1e: {  	s7 =	smul.u32 @!p0 $0xF7A, s2;
	p2 =	seq.s32 @!p0 s5, $0x0  }
0x1f: {  	s9 =	smul.u32 $0xF7A, s1;
	s8 =	simm.s32 @!p0 $0x1BF5;
	p2 =	por !p2, p0  }
0x20: {  	[sflag:s8] =	ssyncset.s32 @!p0 $0xFFFFF086;
	s6 =	sadd.s32 @!p0 s3, s7;
	s7 =	simm.s32 @!p0 $0x108  }
0x21: {  	s3 =	sadd.s32 s3, s9;
	s6 =	sadd.s32 @!p0 $0x88, s6;
	s7 =	simm.s32 @p2 $0x1082  }
0x22: {  	[simem:s7], [sflag:s8] =	dma.local @!p0 [hbm:s6], $0xF7A  }
0x23: {  	s9 =	sor.u32 $0xD0000000, s2;
	s6 =	simm.s32 $0x108;
	_ =	swait.ge @!p0 [sflag:s8], $0x0  }
0x24: {  	s3 =	sadd.s32 $0x88, s3;
	s6 =	simm.s32 @!p1 $0x1082;
	[sflag:s4] =	ssyncset.s32 $0xFFFFF086  }
0x25: {  	[simem:s6], [sflag:s4] =	dma.local [hbm:s3], $0xF7A  }
0x26: {  	[smem:$0x3F92] =	sst s1;
	(tag) =	ssettag s2;
	_ =	strace s9  }
0x27: {  	s1 =	sld [smem:$0x3FA2]  }
0x28: {  	s2 =	sld [smem:$0x3FA3]  }
0x29: {  	s4 =	sld [smem:$0x3FA5]  }
0x2a: {  	p0 =	seq.s32 s5, $0x0;
	s5 =	sld [smem:$0x3FA6]  }
0x2b: {  	s6 =	sld [smem:$0x3FA7]  }
0x2c: {  	s7 =	sld [smem:$0x3FA8]  }
0x2d: {  	s3 =	simm.s32 $0x108;
	s8 =	sld [smem:$0x3FA9]  }
0x2e: {  	s3 =	simm.s32 @!p0 $0x1082;
	s9 =	sld [smem:$0x3FAA]  }
0x2f: {  	lr =	sadd.s32 s0, s3;
	s0 =	sld [smem:$0x3FA1]  }
0x30: {  	s3 =	sld [smem:$0x3FA4]  }
0x31: {  	[smem:$0x3FAD] =	sst s10  }
0x32: {  	s10 =	sld [smem:$0x3FAB];
	_ =	sdelay $0x3  }
0x33: {  	p0 =	seq.s32 s10, $0x1;
	s10 =	sld [smem:$0x3FAD];
	_ =	sdelay $0x3  }
0x34: {  	[smem:$0x3FAD] =	sst s10  }
0x35: {  	s10 =	sld [smem:$0x3FAC];
	_ =	sdelay $0x3  }
0x36: {  	p1 =	seq.s32 s10, $0x1;
	s10 =	sld [smem:$0x3FAD];
	_ =	sdelay $0x3  }
0x37: {  	[smem:$0x3FAD] =	sst s10  }
0x38: {  	s10 =	sld [smem:$0x3FAE]  }
0x39: {  	_ = 	snop;
	(pc) =	sbr.ind lr, $3  }
0x3a: {  	_ = 	snop  }
0x3b: {  	_ = 	snop  }
0x3c: {  	p2 =	seq.s32 s10, $0x1;
	s10 =	sld [smem:$0x3FAD]  }
0x3d: {  	_ =	shalt  }
0x3e: {  	_ =	shalt  }
0x3f: {  	_ =	shalt  }
0x40: {  	_ =	shalt  }
0x41: {  	_ =	shalt  }
0x42: {  	_ =	shalt  }
0x43: {  	_ =	shalt  }
0x44: {  	_ =	shalt  }
0x45: {  	_ =	shalt  }
0x46: {  	_ =	shalt  }
0x47: {  	_ =	shalt  }
0x48: {  	_ =	shalt  }
0x49: {  	_ =	shalt  }
0x4a: {  	_ =	shalt  }
0x4b: {  	_ =	shalt  }
0x4c: {  	_ =	shalt  }
0x4d: {  	_ =	shalt  }
0x4e: {  	_ =	shalt  }
0x4f: {  	_ =	shalt  }
0x50: {  	_ =	shalt  }
0x51: {  	_ =	shalt  }
0x52: {  	_ =	shalt  }
0x53: {  	_ =	shalt  }
0x54: {  	_ =	shalt  }
0x55: {  	_ =	shalt  }
0x56: {  	_ =	shalt  }
0x57: {  	_ =	shalt  }
0x58: {  	_ =	shalt  }
0x59: {  	_ =	shalt  }
0x5a: {  	_ =	shalt  }
0x5b: {  	_ =	shalt  }
0x5c: {  	_ =	shalt  }
0x5d: {  	_ =	shalt  }
0x5e: {  	_ =	shalt  }
0x5f: {  	_ =	shalt  }
0x60: {  	_ =	shalt  }
0x61: {  	_ =	shalt  }
0x62: {  	_ =	shalt  }
0x63: {  	_ =	shalt  }
0x64: {  	_ =	shalt  }
0x65: {  	_ =	shalt  }
0x66: {  	_ =	shalt  }
0x67: {  	_ =	shalt  }
0x68: {  	_ =	shalt  }
0x69: {  	_ =	shalt  }
0x6a: {  	_ =	shalt  }
0x6b: {  	_ =	shalt  }
0x6c: {  	_ =	shalt  }
0x6d: {  	_ =	shalt  }
0x6e: {  	_ =	shalt  }
0x6f: {  	_ =	shalt  }
0x70: {  	_ =	shalt  }
0x71: {  	_ =	shalt  }
0x72: {  	_ =	shalt  }
0x73: {  	_ =	shalt  }
0x74: {  	_ =	shalt  }
0x75: {  	_ =	shalt  }
0x76: {  	_ =	shalt  }
0x77: {  	_ =	shalt  }
0x78: {  	_ =	shalt  }
0x79: {  	_ =	shalt  }
0x7a: {  	_ =	shalt  }
0x7b: {  	_ =	shalt  }
0x7c: {  	_ =	shalt  }
0x7d: {  	_ =	shalt  }
0x7e: {  	_ =	shalt  }
0x7f: {  	_ =	shalt  }
0x80: {  	_ =	shalt  }
0x81: {  	_ =	shalt  }
0x82: {  	_ =	shalt  }
0x83: {  	_ =	shalt  }
0x84: {  	_ =	shalt  }
0x85: {  	_ =	shalt  }
0x86: {  	_ =	shalt  }
0x87: {  	_ =	shalt  }
.Lfunc_end0:
.L_simem_size_0:
called_computation_lowered:
.L_overlay_start_0:
0x88: {  	s2 =	sld [smem:$0x3FD9]  }
0x89: {  	s3 =	sld [smem:$0x3FFE];
	_ =	sdelay $0x1  }
0x8a: {  	s1 =	srdreg.scid  }
0x8b: {  	s0 =	sand.u32 $0x1, s1  }
0x8c: {  	s17 =	sshll.u32 s0, $0xA;
	s2 =	sadd.s32 s3, s2  }
0x8d: {  	s2 =	sadd.s32 s2, s17  }
0x8e: {  	[smem:$0x3FB9] =	sst s2  }
0x8f: {  	_ = 	snop  }
0x90: {  	s2 =	sld [smem:$0x3FD0];
	(tm) =	ssettm $0x1  }
0x91: {  	s18 =	sld [smem:$0x3FFB];
	_ =	sdelay $0x3  }
0x92: {  	_ =	strace s18  }
0x93: {  	s3 =	sld [smem:$0x3FFC];
	_ =	sdelay $0x3  }
0x94: {  	_ =	strace s3  }
0x95: {  	s3 =	sld [smem:$0x3FFD];
	_ =	sdelay $0x3  }
0x96: {  	_ =	strace s3  }
0x97: {  	_ =	strace $0x8FFFFFFF  }
0x98: {  	s19 =	sld [smem:$0x3FDB];
	_ =	sdelay $0x1  }
0x99: {  	s4 =	simm.s32 $_scs_section_size  }
0x9a: {  	s5 =	simm.s32 $_size__tile_overlayer_lowered;
	s6 =	simm.s32 $_tile_overlayer_lowered  }
0x9b: {  	s22 =	simm.s32 $0x1BFF;
	s21 =	sshll.u32 s6, $0x1;
	s3 =	sadd.s32 s4, s19  }
0x9c: {  	s7 =	simm.s32 $0x0;
	s20 =	sshll.u32 s5, $0x1;
	s5 =	sadd.s32 s21, s3  }
0x9d: {  	[timem:s7], [sflag:s22] =	dma.local [hbm:s5], s20  }
0x9e: {  	_ =	swait.ge [sflag:s22], s20  }
0x9f: {  	s4 =	ssub.s32 $0x0, s20;
	[sflag:s22] =	ssyncset.done $0x0  }
0xa0: {  	[sflag:s22] =	ssyncadd.s32 s4;
	_ =	sdelay $0x1  }
0xa1: {  	s23 =	simm.s32 $0x1B8B  }
0xa2: {  	_ =	swait.ge [sflag:s23], $0x1  }
0xa3: {  	[sflag:s23] =	ssyncset.done $0x0  }
0xa4: {  	s25 =	simm.s32 $0x1B8E;
	s24 =	sld [smem:$0x3FFE];
	[sflag:s23] =	ssyncadd.s32 $0xFFFFFFFF  }
0xa5: {  	s26 =	simm.s32 $execute0_lowered;
	[smem:$0x3FD2] =	sst s25  }
0xa6: {  	s5 =	sshll.u32 s26, $0x1;
	_ =	strace $0x80000046;
	[dreg:$0x1] =	wrdreg $0xFFFFFFFF  }
0xa7: {  	s28 =	simm.s32 $_size_execute0_lowered;
	s3 =	sadd.s32 s3, s5;
	[dreg:$0x0] =	wrdreg $0x0  }
0xa8: {  	s5 =	sshll.u32 s28, $0x1;
	[dreg:$0x2] =	wrdreg s3  }
0xa9: {  	[dreg:$0x3] =	wrdreg s5  }
0xaa: {  	[dreg:$0x4] =	wrdreg $0xC0  }
0xab: {  	_ =	task [dreg:s7], $0x5FFFF  }
0xac: {  	[dreg:$0x1] =	wrdreg $0xFFFFFFFF  }
0xad: {  	[dreg:$0x0] =	wrdreg $0x60  }
0xae: {  	[dreg:$0x2] =	wrdreg s24  }
0xaf: {  	[dreg:$0x3] =	wrdreg s2  }
0xb0: {  	[dreg:$0x4] =	wrdreg $0x9  }
0xb1: {  	_ =	task.clear_ibuf [dreg:s7], $0x5FFFF;
	_ =	strace $0x90000046  }
0xb2: {  	s29 =	simm.s32 $0x9;
	_ =	strace $0x80000048  }
0xb3: {  	_ =	swait.ge [sflag:s29], $0x1  }
0xb4: {  	[sflag:s29] =	ssyncadd.s32 $0xFFFFFFFF  }
0xb5: {  	_ =	strace $0x90000048  }
0xb6: {  	_ =	sfence  }
0xb7: {  	s30 =	sld [smem:$0x0];
	_ =	sdelay $0x2  }
0xb8: {  	s31 =	sshll.u32 s1, $0xD;
	s1 =	sshrl.u32 s1, $0x2  }
0xb9: {  	s3 =	sand.u32 $0x4000, s31;
	s1 =	sadd.s32 s1, s30  }
0xba: {  	s0 =	sor.u32 s3, s0;
	s1 =	sshll.u32 s1, $0x11  }
0xbb: {  	s0 =	sor.u32 s1, s0  }
0xbc: {  	s0 =	sadd.s32 $0x8F2B, s0  }
0xbd: {  	[sflag:s0] =	ssyncadd.remote.s32 $0x1  }
0xbe: {  	_ =	sfence.sel $0xFFFF  }
0xbf: {  	[dreg:$0x0] =	wrdreg $0xFFFFFFFF;
	(pc) =	sbr.abs _section_cstart, $3  }
0xc0: {  	[dreg:$0x1] =	wrdreg $0xFFFFFFFF  }
0xc1: {  	_ =	task.clear_ibuf [dreg:s7], $0x2FFFF;
	_ =	strace $0x9FFFFFFF  }
0xc2: {  	(tm) =	ssettm $0x7FFFFFFF  }
0xc3: {  	_ =	shalt  }
tec
execute0_lowered:
.L_overlay_start_1:
0x0: {  	(tag) =	ssettag $0x1  }
0x1: {  	s0 =	srdreg.scid  }
0x2: {  	s2 =	stileid.u32;
	s1 =	sand.u32 $0x1, s0  }
0x3: {  	s25 =	sshll.u32 s2, $0xD;
	s26 =	sshll.u32 s1, $0xC  }
0x4: {  	s3 =	rddreg [dreg:$0x0];
	s0 =	sor.u32 s26, s25  }
0x5: {  	s4 =	rddreg [dreg:$0x1];
	s5 =	smul.u32 $0x14, s0  }
0x6: {  	s2 =	simm.s32 $0x0;
	s6 =	sadd.s32 $0xD5600, s3;
	s7 =	sshrl.u32 s0, $0x3  }
0x7: {  	[smem:$0x7FF] =	sst s2;
	s4 =	sadd.s32 s4, s7;
	s30 =	sadd.s32 s6, s5  }
0x8: {  	_ =	strace $0x80000047;
	[dreg:$0x3] =	wrdreg s4;
	s5 =	sadd.s32 $0xA00, s30  }
0x9: {  	s7 =	sadd.s32 $0x1400, s30;
	[dreg:$0x4] =	wrdreg s5  }
0xa: {  	s0 =	smul.u32 $0xA0, s0;
	s8 =	sadd.s32 $0x1E00, s30;
	[dreg:$0x5] =	wrdreg s7  }
0xb: {  	s9 =	sadd.s32 $0x2800, s30;
	[dreg:$0x6] =	wrdreg s8  }
0xc: {  	s0 =	sshrl.u32 s0, $0x3;
	s10 =	sadd.s32 $0x3200, s30;
	[dreg:$0x7] =	wrdreg s9  }
0xd: {  	s11 =	sadd.s32 $0x3C00, s30;
	s0 =	sadd.s32 s6, s0;
	[dreg:$0x8] =	wrdreg s10  }
0xe: {  	[dreg:$0x9] =	wrdreg s11;
	s12 =	sadd.s32 $0x4600, s0  }
0xf: {  	s13 =	sadd.s32 $0x5000, s0;
	[dreg:$0xa] =	wrdreg s12  }
0x10: {  	s14 =	sadd.s32 $0x5A00, s0;
	[dreg:$0xb] =	wrdreg s13  }
0x11: {  	s15 =	sadd.s32 $0x6400, s0;
	[dreg:$0xc] =	wrdreg s14  }
0x12: {  	s16 =	sadd.s32 $0x6E00, s0;
	[dreg:$0xd] =	wrdreg s15  }
0x13: {  	s17 =	sadd.s32 $0x7800, s0;
	[dreg:$0xe] =	wrdreg s16  }
0x14: {  	s18 =	sadd.s32 $0x8200, s0;
	[dreg:$0xf] =	wrdreg s17  }
0x15: {  	s19 =	sadd.s32 $0x8C00, s0;
	[dreg:$0x10] =	wrdreg s18  }
0x16: {  	s20 =	sadd.s32 $0x9600, s0;
	[dreg:$0x11] =	wrdreg s19  }
0x17: {  	s21 =	sadd.s32 $0xA000, s0;
	[dreg:$0x12] =	wrdreg s20  }
0x18: {  	s22 =	sadd.s32 $0xAA00, s0;
	[dreg:$0x13] =	wrdreg s21  }
0x19: {  	s23 =	sadd.s32 $0xB400, s0;
	[dreg:$0x14] =	wrdreg s22  }
0x1a: {  	s24 =	sadd.s32 $0xBE00, s0;
	[dreg:$0x15] =	wrdreg s23  }
0x1b: {  	s25 =	sadd.s32 $0xC800, s0;
	[dreg:$0x16] =	wrdreg s24  }
0x1c: {  	s26 =	sadd.s32 $0xD200, s0;
	[dreg:$0x17] =	wrdreg s25  }
0x1d: {  	s5 =	sadd.s32 $0xDC00, s0;
	[dreg:$0x18] =	wrdreg s26  }
0x1e: {  	s6 =	sadd.s32 $0xE600, s0;
	[dreg:$0x19] =	wrdreg s5  }
0x1f: {  	s7 =	sadd.s32 $0xF000, s0;
	[dreg:$0x1a] =	wrdreg s6  }
0x20: {  	s8 =	sadd.s32 $0xFA00, s0;
	[dreg:$0x1b] =	wrdreg s7  }
0x21: {  	s9 =	sadd.s32 $0x10400, s0;
	[dreg:$0x1c] =	wrdreg s8  }
0x22: {  	s10 =	sadd.s32 $0x10E00, s0;
	[dreg:$0x1d] =	wrdreg s9  }
0x23: {  	s31 =	simm.s32 $0x5;
	s11 =	sadd.s32 $0x11800, s0;
	[dreg:$0x1e] =	wrdreg s10  }
0x24: {  	s29 =	simm.s32 $0x700;
	[dreg:$0x1f] =	wrdreg s11;
	s12 =	sadd.s32 $0x12200, s0  }
0x25: {  	s28 =	simm.s32 $0x780;
	s13 =	sadd.s32 $0x12C00, s0;
	[smem:$0x7EF] =	sst s12  }
0x26: {  	p0 =	por $0x0, $0x0;
	s0 =	sadd.s32 $0x13600, s0;
	[smem:$0x7F0] =	sst s13  }
0x27: {  	s3 =	sadd.s32 $0x85600, s3;
	s14 =	simm.s32 $0x100;
	[smem:$0x7F1] =	sst s0  }
0x28: {  	s1 =	ssub.s32 $0x2, s1;
	s15 =	simm.s32 $0x180;
	[smem:$0x7F2] =	sst s14  }
0x29: {  	s4 =	simm.s32 $0x6000;
	s17 =	simm.s32 $0x200;
	[smem:$0x7F3] =	sst s15  }
0x2a: {  	s16 =	sshrl.u32 s1, $0x1;
	s18 =	simm.s32 $0x280;
	[smem:$0x7F4] =	sst s17  }
0x2b: {  	s19 =	simm.s32 $0x300;
	s20 =	simm.s32 $0x380;
	[smem:$0x7F5] =	sst s18  }
0x2c: {  	s7 =	simm.s32 $0x80;
	s21 =	simm.s32 $0x400;
	[smem:$0x7F6] =	sst s19  }
0x2d: {  	s5 =	simm.s32 $0x1000;
	s22 =	simm.s32 $0x480;
	[smem:$0x7F7] =	sst s20  }
0x2e: {  	s23 =	simm.s32 $0x500;
	s9 =	simm.s32 $0x1;
	[smem:$0x7F8] =	sst s21  }
0x2f: {  	s24 =	simm.s32 $0x580;
	s6 =	simm.s32 $0x3;
	[smem:$0x7F9] =	sst s22  }
0x30: {  	s25 =	simm.s32 $0x600;
	s10 =	simm.s32 $0x2;
	[smem:$0x7FA] =	sst s23  }
0x31: {  	s26 =	simm.s32 $0x680;
	s8 =	simm.s32 $0x4;
	[smem:$0x7FB] =	sst s24  }
0x32: {  	s11 =	simm.s32 $0xF80;
	s1 =	ssub.s32 s1, s16;
	[smem:$0x7FC] =	sst s25  }
0x33: {  	[smem:$0x7FD] =	sst s26;
	s26 =	simm.s32 $0x800;
	s1 =	smax.u32 s1, $0x1  }
0x34: {  	s25 =	simm.s32 $0x880;
	s24 =	simm.s32 $0x900;
	p1 =	sne.s32 s1, $0x1  }
.Ltmp0:
0x35: {  	s23 =	simm.s32 $0x980;
	s22 =	simm.s32 $0xA00;
	(pc) =	sbr.rel @!p1 .LBB2_3-.Ltmp0, $4  }
0x36: {  	s21 =	simm.s32 $0xA80;
	s20 =	simm.s32 $0xB00;
	s19 =	simm.s32 $0xB80  }
0x37: {  	s18 =	simm.s32 $0xC00;
	s17 =	simm.s32 $0xC80;
	s16 =	simm.s32 $0xD00  }
0x38: {  	s15 =	simm.s32 $0xD80;
	s14 =	simm.s32 $0xE00;
	s13 =	simm.s32 $0xE80  }
0x39: {  	s12 =	simm.s32 $0xF00;
	s0 =	rddreg [dreg:$0x3];
	s1 =	sadd.s32 $0xFFFFFFFF, s1  }
0x3a: {  	[tilespmem:s2], [sflag:$0x5] =	stream.linear.gather [hbm4b:s0+s2], $0x1000, $0x38;
	[tilespmem:$0xB000] =	vst v63  }
0x3b: {  	_ =	swait.ge [sflag:s31], $0x1000  }
0x3c: {  	[sflag:s31] =	ssyncset.done $0x0  }
0x3d: {  	[sflag:s31] =	ssyncadd.s32 $0xFFFFF000  }
0x3e: {  	[tilespmem:s5], [sflag:$0x1] =	stream.indirect.gather [hbm4b:s3+s7], $0xA0, s2, s7, $0xb8;
	[tilespmem:$0xB000] =	vst v63  }
0x3f: {  	_ = 	snop  }
0x40: {  	[tilespmem:s4], [sflag:$0x2] =	stream.indirect.gather [hbm4b:s3+s7], $0xA0, s7, s7, $0xb8;
	[tilespmem:$0xB000] =	vst v63  }
0x41: {  	_ =	swait.ge [sflag:s9], $0x5000  }
0x42: {  	[sflag:s9] =	ssyncset.done $0x0  }
0x43: {  	[sflag:s9] =	ssyncadd.s32 $0xFFFFB000  }
0x44: {  	[hbm4b:s30+s2] =	stream.linear.scatter [tilespmem:s5], [sflag:$0x3], $0x5000, $0x38;
	[tilespmem:$0xB000] =	vst v63  }
0x45: {  	_ =	swait.ge [sflag:s6], $0x5000  }
0x46: {  	s0 =	sld [smem:$0x7F2]  }
0x47: {  	[sflag:s6] =	ssyncset.done $0x0  }
0x48: {  	[sflag:s6] =	ssyncadd.s32 $0xFFFFB000  }
0x49: {  	[tilespmem:s5], [sflag:$0x1] =	stream.indirect.gather [hbm4b:s3+s7], $0xA0, s0, s7, $0xb8;
	[tilespmem:$0xB000] =	vst v63  }
0x4a: {  	_ =	swait.ge [sflag:s10], $0x5000  }
0x4b: {  	[sflag:s10] =	ssyncset.done $0x0  }
0x4c: {  	s0 =	rddreg [dreg:$0x4];
	[sflag:s10] =	ssyncadd.s32 $0xFFFFB000  }
0x4d: {  	[hbm4b:s0+s2] =	stream.linear.scatter [tilespmem:s4], [sflag:$0x4], $0x5000, $0x38;
	[tilespmem:$0xB000] =	vst v63  }
0x4e: {  	_ =	swait.ge [sflag:s8], $0x5000  }
0x4f: {  	s0 =	sld [smem:$0x7F3]  }
0x50: {  	[sflag:s8] =	ssyncset.done $0x0  }
0x51: {  	[sflag:s8] =	ssyncadd.s32 $0xFFFFB000  }
0x52: {  	[tilespmem:s4], [sflag:$0x2] =	stream.indirect.gather [hbm4b:s3+s7], $0xA0, s0, s7, $0xb8;
	[tilespmem:$0xB000] =	vst v63  }
0x53: {  	_ =	swait.ge [sflag:s9], $0x5000  }
0x54: {  	[sflag:s9] =	ssyncset.done $0x0  }
0x55: {  	s0 =	rddreg [dreg:$0x5];
	[sflag:s9] =	ssyncadd.s32 $0xFFFFB000  }
0x56: {  	[hbm4b:s0+s2] =	stream.linear.scatter [tilespmem:s5], [sflag:$0x3], $0x5000, $0x38;
	[tilespmem:$0xB000] =	vst v63  }
0x57: {  	_ =	swait.ge [sflag:s6], $0x5000  }
0x58: {  	s0 =	sld [smem:$0x7F4]  }
0x59: {  	[sflag:s6] =	ssyncset.done $0x0  }
0x5a: {  	[sflag:s6] =	ssyncadd.s32 $0xFFFFB000  }
0x5b: {  	[tilespmem:s5], [sflag:$0x1] =	stream.indirect.gather [hbm4b:s3+s7], $0xA0, s0, s7, $0xb8;
	[tilespmem:$0xB000] =	vst v63  }
0x5c: {  	_ =	swait.ge [sflag:s10], $0x5000  }
0x5d: {  	[sflag:s10] =	ssyncset.done $0x0  }
0x5e: {  	s0 =	rddreg [dreg:$0x6];
	[sflag:s10] =	ssyncadd.s32 $0xFFFFB000  }
0x5f: {  	[hbm4b:s0+s2] =	stream.linear.scatter [tilespmem:s4], [sflag:$0x4], $0x5000, $0x38;
	[tilespmem:$0xB000] =	vst v63  }
0x60: {  	_ =	swait.ge [sflag:s8], $0x5000  }
0x61: {  	s0 =	sld [smem:$0x7F5]  }
0x62: {  	[sflag:s8] =	ssyncset.done $0x0  }
0x63: {  	[sflag:s8] =	ssyncadd.s32 $0xFFFFB000  }
0x64: {  	[tilespmem:s4], [sflag:$0x2] =	stream.indirect.gather [hbm4b:s3+s7], $0xA0, s0, s7, $0xb8;
	[tilespmem:$0xB000] =	vst v63  }
0x65: {  	_ =	swait.ge [sflag:s9], $0x5000  }
0x66: {  	[sflag:s9] =	ssyncset.done $0x0  }
0x67: {  	s0 =	rddreg [dreg:$0x7];
	[sflag:s9] =	ssyncadd.s32 $0xFFFFB000  }
0x68: {  	[hbm4b:s0+s2] =	stream.linear.scatter [tilespmem:s5], [sflag:$0x3], $0x5000, $0x38;
	[tilespmem:$0xB000] =	vst v63  }
0x69: {  	_ =	swait.ge [sflag:s6], $0x5000  }
0x6a: {  	s0 =	sld [smem:$0x7F6]  }
0x6b: {  	[sflag:s6] =	ssyncset.done $0x0  }
0x6c: {  	[sflag:s6] =	ssyncadd.s32 $0xFFFFB000  }
0x6d: {  	[tilespmem:s5], [sflag:$0x1] =	stream.indirect.gather [hbm4b:s3+s7], $0xA0, s0, s7, $0xb8;
	[tilespmem:$0xB000] =	vst v63  }
0x6e: {  	_ =	swait.ge [sflag:s10], $0x5000  }
0x6f: {  	[sflag:s10] =	ssyncset.done $0x0  }
0x70: {  	s0 =	rddreg [dreg:$0x8];
	[sflag:s10] =	ssyncadd.s32 $0xFFFFB000  }
0x71: {  	[hbm4b:s0+s2] =	stream.linear.scatter [tilespmem:s4], [sflag:$0x4], $0x5000, $0x38;
	[tilespmem:$0xB000] =	vst v63  }
0x72: {  	_ =	swait.ge [sflag:s8], $0x5000  }
0x73: {  	s0 =	sld [smem:$0x7F7]  }
0x74: {  	[sflag:s8] =	ssyncset.done $0x0  }
0x75: {  	[sflag:s8] =	ssyncadd.s32 $0xFFFFB000  }
0x76: {  	[tilespmem:s4], [sflag:$0x2] =	stream.indirect.gather [hbm4b:s3+s7], $0xA0, s0, s7, $0xb8;
	[tilespmem:$0xB000] =	vst v63  }
0x77: {  	_ =	swait.ge [sflag:s9], $0x5000  }
0x78: {  	[sflag:s9] =	ssyncset.done $0x0  }
0x79: {  	s0 =	rddreg [dreg:$0x9];
	[sflag:s9] =	ssyncadd.s32 $0xFFFFB000  }
0x7a: {  	[hbm4b:s0+s2] =	stream.linear.scatter [tilespmem:s5], [sflag:$0x3], $0x5000, $0x38;
	[tilespmem:$0xB000] =	vst v63  }
0x7b: {  	_ =	swait.ge [sflag:s6], $0x5000  }
0x7c: {  	s0 =	sld [smem:$0x7F8]  }
0x7d: {  	[sflag:s6] =	ssyncset.done $0x0  }
0x7e: {  	[sflag:s6] =	ssyncadd.s32 $0xFFFFB000  }
0x7f: {  	[tilespmem:s5], [sflag:$0x1] =	stream.indirect.gather [hbm4b:s3+s7], $0xA0, s0, s7, $0xb8;
	[tilespmem:$0xB000] =	vst v63  }
0x80: {  	_ =	swait.ge [sflag:s10], $0x5000  }
0x81: {  	[sflag:s10] =	ssyncset.done $0x0  }
0x82: {  	s0 =	rddreg [dreg:$0xa];
	[sflag:s10] =	ssyncadd.s32 $0xFFFFB000  }
0x83: {  	[hbm4b:s0+s2] =	stream.linear.scatter [tilespmem:s4], [sflag:$0x4], $0x5000, $0x38;
	[tilespmem:$0xB000] =	vst v63  }
0x84: {  	_ =	swait.ge [sflag:s8], $0x5000  }
0x85: {  	s0 =	sld [smem:$0x7F9]  }
0x86: {  	[sflag:s8] =	ssyncset.done $0x0  }
0x87: {  	[sflag:s8] =	ssyncadd.s32 $0xFFFFB000  }
0x88: {  	[tilespmem:s4], [sflag:$0x2] =	stream.indirect.gather [hbm4b:s3+s7], $0xA0, s0, s7, $0xb8;
	[tilespmem:$0xB000] =	vst v63  }
0x89: {  	_ =	swait.ge [sflag:s9], $0x5000  }
0x8a: {  	[sflag:s9] =	ssyncset.done $0x0  }
0x8b: {  	s0 =	rddreg [dreg:$0xb];
	[sflag:s9] =	ssyncadd.s32 $0xFFFFB000  }
0x8c: {  	[hbm4b:s0+s2] =	stream.linear.scatter [tilespmem:s5], [sflag:$0x3], $0x5000, $0x38;
	[tilespmem:$0xB000] =	vst v63  }
0x8d: {  	_ =	swait.ge [sflag:s6], $0x5000  }
0x8e: {  	s0 =	sld [smem:$0x7FA]  }
0x8f: {  	[sflag:s6] =	ssyncset.done $0x0  }
0x90: {  	[sflag:s6] =	ssyncadd.s32 $0xFFFFB000  }
0x91: {  	[tilespmem:s5], [sflag:$0x1] =	stream.indirect.gather [hbm4b:s3+s7], $0xA0, s0, s7, $0xb8;
	[tilespmem:$0xB000] =	vst v63  }
0x92: {  	_ =	swait.ge [sflag:s10], $0x5000  }
0x93: {  	[sflag:s10] =	ssyncset.done $0x0  }
0x94: {  	s0 =	rddreg [dreg:$0xc];
	[sflag:s10] =	ssyncadd.s32 $0xFFFFB000  }
0x95: {  	[hbm4b:s0+s2] =	stream.linear.scatter [tilespmem:s4], [sflag:$0x4], $0x5000, $0x38;
	[tilespmem:$0xB000] =	vst v63  }
0x96: {  	_ =	swait.ge [sflag:s8], $0x5000  }
0x97: {  	s0 =	sld [smem:$0x7FB]  }
0x98: {  	[sflag:s8] =	ssyncset.done $0x0  }
0x99: {  	[sflag:s8] =	ssyncadd.s32 $0xFFFFB000  }
0x9a: {  	[tilespmem:s4], [sflag:$0x2] =	stream.indirect.gather [hbm4b:s3+s7], $0xA0, s0, s7, $0xb8;
	[tilespmem:$0xB000] =	vst v63  }
0x9b: {  	_ =	swait.ge [sflag:s9], $0x5000  }
0x9c: {  	[sflag:s9] =	ssyncset.done $0x0  }
0x9d: {  	s0 =	rddreg [dreg:$0xd];
	[sflag:s9] =	ssyncadd.s32 $0xFFFFB000  }
0x9e: {  	[hbm4b:s0+s2] =	stream.linear.scatter [tilespmem:s5], [sflag:$0x3], $0x5000, $0x38;
	[tilespmem:$0xB000] =	vst v63  }
0x9f: {  	_ =	swait.ge [sflag:s6], $0x5000  }
0xa0: {  	s0 =	sld [smem:$0x7FC]  }
0xa1: {  	[sflag:s6] =	ssyncset.done $0x0  }
0xa2: {  	[sflag:s6] =	ssyncadd.s32 $0xFFFFB000  }
0xa3: {  	[tilespmem:s5], [sflag:$0x1] =	stream.indirect.gather [hbm4b:s3+s7], $0xA0, s0, s7, $0xb8;
	[tilespmem:$0xB000] =	vst v63  }
0xa4: {  	_ =	swait.ge [sflag:s10], $0x5000  }
0xa5: {  	[sflag:s10] =	ssyncset.done $0x0  }
0xa6: {  	s0 =	rddreg [dreg:$0xe];
	[sflag:s10] =	ssyncadd.s32 $0xFFFFB000  }
0xa7: {  	[hbm4b:s0+s2] =	stream.linear.scatter [tilespmem:s4], [sflag:$0x4], $0x5000, $0x38;
	[tilespmem:$0xB000] =	vst v63  }
0xa8: {  	_ =	swait.ge [sflag:s8], $0x5000  }
0xa9: {  	s0 =	sld [smem:$0x7FD]  }
0xaa: {  	[sflag:s8] =	ssyncset.done $0x0  }
0xab: {  	[sflag:s8] =	ssyncadd.s32 $0xFFFFB000  }
0xac: {  	[tilespmem:s4], [sflag:$0x2] =	stream.indirect.gather [hbm4b:s3+s7], $0xA0, s0, s7, $0xb8;
	[tilespmem:$0xB000] =	vst v63  }
0xad: {  	_ =	swait.ge [sflag:s9], $0x5000  }
0xae: {  	[sflag:s9] =	ssyncset.done $0x0  }
0xaf: {  	s0 =	rddreg [dreg:$0xf];
	[sflag:s9] =	ssyncadd.s32 $0xFFFFB000  }
0xb0: {  	[hbm4b:s0+s2] =	stream.linear.scatter [tilespmem:s5], [sflag:$0x3], $0x5000, $0x38;
	[tilespmem:$0xB000] =	vst v63  }
0xb1: {  	_ =	swait.ge [sflag:s6], $0x5000  }
0xb2: {  	[sflag:s6] =	ssyncset.done $0x0  }
0xb3: {  	[sflag:s6] =	ssyncadd.s32 $0xFFFFB000  }
0xb4: {  	[tilespmem:s5], [sflag:$0x1] =	stream.indirect.gather [hbm4b:s3+s7], $0xA0, s29, s7, $0xb8;
	[tilespmem:$0xB000] =	vst v63  }
0xb5: {  	_ =	swait.ge [sflag:s10], $0x5000  }
0xb6: {  	[sflag:s10] =	ssyncset.done $0x0  }
0xb7: {  	s0 =	rddreg [dreg:$0x10];
	[sflag:s10] =	ssyncadd.s32 $0xFFFFB000  }
0xb8: {  	[hbm4b:s0+s2] =	stream.linear.scatter [tilespmem:s4], [sflag:$0x4], $0x5000, $0x38;
	[tilespmem:$0xB000] =	vst v63  }
0xb9: {  	_ =	swait.ge [sflag:s8], $0x5000  }
0xba: {  	[sflag:s8] =	ssyncset.done $0x0  }
0xbb: {  	[sflag:s8] =	ssyncadd.s32 $0xFFFFB000  }
0xbc: {  	[tilespmem:s4], [sflag:$0x2] =	stream.indirect.gather [hbm4b:s3+s7], $0xA0, s28, s7, $0xb8;
	[tilespmem:$0xB000] =	vst v63  }
0xbd: {  	_ =	swait.ge [sflag:s9], $0x5000  }
0xbe: {  	[sflag:s9] =	ssyncset.done $0x0  }
0xbf: {  	s0 =	rddreg [dreg:$0x11];
	[sflag:s9] =	ssyncadd.s32 $0xFFFFB000  }
0xc0: {  	[hbm4b:s0+s2] =	stream.linear.scatter [tilespmem:s5], [sflag:$0x3], $0x5000, $0x38;
	[tilespmem:$0xB000] =	vst v63  }
0xc1: {  	_ =	swait.ge [sflag:s6], $0x5000  }
0xc2: {  	[sflag:s6] =	ssyncset.done $0x0  }
0xc3: {  	[sflag:s6] =	ssyncadd.s32 $0xFFFFB000  }
0xc4: {  	[tilespmem:s5], [sflag:$0x1] =	stream.indirect.gather [hbm4b:s3+s7], $0xA0, s26, s7, $0xb8;
	[tilespmem:$0xB000] =	vst v63  }
0xc5: {  	_ =	swait.ge [sflag:s10], $0x5000  }
0xc6: {  	[sflag:s10] =	ssyncset.done $0x0  }
0xc7: {  	s0 =	rddreg [dreg:$0x12];
	[sflag:s10] =	ssyncadd.s32 $0xFFFFB000  }
0xc8: {  	[hbm4b:s0+s2] =	stream.linear.scatter [tilespmem:s4], [sflag:$0x4], $0x5000, $0x38;
	[tilespmem:$0xB000] =	vst v63  }
0xc9: {  	_ =	swait.ge [sflag:s8], $0x5000  }
0xca: {  	[sflag:s8] =	ssyncset.done $0x0  }
0xcb: {  	[sflag:s8] =	ssyncadd.s32 $0xFFFFB000  }
0xcc: {  	[tilespmem:s4], [sflag:$0x2] =	stream.indirect.gather [hbm4b:s3+s7], $0xA0, s25, s7, $0xb8;
	[tilespmem:$0xB000] =	vst v63  }
0xcd: {  	_ =	swait.ge [sflag:s9], $0x5000  }
0xce: {  	[sflag:s9] =	ssyncset.done $0x0  }
0xcf: {  	s0 =	rddreg [dreg:$0x13];
	[sflag:s9] =	ssyncadd.s32 $0xFFFFB000  }
0xd0: {  	[hbm4b:s0+s2] =	stream.linear.scatter [tilespmem:s5], [sflag:$0x3], $0x5000, $0x38;
	[tilespmem:$0xB000] =	vst v63  }
0xd1: {  	_ =	swait.ge [sflag:s6], $0x5000  }
0xd2: {  	[sflag:s6] =	ssyncset.done $0x0  }
0xd3: {  	[sflag:s6] =	ssyncadd.s32 $0xFFFFB000  }
0xd4: {  	[tilespmem:s5], [sflag:$0x1] =	stream.indirect.gather [hbm4b:s3+s7], $0xA0, s24, s7, $0xb8;
	[tilespmem:$0xB000] =	vst v63  }
0xd5: {  	_ =	swait.ge [sflag:s10], $0x5000  }
0xd6: {  	[sflag:s10] =	ssyncset.done $0x0  }
0xd7: {  	s0 =	rddreg [dreg:$0x14];
	[sflag:s10] =	ssyncadd.s32 $0xFFFFB000  }
0xd8: {  	[hbm4b:s0+s2] =	stream.linear.scatter [tilespmem:s4], [sflag:$0x4], $0x5000, $0x38;
	[tilespmem:$0xB000] =	vst v63  }
0xd9: {  	_ =	swait.ge [sflag:s8], $0x5000  }
0xda: {  	[sflag:s8] =	ssyncset.done $0x0  }
0xdb: {  	[sflag:s8] =	ssyncadd.s32 $0xFFFFB000  }
0xdc: {  	[tilespmem:s4], [sflag:$0x2] =	stream.indirect.gather [hbm4b:s3+s7], $0xA0, s23, s7, $0xb8;
	[tilespmem:$0xB000] =	vst v63  }
0xdd: {  	_ =	swait.ge [sflag:s9], $0x5000  }
0xde: {  	[sflag:s9] =	ssyncset.done $0x0  }
0xdf: {  	s0 =	rddreg [dreg:$0x15];
	[sflag:s9] =	ssyncadd.s32 $0xFFFFB000  }
0xe0: {  	[hbm4b:s0+s2] =	stream.linear.scatter [tilespmem:s5], [sflag:$0x3], $0x5000, $0x38;
	[tilespmem:$0xB000] =	vst v63  }
0xe1: {  	_ =	swait.ge [sflag:s6], $0x5000  }
0xe2: {  	[sflag:s6] =	ssyncset.done $0x0  }
0xe3: {  	[sflag:s6] =	ssyncadd.s32 $0xFFFFB000  }
0xe4: {  	[tilespmem:s5], [sflag:$0x1] =	stream.indirect.gather [hbm4b:s3+s7], $0xA0, s22, s7, $0xb8;
	[tilespmem:$0xB000] =	vst v63  }
0xe5: {  	_ =	swait.ge [sflag:s10], $0x5000  }
0xe6: {  	[sflag:s10] =	ssyncset.done $0x0  }
0xe7: {  	s0 =	rddreg [dreg:$0x16];
	[sflag:s10] =	ssyncadd.s32 $0xFFFFB000  }
0xe8: {  	[hbm4b:s0+s2] =	stream.linear.scatter [tilespmem:s4], [sflag:$0x4], $0x5000, $0x38;
	[tilespmem:$0xB000] =	vst v63  }
0xe9: {  	_ =	swait.ge [sflag:s8], $0x5000  }
0xea: {  	[sflag:s8] =	ssyncset.done $0x0  }
0xeb: {  	[sflag:s8] =	ssyncadd.s32 $0xFFFFB000  }
0xec: {  	[tilespmem:s4], [sflag:$0x2] =	stream.indirect.gather [hbm4b:s3+s7], $0xA0, s21, s7, $0xb8;
	[tilespmem:$0xB000] =	vst v63  }
0xed: {  	_ =	swait.ge [sflag:s9], $0x5000  }
0xee: {  	[sflag:s9] =	ssyncset.done $0x0  }
0xef: {  	s0 =	rddreg [dreg:$0x17];
	[sflag:s9] =	ssyncadd.s32 $0xFFFFB000  }
0xf0: {  	[hbm4b:s0+s2] =	stream.linear.scatter [tilespmem:s5], [sflag:$0x3], $0x5000, $0x38;
	[tilespmem:$0xB000] =	vst v63  }
0xf1: {  	_ =	swait.ge [sflag:s6], $0x5000  }
0xf2: {  	[sflag:s6] =	ssyncset.done $0x0  }
0xf3: {  	[sflag:s6] =	ssyncadd.s32 $0xFFFFB000  }
0xf4: {  	[tilespmem:s5], [sflag:$0x1] =	stream.indirect.gather [hbm4b:s3+s7], $0xA0, s20, s7, $0xb8;
	[tilespmem:$0xB000] =	vst v63  }
0xf5: {  	_ =	swait.ge [sflag:s10], $0x5000  }
0xf6: {  	[sflag:s10] =	ssyncset.done $0x0  }
0xf7: {  	s0 =	rddreg [dreg:$0x18];
	[sflag:s10] =	ssyncadd.s32 $0xFFFFB000  }
0xf8: {  	[hbm4b:s0+s2] =	stream.linear.scatter [tilespmem:s4], [sflag:$0x4], $0x5000, $0x38;
	[tilespmem:$0xB000] =	vst v63  }
0xf9: {  	_ =	swait.ge [sflag:s8], $0x5000  }
0xfa: {  	[sflag:s8] =	ssyncset.done $0x0  }
0xfb: {  	[sflag:s8] =	ssyncadd.s32 $0xFFFFB000  }
0xfc: {  	[tilespmem:s4], [sflag:$0x2] =	stream.indirect.gather [hbm4b:s3+s7], $0xA0, s19, s7, $0xb8;
	[tilespmem:$0xB000] =	vst v63  }
0xfd: {  	_ =	swait.ge [sflag:s9], $0x5000  }
0xfe: {  	[sflag:s9] =	ssyncset.done $0x0  }
0xff: {  	s0 =	rddreg [dreg:$0x19];
	[sflag:s9] =	ssyncadd.s32 $0xFFFFB000  }
0x100: {  	[hbm4b:s0+s2] =	stream.linear.scatter [tilespmem:s5], [sflag:$0x3], $0x5000, $0x38;
	[tilespmem:$0xB000] =	vst v63  }
0x101: {  	_ =	swait.ge [sflag:s6], $0x5000  }
0x102: {  	[sflag:s6] =	ssyncset.done $0x0  }
0x103: {  	[sflag:s6] =	ssyncadd.s32 $0xFFFFB000  }
0x104: {  	[tilespmem:s5], [sflag:$0x1] =	stream.indirect.gather [hbm4b:s3+s7], $0xA0, s18, s7, $0xb8;
	[tilespmem:$0xB000] =	vst v63  }
0x105: {  	_ =	swait.ge [sflag:s10], $0x5000  }
0x106: {  	[sflag:s10] =	ssyncset.done $0x0  }
0x107: {  	s0 =	rddreg [dreg:$0x1a];
	[sflag:s10] =	ssyncadd.s32 $0xFFFFB000  }
0x108: {  	[hbm4b:s0+s2] =	stream.linear.scatter [tilespmem:s4], [sflag:$0x4], $0x5000, $0x38;
	[tilespmem:$0xB000] =	vst v63  }
0x109: {  	_ =	swait.ge [sflag:s8], $0x5000  }
0x10a: {  	[sflag:s8] =	ssyncset.done $0x0  }
0x10b: {  	[sflag:s8] =	ssyncadd.s32 $0xFFFFB000  }
0x10c: {  	[tilespmem:s4], [sflag:$0x2] =	stream.indirect.gather [hbm4b:s3+s7], $0xA0, s17, s7, $0xb8;
	[tilespmem:$0xB000] =	vst v63  }
0x10d: {  	_ =	swait.ge [sflag:s9], $0x5000  }
0x10e: {  	[sflag:s9] =	ssyncset.done $0x0  }
0x10f: {  	s0 =	rddreg [dreg:$0x1b];
	[sflag:s9] =	ssyncadd.s32 $0xFFFFB000  }
0x110: {  	[hbm4b:s0+s2] =	stream.linear.scatter [tilespmem:s5], [sflag:$0x3], $0x5000, $0x38;
	[tilespmem:$0xB000] =	vst v63  }
0x111: {  	_ =	swait.ge [sflag:s6], $0x5000  }
0x112: {  	[sflag:s6] =	ssyncset.done $0x0  }
0x113: {  	[sflag:s6] =	ssyncadd.s32 $0xFFFFB000  }
0x114: {  	[tilespmem:s5], [sflag:$0x1] =	stream.indirect.gather [hbm4b:s3+s7], $0xA0, s16, s7, $0xb8;
	[tilespmem:$0xB000] =	vst v63  }
0x115: {  	_ =	swait.ge [sflag:s10], $0x5000  }
0x116: {  	[sflag:s10] =	ssyncset.done $0x0  }
0x117: {  	s0 =	rddreg [dreg:$0x1c];
	[sflag:s10] =	ssyncadd.s32 $0xFFFFB000  }
0x118: {  	[hbm4b:s0+s2] =	stream.linear.scatter [tilespmem:s4], [sflag:$0x4], $0x5000, $0x38;
	[tilespmem:$0xB000] =	vst v63  }
0x119: {  	_ =	swait.ge [sflag:s8], $0x5000  }
0x11a: {  	[sflag:s8] =	ssyncset.done $0x0  }
0x11b: {  	[sflag:s8] =	ssyncadd.s32 $0xFFFFB000  }
0x11c: {  	[tilespmem:s4], [sflag:$0x2] =	stream.indirect.gather [hbm4b:s3+s7], $0xA0, s15, s7, $0xb8;
	[tilespmem:$0xB000] =	vst v63  }
0x11d: {  	_ =	swait.ge [sflag:s9], $0x5000  }
0x11e: {  	[sflag:s9] =	ssyncset.done $0x0  }
0x11f: {  	s0 =	rddreg [dreg:$0x1d];
	[sflag:s9] =	ssyncadd.s32 $0xFFFFB000  }
0x120: {  	[hbm4b:s0+s2] =	stream.linear.scatter [tilespmem:s5], [sflag:$0x3], $0x5000, $0x38;
	[tilespmem:$0xB000] =	vst v63  }
0x121: {  	_ =	swait.ge [sflag:s6], $0x5000  }
0x122: {  	[sflag:s6] =	ssyncset.done $0x0  }
0x123: {  	[sflag:s6] =	ssyncadd.s32 $0xFFFFB000  }
0x124: {  	[tilespmem:s5], [sflag:$0x1] =	stream.indirect.gather [hbm4b:s3+s7], $0xA0, s14, s7, $0xb8;
	[tilespmem:$0xB000] =	vst v63  }
0x125: {  	_ =	swait.ge [sflag:s10], $0x5000  }
0x126: {  	[sflag:s10] =	ssyncset.done $0x0  }
0x127: {  	s0 =	rddreg [dreg:$0x1e];
	[sflag:s10] =	ssyncadd.s32 $0xFFFFB000  }
0x128: {  	[hbm4b:s0+s2] =	stream.linear.scatter [tilespmem:s4], [sflag:$0x4], $0x5000, $0x38;
	[tilespmem:$0xB000] =	vst v63  }
0x129: {  	_ =	swait.ge [sflag:s8], $0x5000  }
0x12a: {  	[sflag:s8] =	ssyncset.done $0x0  }
0x12b: {  	[sflag:s8] =	ssyncadd.s32 $0xFFFFB000  }
0x12c: {  	[tilespmem:s4], [sflag:$0x2] =	stream.indirect.gather [hbm4b:s3+s7], $0xA0, s13, s7, $0xb8;
	[tilespmem:$0xB000] =	vst v63  }
0x12d: {  	_ =	swait.ge [sflag:s9], $0x5000  }
0x12e: {  	[sflag:s9] =	ssyncset.done $0x0  }
0x12f: {  	s0 =	rddreg [dreg:$0x1f];
	[sflag:s9] =	ssyncadd.s32 $0xFFFFB000  }
0x130: {  	[hbm4b:s0+s2] =	stream.linear.scatter [tilespmem:s5], [sflag:$0x3], $0x5000, $0x38;
	[tilespmem:$0xB000] =	vst v63  }
0x131: {  	_ =	swait.ge [sflag:s6], $0x5000  }
0x132: {  	[sflag:s6] =	ssyncset.done $0x0  }
0x133: {  	[sflag:s6] =	ssyncadd.s32 $0xFFFFB000  }
0x134: {  	[tilespmem:s5], [sflag:$0x1] =	stream.indirect.gather [hbm4b:s3+s7], $0xA0, s12, s7, $0xb8;
	[tilespmem:$0xB000] =	vst v63  }
0x135: {  	_ =	swait.ge [sflag:s10], $0x5000  }
0x136: {  	s0 =	sld [smem:$0x7EF]  }
0x137: {  	[sflag:s10] =	ssyncset.done $0x0  }
0x138: {  	[sflag:s10] =	ssyncadd.s32 $0xFFFFB000  }
0x139: {  	[hbm4b:s0+s2] =	stream.linear.scatter [tilespmem:s4], [sflag:$0x4], $0x5000, $0x38;
	[tilespmem:$0xB000] =	vst v63  }
0x13a: {  	_ =	swait.ge [sflag:s8], $0x5000  }
0x13b: {  	[sflag:s8] =	ssyncset.done $0x0  }
0x13c: {  	[sflag:s8] =	ssyncadd.s32 $0xFFFFB000  }
0x13d: {  	[tilespmem:s4], [sflag:$0x2] =	stream.indirect.gather [hbm4b:s3+s7], $0xA0, s11, s7, $0xb8;
	[tilespmem:$0xB000] =	vst v63  }
0x13e: {  	_ =	swait.ge [sflag:s9], $0x5000  }
0x13f: {  	s0 =	sld [smem:$0x7F0]  }
0x140: {  	[sflag:s9] =	ssyncset.done $0x0  }
0x141: {  	[sflag:s9] =	ssyncadd.s32 $0xFFFFB000  }
0x142: {  	[hbm4b:s0+s2] =	stream.linear.scatter [tilespmem:s5], [sflag:$0x3], $0x5000, $0x38;
	[tilespmem:$0xB000] =	vst v63  }
0x143: {  	_ =	swait.ge [sflag:s10], $0x5000  }
0x144: {  	s0 =	sld [smem:$0x7F1]  }
0x145: {  	[sflag:s10] =	ssyncset.done $0x0  }
0x146: {  	p1 =	sne.s32 s1, $0x1;
	[sflag:s10] =	ssyncadd.s32 $0xFFFFB000  }
0x147: {  	[hbm4b:s0+s2] =	stream.linear.scatter [tilespmem:s4], [sflag:$0x4], $0x5000, $0x38;
	[tilespmem:$0xB000] =	vst v63  }
.Ltmp1:
0x148: {  	_ =	swait.ge [sflag:s6], $0x5000;
	(pc) =	sbr.rel @!p1 .LBB2_3-.Ltmp1, $4  }
0x149: {  	[sflag:s6] =	ssyncset.done $0x0  }
0x14a: {  	[sflag:s6] =	ssyncadd.s32 $0xFFFFB000  }
0x14b: {  	s1 =	sadd.s32 $0xFFFFFFFF, s1;
	_ =	swait.ge [sflag:s8], $0x5000  }
0x14c: {  	p0 =	por $0x1, $0x1;
	s0 =	rddreg [dreg:$0x3];
	[sflag:s8] =	ssyncset.done $0x0  }
.LBB2_2:
0x14d: {  	[sflag:s8] =	ssyncadd.s32 $0xFFFFB000  }
0x14e: {  	[tilespmem:s2], [sflag:$0x5] =	stream.linear.gather [hbm4b:s0+s2], $0x1000, $0x38;
	[tilespmem:$0xB000] =	vst v63  }
0x14f: {  	_ =	swait.ge [sflag:s31], $0x1000  }
0x150: {  	[sflag:s31] =	ssyncset.done $0x0  }
0x151: {  	[sflag:s31] =	ssyncadd.s32 $0xFFFFF000  }
0x152: {  	[tilespmem:s5], [sflag:$0x1] =	stream.indirect.gather [hbm4b:s3+s7], $0xA0, s2, s7, $0xb8;
	[tilespmem:$0xB000] =	vst v63  }
0x153: {  	_ = 	snop  }
0x154: {  	[tilespmem:s4], [sflag:$0x2] =	stream.indirect.gather [hbm4b:s3+s7], $0xA0, s7, s7, $0xb8;
	[tilespmem:$0xB000] =	vst v63  }
0x155: {  	_ =	swait.ge [sflag:s9], $0x5000  }
0x156: {  	[sflag:s9] =	ssyncset.done $0x0  }
0x157: {  	[sflag:s9] =	ssyncadd.s32 $0xFFFFB000  }
0x158: {  	[hbm4b:s30+s2] =	stream.linear.scatter [tilespmem:s5], [sflag:$0x3], $0x5000, $0x38;
	[tilespmem:$0xB000] =	vst v63  }
0x159: {  	_ =	swait.ge [sflag:s6], $0x5000  }
0x15a: {  	s0 =	sld [smem:$0x7F2]  }
0x15b: {  	[sflag:s6] =	ssyncset.done $0x0  }
0x15c: {  	[sflag:s6] =	ssyncadd.s32 $0xFFFFB000  }
0x15d: {  	[tilespmem:s5], [sflag:$0x1] =	stream.indirect.gather [hbm4b:s3+s7], $0xA0, s0, s7, $0xb8;
	[tilespmem:$0xB000] =	vst v63  }
0x15e: {  	_ =	swait.ge [sflag:s10], $0x5000  }
0x15f: {  	[sflag:s10] =	ssyncset.done $0x0  }
0x160: {  	s0 =	rddreg [dreg:$0x4];
	[sflag:s10] =	ssyncadd.s32 $0xFFFFB000  }
0x161: {  	[hbm4b:s0+s2] =	stream.linear.scatter [tilespmem:s4], [sflag:$0x4], $0x5000, $0x38;
	[tilespmem:$0xB000] =	vst v63  }
0x162: {  	_ =	swait.ge [sflag:s8], $0x5000  }
0x163: {  	s0 =	sld [smem:$0x7F3]  }
0x164: {  	[sflag:s8] =	ssyncset.done $0x0  }
0x165: {  	[sflag:s8] =	ssyncadd.s32 $0xFFFFB000  }
0x166: {  	[tilespmem:s4], [sflag:$0x2] =	stream.indirect.gather [hbm4b:s3+s7], $0xA0, s0, s7, $0xb8;
	[tilespmem:$0xB000] =	vst v63  }
0x167: {  	_ =	swait.ge [sflag:s9], $0x5000  }
0x168: {  	[sflag:s9] =	ssyncset.done $0x0  }
0x169: {  	s0 =	rddreg [dreg:$0x5];
	[sflag:s9] =	ssyncadd.s32 $0xFFFFB000  }
0x16a: {  	[hbm4b:s0+s2] =	stream.linear.scatter [tilespmem:s5], [sflag:$0x3], $0x5000, $0x38;
	[tilespmem:$0xB000] =	vst v63  }
0x16b: {  	_ =	swait.ge [sflag:s6], $0x5000  }
0x16c: {  	s0 =	sld [smem:$0x7F4]  }
0x16d: {  	[sflag:s6] =	ssyncset.done $0x0  }
0x16e: {  	[sflag:s6] =	ssyncadd.s32 $0xFFFFB000  }
0x16f: {  	[tilespmem:s5], [sflag:$0x1] =	stream.indirect.gather [hbm4b:s3+s7], $0xA0, s0, s7, $0xb8;
	[tilespmem:$0xB000] =	vst v63  }
0x170: {  	_ =	swait.ge [sflag:s10], $0x5000  }
0x171: {  	[sflag:s10] =	ssyncset.done $0x0  }
0x172: {  	s0 =	rddreg [dreg:$0x6];
	[sflag:s10] =	ssyncadd.s32 $0xFFFFB000  }
0x173: {  	[hbm4b:s0+s2] =	stream.linear.scatter [tilespmem:s4], [sflag:$0x4], $0x5000, $0x38;
	[tilespmem:$0xB000] =	vst v63  }
0x174: {  	_ =	swait.ge [sflag:s8], $0x5000  }
0x175: {  	s0 =	sld [smem:$0x7F5]  }
0x176: {  	[sflag:s8] =	ssyncset.done $0x0  }
0x177: {  	[sflag:s8] =	ssyncadd.s32 $0xFFFFB000  }
0x178: {  	[tilespmem:s4], [sflag:$0x2] =	stream.indirect.gather [hbm4b:s3+s7], $0xA0, s0, s7, $0xb8;
	[tilespmem:$0xB000] =	vst v63  }
0x179: {  	_ =	swait.ge [sflag:s9], $0x5000  }
0x17a: {  	[sflag:s9] =	ssyncset.done $0x0  }
0x17b: {  	s0 =	rddreg [dreg:$0x7];
	[sflag:s9] =	ssyncadd.s32 $0xFFFFB000  }
0x17c: {  	[hbm4b:s0+s2] =	stream.linear.scatter [tilespmem:s5], [sflag:$0x3], $0x5000, $0x38;
	[tilespmem:$0xB000] =	vst v63  }
0x17d: {  	_ =	swait.ge [sflag:s6], $0x5000  }
0x17e: {  	s0 =	sld [smem:$0x7F6]  }
0x17f: {  	[sflag:s6] =	ssyncset.done $0x0  }
0x180: {  	[sflag:s6] =	ssyncadd.s32 $0xFFFFB000  }
0x181: {  	[tilespmem:s5], [sflag:$0x1] =	stream.indirect.gather [hbm4b:s3+s7], $0xA0, s0, s7, $0xb8;
	[tilespmem:$0xB000] =	vst v63  }
0x182: {  	_ =	swait.ge [sflag:s10], $0x5000  }
0x183: {  	[sflag:s10] =	ssyncset.done $0x0  }
0x184: {  	s0 =	rddreg [dreg:$0x8];
	[sflag:s10] =	ssyncadd.s32 $0xFFFFB000  }
0x185: {  	[hbm4b:s0+s2] =	stream.linear.scatter [tilespmem:s4], [sflag:$0x4], $0x5000, $0x38;
	[tilespmem:$0xB000] =	vst v63  }
0x186: {  	_ =	swait.ge [sflag:s8], $0x5000  }
0x187: {  	s0 =	sld [smem:$0x7F7]  }
0x188: {  	[sflag:s8] =	ssyncset.done $0x0  }
0x189: {  	[sflag:s8] =	ssyncadd.s32 $0xFFFFB000  }
0x18a: {  	[tilespmem:s4], [sflag:$0x2] =	stream.indirect.gather [hbm4b:s3+s7], $0xA0, s0, s7, $0xb8;
	[tilespmem:$0xB000] =	vst v63  }
0x18b: {  	_ =	swait.ge [sflag:s9], $0x5000  }
0x18c: {  	[sflag:s9] =	ssyncset.done $0x0  }
0x18d: {  	s0 =	rddreg [dreg:$0x9];
	[sflag:s9] =	ssyncadd.s32 $0xFFFFB000  }
0x18e: {  	[hbm4b:s0+s2] =	stream.linear.scatter [tilespmem:s5], [sflag:$0x3], $0x5000, $0x38;
	[tilespmem:$0xB000] =	vst v63  }
0x18f: {  	_ =	swait.ge [sflag:s6], $0x5000  }
0x190: {  	s0 =	sld [smem:$0x7F8]  }
0x191: {  	[sflag:s6] =	ssyncset.done $0x0  }
0x192: {  	[sflag:s6] =	ssyncadd.s32 $0xFFFFB000  }
0x193: {  	[tilespmem:s5], [sflag:$0x1] =	stream.indirect.gather [hbm4b:s3+s7], $0xA0, s0, s7, $0xb8;
	[tilespmem:$0xB000] =	vst v63  }
0x194: {  	_ =	swait.ge [sflag:s10], $0x5000  }
0x195: {  	[sflag:s10] =	ssyncset.done $0x0  }
0x196: {  	s0 =	rddreg [dreg:$0xa];
	[sflag:s10] =	ssyncadd.s32 $0xFFFFB000  }
0x197: {  	[hbm4b:s0+s2] =	stream.linear.scatter [tilespmem:s4], [sflag:$0x4], $0x5000, $0x38;
	[tilespmem:$0xB000] =	vst v63  }
0x198: {  	_ =	swait.ge [sflag:s8], $0x5000  }
0x199: {  	s0 =	sld [smem:$0x7F9]  }
0x19a: {  	[sflag:s8] =	ssyncset.done $0x0  }
0x19b: {  	[sflag:s8] =	ssyncadd.s32 $0xFFFFB000  }
0x19c: {  	[tilespmem:s4], [sflag:$0x2] =	stream.indirect.gather [hbm4b:s3+s7], $0xA0, s0, s7, $0xb8;
	[tilespmem:$0xB000] =	vst v63  }
0x19d: {  	_ =	swait.ge [sflag:s9], $0x5000  }
0x19e: {  	[sflag:s9] =	ssyncset.done $0x0  }
0x19f: {  	s0 =	rddreg [dreg:$0xb];
	[sflag:s9] =	ssyncadd.s32 $0xFFFFB000  }
0x1a0: {  	[hbm4b:s0+s2] =	stream.linear.scatter [tilespmem:s5], [sflag:$0x3], $0x5000, $0x38;
	[tilespmem:$0xB000] =	vst v63  }
0x1a1: {  	_ =	swait.ge [sflag:s6], $0x5000  }
0x1a2: {  	s0 =	sld [smem:$0x7FA]  }
0x1a3: {  	[sflag:s6] =	ssyncset.done $0x0  }
0x1a4: {  	[sflag:s6] =	ssyncadd.s32 $0xFFFFB000  }
0x1a5: {  	[tilespmem:s5], [sflag:$0x1] =	stream.indirect.gather [hbm4b:s3+s7], $0xA0, s0, s7, $0xb8;
	[tilespmem:$0xB000] =	vst v63  }
0x1a6: {  	_ =	swait.ge [sflag:s10], $0x5000  }
0x1a7: {  	[sflag:s10] =	ssyncset.done $0x0  }
0x1a8: {  	s0 =	rddreg [dreg:$0xc];
	[sflag:s10] =	ssyncadd.s32 $0xFFFFB000  }
0x1a9: {  	[hbm4b:s0+s2] =	stream.linear.scatter [tilespmem:s4], [sflag:$0x4], $0x5000, $0x38;
	[tilespmem:$0xB000] =	vst v63  }
0x1aa: {  	_ =	swait.ge [sflag:s8], $0x5000  }
0x1ab: {  	s0 =	sld [smem:$0x7FB]  }
0x1ac: {  	[sflag:s8] =	ssyncset.done $0x0  }
0x1ad: {  	[sflag:s8] =	ssyncadd.s32 $0xFFFFB000  }
0x1ae: {  	[tilespmem:s4], [sflag:$0x2] =	stream.indirect.gather [hbm4b:s3+s7], $0xA0, s0, s7, $0xb8;
	[tilespmem:$0xB000] =	vst v63  }
0x1af: {  	_ =	swait.ge [sflag:s9], $0x5000  }
0x1b0: {  	[sflag:s9] =	ssyncset.done $0x0  }
0x1b1: {  	s0 =	rddreg [dreg:$0xd];
	[sflag:s9] =	ssyncadd.s32 $0xFFFFB000  }
0x1b2: {  	[hbm4b:s0+s2] =	stream.linear.scatter [tilespmem:s5], [sflag:$0x3], $0x5000, $0x38;
	[tilespmem:$0xB000] =	vst v63  }
0x1b3: {  	_ =	swait.ge [sflag:s6], $0x5000  }
0x1b4: {  	s0 =	sld [smem:$0x7FC]  }
0x1b5: {  	[sflag:s6] =	ssyncset.done $0x0  }
0x1b6: {  	[sflag:s6] =	ssyncadd.s32 $0xFFFFB000  }
0x1b7: {  	[tilespmem:s5], [sflag:$0x1] =	stream.indirect.gather [hbm4b:s3+s7], $0xA0, s0, s7, $0xb8;
	[tilespmem:$0xB000] =	vst v63  }
0x1b8: {  	_ =	swait.ge [sflag:s10], $0x5000  }
0x1b9: {  	[sflag:s10] =	ssyncset.done $0x0  }
0x1ba: {  	s0 =	rddreg [dreg:$0xe];
	[sflag:s10] =	ssyncadd.s32 $0xFFFFB000  }
0x1bb: {  	[hbm4b:s0+s2] =	stream.linear.scatter [tilespmem:s4], [sflag:$0x4], $0x5000, $0x38;
	[tilespmem:$0xB000] =	vst v63  }
0x1bc: {  	_ =	swait.ge [sflag:s8], $0x5000  }
0x1bd: {  	s0 =	sld [smem:$0x7FD]  }
0x1be: {  	[sflag:s8] =	ssyncset.done $0x0  }
0x1bf: {  	[sflag:s8] =	ssyncadd.s32 $0xFFFFB000  }
0x1c0: {  	[tilespmem:s4], [sflag:$0x2] =	stream.indirect.gather [hbm4b:s3+s7], $0xA0, s0, s7, $0xb8;
	[tilespmem:$0xB000] =	vst v63  }
0x1c1: {  	_ =	swait.ge [sflag:s9], $0x5000  }
0x1c2: {  	[sflag:s9] =	ssyncset.done $0x0  }
0x1c3: {  	s0 =	rddreg [dreg:$0xf];
	[sflag:s9] =	ssyncadd.s32 $0xFFFFB000  }
0x1c4: {  	[hbm4b:s0+s2] =	stream.linear.scatter [tilespmem:s5], [sflag:$0x3], $0x5000, $0x38;
	[tilespmem:$0xB000] =	vst v63  }
0x1c5: {  	_ =	swait.ge [sflag:s6], $0x5000  }
0x1c6: {  	[sflag:s6] =	ssyncset.done $0x0  }
0x1c7: {  	[sflag:s6] =	ssyncadd.s32 $0xFFFFB000  }
0x1c8: {  	[tilespmem:s5], [sflag:$0x1] =	stream.indirect.gather [hbm4b:s3+s7], $0xA0, s29, s7, $0xb8;
	[tilespmem:$0xB000] =	vst v63  }
0x1c9: {  	_ =	swait.ge [sflag:s10], $0x5000  }
0x1ca: {  	[sflag:s10] =	ssyncset.done $0x0  }
0x1cb: {  	s0 =	rddreg [dreg:$0x10];
	[sflag:s10] =	ssyncadd.s32 $0xFFFFB000  }
0x1cc: {  	[hbm4b:s0+s2] =	stream.linear.scatter [tilespmem:s4], [sflag:$0x4], $0x5000, $0x38;
	[tilespmem:$0xB000] =	vst v63  }
0x1cd: {  	_ =	swait.ge [sflag:s8], $0x5000  }
0x1ce: {  	[sflag:s8] =	ssyncset.done $0x0  }
0x1cf: {  	[sflag:s8] =	ssyncadd.s32 $0xFFFFB000  }
0x1d0: {  	[tilespmem:s4], [sflag:$0x2] =	stream.indirect.gather [hbm4b:s3+s7], $0xA0, s28, s7, $0xb8;
	[tilespmem:$0xB000] =	vst v63  }
0x1d1: {  	_ =	swait.ge [sflag:s9], $0x5000  }
0x1d2: {  	[sflag:s9] =	ssyncset.done $0x0  }
0x1d3: {  	s0 =	rddreg [dreg:$0x11];
	[sflag:s9] =	ssyncadd.s32 $0xFFFFB000  }
0x1d4: {  	[hbm4b:s0+s2] =	stream.linear.scatter [tilespmem:s5], [sflag:$0x3], $0x5000, $0x38;
	[tilespmem:$0xB000] =	vst v63  }
0x1d5: {  	_ =	swait.ge [sflag:s6], $0x5000  }
0x1d6: {  	[sflag:s6] =	ssyncset.done $0x0  }
0x1d7: {  	[sflag:s6] =	ssyncadd.s32 $0xFFFFB000  }
0x1d8: {  	[tilespmem:s5], [sflag:$0x1] =	stream.indirect.gather [hbm4b:s3+s7], $0xA0, s26, s7, $0xb8;
	[tilespmem:$0xB000] =	vst v63  }
0x1d9: {  	_ =	swait.ge [sflag:s10], $0x5000  }
0x1da: {  	[sflag:s10] =	ssyncset.done $0x0  }
0x1db: {  	s0 =	rddreg [dreg:$0x12];
	[sflag:s10] =	ssyncadd.s32 $0xFFFFB000  }
0x1dc: {  	[hbm4b:s0+s2] =	stream.linear.scatter [tilespmem:s4], [sflag:$0x4], $0x5000, $0x38;
	[tilespmem:$0xB000] =	vst v63  }
0x1dd: {  	_ =	swait.ge [sflag:s8], $0x5000  }
0x1de: {  	[sflag:s8] =	ssyncset.done $0x0  }
0x1df: {  	[sflag:s8] =	ssyncadd.s32 $0xFFFFB000  }
0x1e0: {  	[tilespmem:s4], [sflag:$0x2] =	stream.indirect.gather [hbm4b:s3+s7], $0xA0, s25, s7, $0xb8;
	[tilespmem:$0xB000] =	vst v63  }
0x1e1: {  	_ =	swait.ge [sflag:s9], $0x5000  }
0x1e2: {  	[sflag:s9] =	ssyncset.done $0x0  }
0x1e3: {  	s0 =	rddreg [dreg:$0x13];
	[sflag:s9] =	ssyncadd.s32 $0xFFFFB000  }
0x1e4: {  	[hbm4b:s0+s2] =	stream.linear.scatter [tilespmem:s5], [sflag:$0x3], $0x5000, $0x38;
	[tilespmem:$0xB000] =	vst v63  }
0x1e5: {  	_ =	swait.ge [sflag:s6], $0x5000  }
0x1e6: {  	[sflag:s6] =	ssyncset.done $0x0  }
0x1e7: {  	[sflag:s6] =	ssyncadd.s32 $0xFFFFB000  }
0x1e8: {  	[tilespmem:s5], [sflag:$0x1] =	stream.indirect.gather [hbm4b:s3+s7], $0xA0, s24, s7, $0xb8;
	[tilespmem:$0xB000] =	vst v63  }
0x1e9: {  	_ =	swait.ge [sflag:s10], $0x5000  }
0x1ea: {  	[sflag:s10] =	ssyncset.done $0x0  }
0x1eb: {  	s0 =	rddreg [dreg:$0x14];
	[sflag:s10] =	ssyncadd.s32 $0xFFFFB000  }
0x1ec: {  	[hbm4b:s0+s2] =	stream.linear.scatter [tilespmem:s4], [sflag:$0x4], $0x5000, $0x38;
	[tilespmem:$0xB000] =	vst v63  }
0x1ed: {  	_ =	swait.ge [sflag:s8], $0x5000  }
0x1ee: {  	[sflag:s8] =	ssyncset.done $0x0  }
0x1ef: {  	[sflag:s8] =	ssyncadd.s32 $0xFFFFB000  }
0x1f0: {  	[tilespmem:s4], [sflag:$0x2] =	stream.indirect.gather [hbm4b:s3+s7], $0xA0, s23, s7, $0xb8;
	[tilespmem:$0xB000] =	vst v63  }
0x1f1: {  	_ =	swait.ge [sflag:s9], $0x5000  }
0x1f2: {  	[sflag:s9] =	ssyncset.done $0x0  }
0x1f3: {  	s0 =	rddreg [dreg:$0x15];
	[sflag:s9] =	ssyncadd.s32 $0xFFFFB000  }
0x1f4: {  	[hbm4b:s0+s2] =	stream.linear.scatter [tilespmem:s5], [sflag:$0x3], $0x5000, $0x38;
	[tilespmem:$0xB000] =	vst v63  }
0x1f5: {  	_ =	swait.ge [sflag:s6], $0x5000  }
0x1f6: {  	[sflag:s6] =	ssyncset.done $0x0  }
0x1f7: {  	[sflag:s6] =	ssyncadd.s32 $0xFFFFB000  }
0x1f8: {  	[tilespmem:s5], [sflag:$0x1] =	stream.indirect.gather [hbm4b:s3+s7], $0xA0, s22, s7, $0xb8;
	[tilespmem:$0xB000] =	vst v63  }
0x1f9: {  	_ =	swait.ge [sflag:s10], $0x5000  }
0x1fa: {  	[sflag:s10] =	ssyncset.done $0x0  }
0x1fb: {  	s0 =	rddreg [dreg:$0x16];
	[sflag:s10] =	ssyncadd.s32 $0xFFFFB000  }
0x1fc: {  	[hbm4b:s0+s2] =	stream.linear.scatter [tilespmem:s4], [sflag:$0x4], $0x5000, $0x38;
	[tilespmem:$0xB000] =	vst v63  }
0x1fd: {  	_ =	swait.ge [sflag:s8], $0x5000  }
0x1fe: {  	[sflag:s8] =	ssyncset.done $0x0  }
0x1ff: {  	[sflag:s8] =	ssyncadd.s32 $0xFFFFB000  }
0x200: {  	[tilespmem:s4], [sflag:$0x2] =	stream.indirect.gather [hbm4b:s3+s7], $0xA0, s21, s7, $0xb8;
	[tilespmem:$0xB000] =	vst v63  }
0x201: {  	_ =	swait.ge [sflag:s9], $0x5000  }
0x202: {  	[sflag:s9] =	ssyncset.done $0x0  }
0x203: {  	s0 =	rddreg [dreg:$0x17];
	[sflag:s9] =	ssyncadd.s32 $0xFFFFB000  }
0x204: {  	[hbm4b:s0+s2] =	stream.linear.scatter [tilespmem:s5], [sflag:$0x3], $0x5000, $0x38;
	[tilespmem:$0xB000] =	vst v63  }
0x205: {  	_ =	swait.ge [sflag:s6], $0x5000  }
0x206: {  	[sflag:s6] =	ssyncset.done $0x0  }
0x207: {  	[sflag:s6] =	ssyncadd.s32 $0xFFFFB000  }
0x208: {  	[tilespmem:s5], [sflag:$0x1] =	stream.indirect.gather [hbm4b:s3+s7], $0xA0, s20, s7, $0xb8;
	[tilespmem:$0xB000] =	vst v63  }
0x209: {  	_ =	swait.ge [sflag:s10], $0x5000  }
0x20a: {  	[sflag:s10] =	ssyncset.done $0x0  }
0x20b: {  	s0 =	rddreg [dreg:$0x18];
	[sflag:s10] =	ssyncadd.s32 $0xFFFFB000  }
0x20c: {  	[hbm4b:s0+s2] =	stream.linear.scatter [tilespmem:s4], [sflag:$0x4], $0x5000, $0x38;
	[tilespmem:$0xB000] =	vst v63  }
0x20d: {  	_ =	swait.ge [sflag:s8], $0x5000  }
0x20e: {  	[sflag:s8] =	ssyncset.done $0x0  }
0x20f: {  	[sflag:s8] =	ssyncadd.s32 $0xFFFFB000  }
0x210: {  	[tilespmem:s4], [sflag:$0x2] =	stream.indirect.gather [hbm4b:s3+s7], $0xA0, s19, s7, $0xb8;
	[tilespmem:$0xB000] =	vst v63  }
0x211: {  	_ =	swait.ge [sflag:s9], $0x5000  }
0x212: {  	[sflag:s9] =	ssyncset.done $0x0  }
0x213: {  	s0 =	rddreg [dreg:$0x19];
	[sflag:s9] =	ssyncadd.s32 $0xFFFFB000  }
0x214: {  	[hbm4b:s0+s2] =	stream.linear.scatter [tilespmem:s5], [sflag:$0x3], $0x5000, $0x38;
	[tilespmem:$0xB000] =	vst v63  }
0x215: {  	_ =	swait.ge [sflag:s6], $0x5000  }
0x216: {  	[sflag:s6] =	ssyncset.done $0x0  }
0x217: {  	[sflag:s6] =	ssyncadd.s32 $0xFFFFB000  }
0x218: {  	[tilespmem:s5], [sflag:$0x1] =	stream.indirect.gather [hbm4b:s3+s7], $0xA0, s18, s7, $0xb8;
	[tilespmem:$0xB000] =	vst v63  }
0x219: {  	_ =	swait.ge [sflag:s10], $0x5000  }
0x21a: {  	[sflag:s10] =	ssyncset.done $0x0  }
0x21b: {  	s0 =	rddreg [dreg:$0x1a];
	[sflag:s10] =	ssyncadd.s32 $0xFFFFB000  }
0x21c: {  	[hbm4b:s0+s2] =	stream.linear.scatter [tilespmem:s4], [sflag:$0x4], $0x5000, $0x38;
	[tilespmem:$0xB000] =	vst v63  }
0x21d: {  	_ =	swait.ge [sflag:s8], $0x5000  }
0x21e: {  	[sflag:s8] =	ssyncset.done $0x0  }
0x21f: {  	[sflag:s8] =	ssyncadd.s32 $0xFFFFB000  }
0x220: {  	[tilespmem:s4], [sflag:$0x2] =	stream.indirect.gather [hbm4b:s3+s7], $0xA0, s17, s7, $0xb8;
	[tilespmem:$0xB000] =	vst v63  }
0x221: {  	_ =	swait.ge [sflag:s9], $0x5000  }
0x222: {  	[sflag:s9] =	ssyncset.done $0x0  }
0x223: {  	s0 =	rddreg [dreg:$0x1b];
	[sflag:s9] =	ssyncadd.s32 $0xFFFFB000  }
0x224: {  	[hbm4b:s0+s2] =	stream.linear.scatter [tilespmem:s5], [sflag:$0x3], $0x5000, $0x38;
	[tilespmem:$0xB000] =	vst v63  }
0x225: {  	_ =	swait.ge [sflag:s6], $0x5000  }
0x226: {  	[sflag:s6] =	ssyncset.done $0x0  }
0x227: {  	[sflag:s6] =	ssyncadd.s32 $0xFFFFB000  }
0x228: {  	[tilespmem:s5], [sflag:$0x1] =	stream.indirect.gather [hbm4b:s3+s7], $0xA0, s16, s7, $0xb8;
	[tilespmem:$0xB000] =	vst v63  }
0x229: {  	_ =	swait.ge [sflag:s10], $0x5000  }
0x22a: {  	[sflag:s10] =	ssyncset.done $0x0  }
0x22b: {  	s0 =	rddreg [dreg:$0x1c];
	[sflag:s10] =	ssyncadd.s32 $0xFFFFB000  }
0x22c: {  	[hbm4b:s0+s2] =	stream.linear.scatter [tilespmem:s4], [sflag:$0x4], $0x5000, $0x38;
	[tilespmem:$0xB000] =	vst v63  }
0x22d: {  	_ =	swait.ge [sflag:s8], $0x5000  }
0x22e: {  	[sflag:s8] =	ssyncset.done $0x0  }
0x22f: {  	[sflag:s8] =	ssyncadd.s32 $0xFFFFB000  }
0x230: {  	[tilespmem:s4], [sflag:$0x2] =	stream.indirect.gather [hbm4b:s3+s7], $0xA0, s15, s7, $0xb8;
	[tilespmem:$0xB000] =	vst v63  }
0x231: {  	_ =	swait.ge [sflag:s9], $0x5000  }
0x232: {  	[sflag:s9] =	ssyncset.done $0x0  }
0x233: {  	s0 =	rddreg [dreg:$0x1d];
	[sflag:s9] =	ssyncadd.s32 $0xFFFFB000  }
0x234: {  	[hbm4b:s0+s2] =	stream.linear.scatter [tilespmem:s5], [sflag:$0x3], $0x5000, $0x38;
	[tilespmem:$0xB000] =	vst v63  }
0x235: {  	_ =	swait.ge [sflag:s6], $0x5000  }
0x236: {  	[sflag:s6] =	ssyncset.done $0x0  }
0x237: {  	[sflag:s6] =	ssyncadd.s32 $0xFFFFB000  }
0x238: {  	[tilespmem:s5], [sflag:$0x1] =	stream.indirect.gather [hbm4b:s3+s7], $0xA0, s14, s7, $0xb8;
	[tilespmem:$0xB000] =	vst v63  }
0x239: {  	_ =	swait.ge [sflag:s10], $0x5000  }
0x23a: {  	[sflag:s10] =	ssyncset.done $0x0  }
0x23b: {  	s0 =	rddreg [dreg:$0x1e];
	[sflag:s10] =	ssyncadd.s32 $0xFFFFB000  }
0x23c: {  	[hbm4b:s0+s2] =	stream.linear.scatter [tilespmem:s4], [sflag:$0x4], $0x5000, $0x38;
	[tilespmem:$0xB000] =	vst v63  }
0x23d: {  	_ =	swait.ge [sflag:s8], $0x5000  }
0x23e: {  	[sflag:s8] =	ssyncset.done $0x0  }
0x23f: {  	[sflag:s8] =	ssyncadd.s32 $0xFFFFB000  }
0x240: {  	[tilespmem:s4], [sflag:$0x2] =	stream.indirect.gather [hbm4b:s3+s7], $0xA0, s13, s7, $0xb8;
	[tilespmem:$0xB000] =	vst v63  }
0x241: {  	_ =	swait.ge [sflag:s9], $0x5000  }
0x242: {  	[sflag:s9] =	ssyncset.done $0x0  }
0x243: {  	s0 =	rddreg [dreg:$0x1f];
	[sflag:s9] =	ssyncadd.s32 $0xFFFFB000  }
0x244: {  	[hbm4b:s0+s2] =	stream.linear.scatter [tilespmem:s5], [sflag:$0x3], $0x5000, $0x38;
	[tilespmem:$0xB000] =	vst v63  }
0x245: {  	_ =	swait.ge [sflag:s6], $0x5000  }
0x246: {  	[sflag:s6] =	ssyncset.done $0x0  }
0x247: {  	[sflag:s6] =	ssyncadd.s32 $0xFFFFB000  }
0x248: {  	[tilespmem:s5], [sflag:$0x1] =	stream.indirect.gather [hbm4b:s3+s7], $0xA0, s12, s7, $0xb8;
	[tilespmem:$0xB000] =	vst v63  }
0x249: {  	_ =	swait.ge [sflag:s10], $0x5000  }
0x24a: {  	s0 =	sld [smem:$0x7EF]  }
0x24b: {  	[sflag:s10] =	ssyncset.done $0x0  }
0x24c: {  	[sflag:s10] =	ssyncadd.s32 $0xFFFFB000  }
0x24d: {  	[hbm4b:s0+s2] =	stream.linear.scatter [tilespmem:s4], [sflag:$0x4], $0x5000, $0x38;
	[tilespmem:$0xB000] =	vst v63  }
0x24e: {  	_ =	swait.ge [sflag:s8], $0x5000  }
0x24f: {  	[sflag:s8] =	ssyncset.done $0x0  }
0x250: {  	[sflag:s8] =	ssyncadd.s32 $0xFFFFB000  }
0x251: {  	[tilespmem:s4], [sflag:$0x2] =	stream.indirect.gather [hbm4b:s3+s7], $0xA0, s11, s7, $0xb8;
	[tilespmem:$0xB000] =	vst v63  }
0x252: {  	_ =	swait.ge [sflag:s9], $0x5000  }
0x253: {  	s0 =	sld [smem:$0x7F0]  }
0x254: {  	[sflag:s9] =	ssyncset.done $0x0  }
0x255: {  	[sflag:s9] =	ssyncadd.s32 $0xFFFFB000  }
0x256: {  	[hbm4b:s0+s2] =	stream.linear.scatter [tilespmem:s5], [sflag:$0x3], $0x5000, $0x38;
	[tilespmem:$0xB000] =	vst v63  }
0x257: {  	_ =	swait.ge [sflag:s10], $0x5000  }
0x258: {  	s0 =	sld [smem:$0x7F1]  }
0x259: {  	[sflag:s10] =	ssyncset.done $0x0  }
0x25a: {  	p1 =	sne.s32 s1, $0x1;
	[sflag:s10] =	ssyncadd.s32 $0xFFFFB000  }
0x25b: {  	[hbm4b:s0+s2] =	stream.linear.scatter [tilespmem:s4], [sflag:$0x4], $0x5000, $0x38;
	[tilespmem:$0xB000] =	vst v63  }
.Ltmp2:
0x25c: {  	_ =	swait.ge [sflag:s6], $0x5000;
	(pc) =	sbr.rel @p1 .LBB2_2-.Ltmp2, $4  }
0x25d: {  	[sflag:s6] =	ssyncset.done $0x0  }
0x25e: {  	[sflag:s6] =	ssyncadd.s32 $0xFFFFB000  }
0x25f: {  	_ =	swait.ge [sflag:s8], $0x5000  }
0x260: {  	s1 =	sadd.s32 $0xFFFFFFFF, s1;
	s0 =	rddreg [dreg:$0x3];
	[sflag:s8] =	ssyncset.done $0x0  }
.LBB2_3:
0x261: {  	[sflag:s8] =	ssyncadd.s32 @p0 $0xFFFFB000  }
0x262: {  	[tilespmem:s2], [sflag:$0x5] =	stream.linear.gather [hbm4b:s0+s2], $0x1000, $0x38;
	[tilespmem:$0xB000] =	vst v63  }
0x263: {  	_ =	swait.ge [sflag:s31], $0x1000  }
0x264: {  	[sflag:s31] =	ssyncset.done $0x0  }
0x265: {  	[sflag:s31] =	ssyncadd.s32 $0xFFFFF000  }
0x266: {  	[tilespmem:s5], [sflag:$0x1] =	stream.indirect.gather [hbm4b:s3+s7], $0xA0, s2, s7, $0xb8;
	[tilespmem:$0xB000] =	vst v63  }
0x267: {  	_ = 	snop  }
0x268: {  	[tilespmem:s4], [sflag:$0x2] =	stream.indirect.gather [hbm4b:s3+s7], $0xA0, s7, s7, $0xb8;
	[tilespmem:$0xB000] =	vst v63  }
0x269: {  	_ =	swait.ge [sflag:s9], $0x5000  }
0x26a: {  	[sflag:s9] =	ssyncset.done $0x0  }
0x26b: {  	[sflag:s9] =	ssyncadd.s32 $0xFFFFB000  }
0x26c: {  	[hbm4b:s30+s2] =	stream.linear.scatter [tilespmem:s5], [sflag:$0x3], $0x5000, $0x38;
	[tilespmem:$0xB000] =	vst v63  }
0x26d: {  	_ =	swait.ge [sflag:s6], $0x5000  }
0x26e: {  	s30 =	sld [smem:$0x7F2]  }
0x26f: {  	[sflag:s6] =	ssyncset.done $0x0  }
0x270: {  	[sflag:s6] =	ssyncadd.s32 $0xFFFFB000  }
0x271: {  	[tilespmem:s5], [sflag:$0x1] =	stream.indirect.gather [hbm4b:s3+s7], $0xA0, s30, s7, $0xb8;
	[tilespmem:$0xB000] =	vst v63  }
0x272: {  	_ =	swait.ge [sflag:s10], $0x5000  }
0x273: {  	[sflag:s10] =	ssyncset.done $0x0  }
0x274: {  	s31 =	rddreg [dreg:$0x4];
	[sflag:s10] =	ssyncadd.s32 $0xFFFFB000  }
0x275: {  	[hbm4b:s31+s2] =	stream.linear.scatter [tilespmem:s4], [sflag:$0x4], $0x5000, $0x38;
	[tilespmem:$0xB000] =	vst v63  }
0x276: {  	_ =	swait.ge [sflag:s8], $0x5000  }
0x277: {  	s1 =	sld [smem:$0x7F3]  }
0x278: {  	[sflag:s8] =	ssyncset.done $0x0  }
0x279: {  	[sflag:s8] =	ssyncadd.s32 $0xFFFFB000  }
0x27a: {  	[tilespmem:s4], [sflag:$0x2] =	stream.indirect.gather [hbm4b:s3+s7], $0xA0, s1, s7, $0xb8;
	[tilespmem:$0xB000] =	vst v63  }
0x27b: {  	_ =	swait.ge [sflag:s9], $0x5000  }
0x27c: {  	[sflag:s9] =	ssyncset.done $0x0  }
0x27d: {  	s30 =	rddreg [dreg:$0x5];
	[sflag:s9] =	ssyncadd.s32 $0xFFFFB000  }
0x27e: {  	[hbm4b:s30+s2] =	stream.linear.scatter [tilespmem:s5], [sflag:$0x3], $0x5000, $0x38;
	[tilespmem:$0xB000] =	vst v63  }
0x27f: {  	_ =	swait.ge [sflag:s6], $0x5000  }
0x280: {  	s31 =	sld [smem:$0x7F4]  }
0x281: {  	[sflag:s6] =	ssyncset.done $0x0  }
0x282: {  	[sflag:s6] =	ssyncadd.s32 $0xFFFFB000  }
0x283: {  	[tilespmem:s5], [sflag:$0x1] =	stream.indirect.gather [hbm4b:s3+s7], $0xA0, s31, s7, $0xb8;
	[tilespmem:$0xB000] =	vst v63  }
0x284: {  	_ =	swait.ge [sflag:s10], $0x5000  }
0x285: {  	[sflag:s10] =	ssyncset.done $0x0  }
0x286: {  	s1 =	rddreg [dreg:$0x6];
	[sflag:s10] =	ssyncadd.s32 $0xFFFFB000  }
0x287: {  	[hbm4b:s1+s2] =	stream.linear.scatter [tilespmem:s4], [sflag:$0x4], $0x5000, $0x38;
	[tilespmem:$0xB000] =	vst v63  }
0x288: {  	_ =	swait.ge [sflag:s8], $0x5000  }
0x289: {  	s30 =	sld [smem:$0x7F5]  }
0x28a: {  	[sflag:s8] =	ssyncset.done $0x0  }
0x28b: {  	[sflag:s8] =	ssyncadd.s32 $0xFFFFB000  }
0x28c: {  	[tilespmem:s4], [sflag:$0x2] =	stream.indirect.gather [hbm4b:s3+s7], $0xA0, s30, s7, $0xb8;
	[tilespmem:$0xB000] =	vst v63  }
0x28d: {  	_ =	swait.ge [sflag:s9], $0x5000  }
0x28e: {  	[sflag:s9] =	ssyncset.done $0x0  }
0x28f: {  	s31 =	rddreg [dreg:$0x7];
	[sflag:s9] =	ssyncadd.s32 $0xFFFFB000  }
0x290: {  	[hbm4b:s31+s2] =	stream.linear.scatter [tilespmem:s5], [sflag:$0x3], $0x5000, $0x38;
	[tilespmem:$0xB000] =	vst v63  }
0x291: {  	_ =	swait.ge [sflag:s6], $0x5000  }
0x292: {  	s1 =	sld [smem:$0x7F6]  }
0x293: {  	[sflag:s6] =	ssyncset.done $0x0  }
0x294: {  	[sflag:s6] =	ssyncadd.s32 $0xFFFFB000  }
0x295: {  	[tilespmem:s5], [sflag:$0x1] =	stream.indirect.gather [hbm4b:s3+s7], $0xA0, s1, s7, $0xb8;
	[tilespmem:$0xB000] =	vst v63  }
0x296: {  	_ =	swait.ge [sflag:s10], $0x5000  }
0x297: {  	[sflag:s10] =	ssyncset.done $0x0  }
0x298: {  	s30 =	rddreg [dreg:$0x8];
	[sflag:s10] =	ssyncadd.s32 $0xFFFFB000  }
0x299: {  	[hbm4b:s30+s2] =	stream.linear.scatter [tilespmem:s4], [sflag:$0x4], $0x5000, $0x38;
	[tilespmem:$0xB000] =	vst v63  }
0x29a: {  	_ =	swait.ge [sflag:s8], $0x5000  }
0x29b: {  	s31 =	sld [smem:$0x7F7]  }
0x29c: {  	[sflag:s8] =	ssyncset.done $0x0  }
0x29d: {  	[sflag:s8] =	ssyncadd.s32 $0xFFFFB000  }
0x29e: {  	[tilespmem:s4], [sflag:$0x2] =	stream.indirect.gather [hbm4b:s3+s7], $0xA0, s31, s7, $0xb8;
	[tilespmem:$0xB000] =	vst v63  }
0x29f: {  	_ =	swait.ge [sflag:s9], $0x5000  }
0x2a0: {  	[sflag:s9] =	ssyncset.done $0x0  }
0x2a1: {  	s1 =	rddreg [dreg:$0x9];
	[sflag:s9] =	ssyncadd.s32 $0xFFFFB000  }
0x2a2: {  	[hbm4b:s1+s2] =	stream.linear.scatter [tilespmem:s5], [sflag:$0x3], $0x5000, $0x38;
	[tilespmem:$0xB000] =	vst v63  }
0x2a3: {  	_ =	swait.ge [sflag:s6], $0x5000  }
0x2a4: {  	s30 =	sld [smem:$0x7F8]  }
0x2a5: {  	[sflag:s6] =	ssyncset.done $0x0  }
0x2a6: {  	[sflag:s6] =	ssyncadd.s32 $0xFFFFB000  }
0x2a7: {  	[tilespmem:s5], [sflag:$0x1] =	stream.indirect.gather [hbm4b:s3+s7], $0xA0, s30, s7, $0xb8;
	[tilespmem:$0xB000] =	vst v63  }
0x2a8: {  	_ =	swait.ge [sflag:s10], $0x5000  }
0x2a9: {  	[sflag:s10] =	ssyncset.done $0x0  }
0x2aa: {  	s31 =	rddreg [dreg:$0xa];
	[sflag:s10] =	ssyncadd.s32 $0xFFFFB000  }
0x2ab: {  	[hbm4b:s31+s2] =	stream.linear.scatter [tilespmem:s4], [sflag:$0x4], $0x5000, $0x38;
	[tilespmem:$0xB000] =	vst v63  }
0x2ac: {  	_ =	swait.ge [sflag:s8], $0x5000  }
0x2ad: {  	s1 =	sld [smem:$0x7F9]  }
0x2ae: {  	[sflag:s8] =	ssyncset.done $0x0  }
0x2af: {  	[sflag:s8] =	ssyncadd.s32 $0xFFFFB000  }
0x2b0: {  	[tilespmem:s4], [sflag:$0x2] =	stream.indirect.gather [hbm4b:s3+s7], $0xA0, s1, s7, $0xb8;
	[tilespmem:$0xB000] =	vst v63  }
0x2b1: {  	_ =	swait.ge [sflag:s9], $0x5000  }
0x2b2: {  	[sflag:s9] =	ssyncset.done $0x0  }
0x2b3: {  	s30 =	rddreg [dreg:$0xb];
	[sflag:s9] =	ssyncadd.s32 $0xFFFFB000  }
0x2b4: {  	[hbm4b:s30+s2] =	stream.linear.scatter [tilespmem:s5], [sflag:$0x3], $0x5000, $0x38;
	[tilespmem:$0xB000] =	vst v63  }
0x2b5: {  	_ =	swait.ge [sflag:s6], $0x5000  }
0x2b6: {  	s31 =	sld [smem:$0x7FA]  }
0x2b7: {  	[sflag:s6] =	ssyncset.done $0x0  }
0x2b8: {  	[sflag:s6] =	ssyncadd.s32 $0xFFFFB000  }
0x2b9: {  	[tilespmem:s5], [sflag:$0x1] =	stream.indirect.gather [hbm4b:s3+s7], $0xA0, s31, s7, $0xb8;
	[tilespmem:$0xB000] =	vst v63  }
0x2ba: {  	_ =	swait.ge [sflag:s10], $0x5000  }
0x2bb: {  	[sflag:s10] =	ssyncset.done $0x0  }
0x2bc: {  	s1 =	rddreg [dreg:$0xc];
	[sflag:s10] =	ssyncadd.s32 $0xFFFFB000  }
0x2bd: {  	[hbm4b:s1+s2] =	stream.linear.scatter [tilespmem:s4], [sflag:$0x4], $0x5000, $0x38;
	[tilespmem:$0xB000] =	vst v63  }
0x2be: {  	_ =	swait.ge [sflag:s8], $0x5000  }
0x2bf: {  	s30 =	sld [smem:$0x7FB]  }
0x2c0: {  	[sflag:s8] =	ssyncset.done $0x0  }
0x2c1: {  	[sflag:s8] =	ssyncadd.s32 $0xFFFFB000  }
0x2c2: {  	[tilespmem:s4], [sflag:$0x2] =	stream.indirect.gather [hbm4b:s3+s7], $0xA0, s30, s7, $0xb8;
	[tilespmem:$0xB000] =	vst v63  }
0x2c3: {  	_ =	swait.ge [sflag:s9], $0x5000  }
0x2c4: {  	[sflag:s9] =	ssyncset.done $0x0  }
0x2c5: {  	s31 =	rddreg [dreg:$0xd];
	[sflag:s9] =	ssyncadd.s32 $0xFFFFB000  }
0x2c6: {  	[hbm4b:s31+s2] =	stream.linear.scatter [tilespmem:s5], [sflag:$0x3], $0x5000, $0x38;
	[tilespmem:$0xB000] =	vst v63  }
0x2c7: {  	_ =	swait.ge [sflag:s6], $0x5000  }
0x2c8: {  	s1 =	sld [smem:$0x7FC]  }
0x2c9: {  	[sflag:s6] =	ssyncset.done $0x0  }
0x2ca: {  	[sflag:s6] =	ssyncadd.s32 $0xFFFFB000  }
0x2cb: {  	[tilespmem:s5], [sflag:$0x1] =	stream.indirect.gather [hbm4b:s3+s7], $0xA0, s1, s7, $0xb8;
	[tilespmem:$0xB000] =	vst v63  }
0x2cc: {  	_ =	swait.ge [sflag:s10], $0x5000  }
0x2cd: {  	[sflag:s10] =	ssyncset.done $0x0  }
0x2ce: {  	s30 =	rddreg [dreg:$0xe];
	[sflag:s10] =	ssyncadd.s32 $0xFFFFB000  }
0x2cf: {  	[hbm4b:s30+s2] =	stream.linear.scatter [tilespmem:s4], [sflag:$0x4], $0x5000, $0x38;
	[tilespmem:$0xB000] =	vst v63  }
0x2d0: {  	_ =	swait.ge [sflag:s8], $0x5000  }
0x2d1: {  	s31 =	sld [smem:$0x7FD]  }
0x2d2: {  	[sflag:s8] =	ssyncset.done $0x0  }
0x2d3: {  	[sflag:s8] =	ssyncadd.s32 $0xFFFFB000  }
0x2d4: {  	[tilespmem:s4], [sflag:$0x2] =	stream.indirect.gather [hbm4b:s3+s7], $0xA0, s31, s7, $0xb8;
	[tilespmem:$0xB000] =	vst v63  }
0x2d5: {  	_ =	swait.ge [sflag:s9], $0x5000  }
0x2d6: {  	[sflag:s9] =	ssyncset.done $0x0  }
0x2d7: {  	s1 =	rddreg [dreg:$0xf];
	[sflag:s9] =	ssyncadd.s32 $0xFFFFB000  }
0x2d8: {  	[hbm4b:s1+s2] =	stream.linear.scatter [tilespmem:s5], [sflag:$0x3], $0x5000, $0x38;
	[tilespmem:$0xB000] =	vst v63  }
0x2d9: {  	_ =	swait.ge [sflag:s6], $0x5000  }
0x2da: {  	[sflag:s6] =	ssyncset.done $0x0  }
0x2db: {  	[sflag:s6] =	ssyncadd.s32 $0xFFFFB000  }
0x2dc: {  	[tilespmem:s5], [sflag:$0x1] =	stream.indirect.gather [hbm4b:s3+s7], $0xA0, s29, s7, $0xb8;
	[tilespmem:$0xB000] =	vst v63  }
0x2dd: {  	_ =	swait.ge [sflag:s10], $0x5000  }
0x2de: {  	[sflag:s10] =	ssyncset.done $0x0  }
0x2df: {  	s30 =	rddreg [dreg:$0x10];
	[sflag:s10] =	ssyncadd.s32 $0xFFFFB000  }
0x2e0: {  	[hbm4b:s30+s2] =	stream.linear.scatter [tilespmem:s4], [sflag:$0x4], $0x5000, $0x38;
	[tilespmem:$0xB000] =	vst v63  }
0x2e1: {  	_ =	swait.ge [sflag:s8], $0x5000  }
0x2e2: {  	[sflag:s8] =	ssyncset.done $0x0  }
0x2e3: {  	[sflag:s8] =	ssyncadd.s32 $0xFFFFB000  }
0x2e4: {  	[tilespmem:s4], [sflag:$0x2] =	stream.indirect.gather [hbm4b:s3+s7], $0xA0, s28, s7, $0xb8;
	[tilespmem:$0xB000] =	vst v63  }
0x2e5: {  	_ =	swait.ge [sflag:s9], $0x5000  }
0x2e6: {  	[sflag:s9] =	ssyncset.done $0x0  }
0x2e7: {  	s31 =	rddreg [dreg:$0x11];
	[sflag:s9] =	ssyncadd.s32 $0xFFFFB000  }
0x2e8: {  	[hbm4b:s31+s2] =	stream.linear.scatter [tilespmem:s5], [sflag:$0x3], $0x5000, $0x38;
	[tilespmem:$0xB000] =	vst v63  }
0x2e9: {  	_ =	swait.ge [sflag:s6], $0x5000  }
0x2ea: {  	[sflag:s6] =	ssyncset.done $0x0  }
0x2eb: {  	[sflag:s6] =	ssyncadd.s32 $0xFFFFB000  }
0x2ec: {  	[tilespmem:s5], [sflag:$0x1] =	stream.indirect.gather [hbm4b:s3+s7], $0xA0, s26, s7, $0xb8;
	[tilespmem:$0xB000] =	vst v63  }
0x2ed: {  	_ =	swait.ge [sflag:s10], $0x5000  }
0x2ee: {  	[sflag:s10] =	ssyncset.done $0x0  }
0x2ef: {  	s1 =	rddreg [dreg:$0x12];
	[sflag:s10] =	ssyncadd.s32 $0xFFFFB000  }
0x2f0: {  	[hbm4b:s1+s2] =	stream.linear.scatter [tilespmem:s4], [sflag:$0x4], $0x5000, $0x38;
	[tilespmem:$0xB000] =	vst v63  }
0x2f1: {  	_ =	swait.ge [sflag:s8], $0x5000  }
0x2f2: {  	[sflag:s8] =	ssyncset.done $0x0  }
0x2f3: {  	[sflag:s8] =	ssyncadd.s32 $0xFFFFB000  }
0x2f4: {  	[tilespmem:s4], [sflag:$0x2] =	stream.indirect.gather [hbm4b:s3+s7], $0xA0, s25, s7, $0xb8;
	[tilespmem:$0xB000] =	vst v63  }
0x2f5: {  	_ =	swait.ge [sflag:s9], $0x5000  }
0x2f6: {  	[sflag:s9] =	ssyncset.done $0x0  }
0x2f7: {  	s26 =	rddreg [dreg:$0x13];
	[sflag:s9] =	ssyncadd.s32 $0xFFFFB000  }
0x2f8: {  	[hbm4b:s26+s2] =	stream.linear.scatter [tilespmem:s5], [sflag:$0x3], $0x5000, $0x38;
	[tilespmem:$0xB000] =	vst v63  }
0x2f9: {  	_ =	swait.ge [sflag:s6], $0x5000  }
0x2fa: {  	[sflag:s6] =	ssyncset.done $0x0  }
0x2fb: {  	[sflag:s6] =	ssyncadd.s32 $0xFFFFB000  }
0x2fc: {  	[tilespmem:s5], [sflag:$0x1] =	stream.indirect.gather [hbm4b:s3+s7], $0xA0, s24, s7, $0xb8;
	[tilespmem:$0xB000] =	vst v63  }
0x2fd: {  	_ =	swait.ge [sflag:s10], $0x5000  }
0x2fe: {  	[sflag:s10] =	ssyncset.done $0x0  }
0x2ff: {  	s28 =	rddreg [dreg:$0x14];
	[sflag:s10] =	ssyncadd.s32 $0xFFFFB000  }
0x300: {  	[hbm4b:s28+s2] =	stream.linear.scatter [tilespmem:s4], [sflag:$0x4], $0x5000, $0x38;
	[tilespmem:$0xB000] =	vst v63  }
0x301: {  	_ =	swait.ge [sflag:s8], $0x5000  }
0x302: {  	[sflag:s8] =	ssyncset.done $0x0  }
0x303: {  	[sflag:s8] =	ssyncadd.s32 $0xFFFFB000  }
0x304: {  	[tilespmem:s4], [sflag:$0x2] =	stream.indirect.gather [hbm4b:s3+s7], $0xA0, s23, s7, $0xb8;
	[tilespmem:$0xB000] =	vst v63  }
0x305: {  	_ =	swait.ge [sflag:s9], $0x5000  }
0x306: {  	[sflag:s9] =	ssyncset.done $0x0  }
0x307: {  	s29 =	rddreg [dreg:$0x15];
	[sflag:s9] =	ssyncadd.s32 $0xFFFFB000  }
0x308: {  	[hbm4b:s29+s2] =	stream.linear.scatter [tilespmem:s5], [sflag:$0x3], $0x5000, $0x38;
	[tilespmem:$0xB000] =	vst v63  }
0x309: {  	_ =	swait.ge [sflag:s6], $0x5000  }
0x30a: {  	[sflag:s6] =	ssyncset.done $0x0  }
0x30b: {  	[sflag:s6] =	ssyncadd.s32 $0xFFFFB000  }
0x30c: {  	[tilespmem:s5], [sflag:$0x1] =	stream.indirect.gather [hbm4b:s3+s7], $0xA0, s22, s7, $0xb8;
	[tilespmem:$0xB000] =	vst v63  }
0x30d: {  	_ =	swait.ge [sflag:s10], $0x5000  }
0x30e: {  	[sflag:s10] =	ssyncset.done $0x0  }
0x30f: {  	s30 =	rddreg [dreg:$0x16];
	[sflag:s10] =	ssyncadd.s32 $0xFFFFB000  }
0x310: {  	[hbm4b:s30+s2] =	stream.linear.scatter [tilespmem:s4], [sflag:$0x4], $0x5000, $0x38;
	[tilespmem:$0xB000] =	vst v63  }
0x311: {  	_ =	swait.ge [sflag:s8], $0x5000  }
0x312: {  	[sflag:s8] =	ssyncset.done $0x0  }
0x313: {  	[sflag:s8] =	ssyncadd.s32 $0xFFFFB000  }
0x314: {  	[tilespmem:s4], [sflag:$0x2] =	stream.indirect.gather [hbm4b:s3+s7], $0xA0, s21, s7, $0xb8;
	[tilespmem:$0xB000] =	vst v63  }
0x315: {  	_ =	swait.ge [sflag:s9], $0x5000  }
0x316: {  	[sflag:s9] =	ssyncset.done $0x0  }
0x317: {  	s31 =	rddreg [dreg:$0x17];
	[sflag:s9] =	ssyncadd.s32 $0xFFFFB000  }
0x318: {  	[hbm4b:s31+s2] =	stream.linear.scatter [tilespmem:s5], [sflag:$0x3], $0x5000, $0x38;
	[tilespmem:$0xB000] =	vst v63  }
0x319: {  	_ =	swait.ge [sflag:s6], $0x5000  }
0x31a: {  	[sflag:s6] =	ssyncset.done $0x0  }
0x31b: {  	[sflag:s6] =	ssyncadd.s32 $0xFFFFB000  }
0x31c: {  	[tilespmem:s5], [sflag:$0x1] =	stream.indirect.gather [hbm4b:s3+s7], $0xA0, s20, s7, $0xb8;
	[tilespmem:$0xB000] =	vst v63  }
0x31d: {  	_ =	swait.ge [sflag:s10], $0x5000  }
0x31e: {  	[sflag:s10] =	ssyncset.done $0x0  }
0x31f: {  	s1 =	rddreg [dreg:$0x18];
	[sflag:s10] =	ssyncadd.s32 $0xFFFFB000  }
0x320: {  	[hbm4b:s1+s2] =	stream.linear.scatter [tilespmem:s4], [sflag:$0x4], $0x5000, $0x38;
	[tilespmem:$0xB000] =	vst v63  }
0x321: {  	_ =	swait.ge [sflag:s8], $0x5000  }
0x322: {  	[sflag:s8] =	ssyncset.done $0x0  }
0x323: {  	[sflag:s8] =	ssyncadd.s32 $0xFFFFB000  }
0x324: {  	[tilespmem:s4], [sflag:$0x2] =	stream.indirect.gather [hbm4b:s3+s7], $0xA0, s19, s7, $0xb8;
	[tilespmem:$0xB000] =	vst v63  }
0x325: {  	_ =	swait.ge [sflag:s9], $0x5000  }
0x326: {  	[sflag:s9] =	ssyncset.done $0x0  }
0x327: {  	s20 =	rddreg [dreg:$0x19];
	[sflag:s9] =	ssyncadd.s32 $0xFFFFB000  }
0x328: {  	[hbm4b:s20+s2] =	stream.linear.scatter [tilespmem:s5], [sflag:$0x3], $0x5000, $0x38;
	[tilespmem:$0xB000] =	vst v63  }
0x329: {  	_ =	swait.ge [sflag:s6], $0x5000  }
0x32a: {  	[sflag:s6] =	ssyncset.done $0x0  }
0x32b: {  	[sflag:s6] =	ssyncadd.s32 $0xFFFFB000  }
0x32c: {  	[tilespmem:s5], [sflag:$0x1] =	stream.indirect.gather [hbm4b:s3+s7], $0xA0, s18, s7, $0xb8;
	[tilespmem:$0xB000] =	vst v63  }
0x32d: {  	_ =	swait.ge [sflag:s10], $0x5000  }
0x32e: {  	[sflag:s10] =	ssyncset.done $0x0  }
0x32f: {  	s21 =	rddreg [dreg:$0x1a];
	[sflag:s10] =	ssyncadd.s32 $0xFFFFB000  }
0x330: {  	[hbm4b:s21+s2] =	stream.linear.scatter [tilespmem:s4], [sflag:$0x4], $0x5000, $0x38;
	[tilespmem:$0xB000] =	vst v63  }
0x331: {  	_ =	swait.ge [sflag:s8], $0x5000  }
0x332: {  	[sflag:s8] =	ssyncset.done $0x0  }
0x333: {  	[sflag:s8] =	ssyncadd.s32 $0xFFFFB000  }
0x334: {  	[tilespmem:s4], [sflag:$0x2] =	stream.indirect.gather [hbm4b:s3+s7], $0xA0, s17, s7, $0xb8;
	[tilespmem:$0xB000] =	vst v63  }
0x335: {  	_ =	swait.ge [sflag:s9], $0x5000  }
0x336: {  	[sflag:s9] =	ssyncset.done $0x0  }
0x337: {  	s22 =	rddreg [dreg:$0x1b];
	[sflag:s9] =	ssyncadd.s32 $0xFFFFB000  }
0x338: {  	[hbm4b:s22+s2] =	stream.linear.scatter [tilespmem:s5], [sflag:$0x3], $0x5000, $0x38;
	[tilespmem:$0xB000] =	vst v63  }
0x339: {  	_ =	swait.ge [sflag:s6], $0x5000  }
0x33a: {  	[sflag:s6] =	ssyncset.done $0x0  }
0x33b: {  	[sflag:s6] =	ssyncadd.s32 $0xFFFFB000  }
0x33c: {  	[tilespmem:s5], [sflag:$0x1] =	stream.indirect.gather [hbm4b:s3+s7], $0xA0, s16, s7, $0xb8;
	[tilespmem:$0xB000] =	vst v63  }
0x33d: {  	_ =	swait.ge [sflag:s10], $0x5000  }
0x33e: {  	[sflag:s10] =	ssyncset.done $0x0  }
0x33f: {  	s23 =	rddreg [dreg:$0x1c];
	[sflag:s10] =	ssyncadd.s32 $0xFFFFB000  }
0x340: {  	[hbm4b:s23+s2] =	stream.linear.scatter [tilespmem:s4], [sflag:$0x4], $0x5000, $0x38;
	[tilespmem:$0xB000] =	vst v63  }
0x341: {  	_ =	swait.ge [sflag:s8], $0x5000  }
0x342: {  	[sflag:s8] =	ssyncset.done $0x0  }
0x343: {  	[sflag:s8] =	ssyncadd.s32 $0xFFFFB000  }
0x344: {  	[tilespmem:s4], [sflag:$0x2] =	stream.indirect.gather [hbm4b:s3+s7], $0xA0, s15, s7, $0xb8;
	[tilespmem:$0xB000] =	vst v63  }
0x345: {  	_ =	swait.ge [sflag:s9], $0x5000  }
0x346: {  	[sflag:s9] =	ssyncset.done $0x0  }
0x347: {  	s24 =	rddreg [dreg:$0x1d];
	[sflag:s9] =	ssyncadd.s32 $0xFFFFB000  }
0x348: {  	[hbm4b:s24+s2] =	stream.linear.scatter [tilespmem:s5], [sflag:$0x3], $0x5000, $0x38;
	[tilespmem:$0xB000] =	vst v63  }
0x349: {  	_ =	swait.ge [sflag:s6], $0x5000  }
0x34a: {  	[sflag:s6] =	ssyncset.done $0x0  }
0x34b: {  	[sflag:s6] =	ssyncadd.s32 $0xFFFFB000  }
0x34c: {  	[tilespmem:s5], [sflag:$0x1] =	stream.indirect.gather [hbm4b:s3+s7], $0xA0, s14, s7, $0xb8;
	[tilespmem:$0xB000] =	vst v63  }
0x34d: {  	_ =	swait.ge [sflag:s10], $0x5000  }
0x34e: {  	[sflag:s10] =	ssyncset.done $0x0  }
0x34f: {  	s25 =	rddreg [dreg:$0x1e];
	[sflag:s10] =	ssyncadd.s32 $0xFFFFB000  }
0x350: {  	[hbm4b:s25+s2] =	stream.linear.scatter [tilespmem:s4], [sflag:$0x4], $0x5000, $0x38;
	[tilespmem:$0xB000] =	vst v63  }
0x351: {  	_ =	swait.ge [sflag:s8], $0x5000  }
0x352: {  	[sflag:s8] =	ssyncset.done $0x0  }
0x353: {  	[sflag:s8] =	ssyncadd.s32 $0xFFFFB000  }
0x354: {  	[tilespmem:s4], [sflag:$0x2] =	stream.indirect.gather [hbm4b:s3+s7], $0xA0, s13, s7, $0xb8;
	[tilespmem:$0xB000] =	vst v63  }
0x355: {  	_ =	swait.ge [sflag:s9], $0x5000  }
0x356: {  	[sflag:s9] =	ssyncset.done $0x0  }
0x357: {  	s26 =	rddreg [dreg:$0x1f];
	[sflag:s9] =	ssyncadd.s32 $0xFFFFB000  }
0x358: {  	[hbm4b:s26+s2] =	stream.linear.scatter [tilespmem:s5], [sflag:$0x3], $0x5000, $0x38;
	[tilespmem:$0xB000] =	vst v63  }
0x359: {  	_ =	swait.ge [sflag:s6], $0x5000  }
0x35a: {  	[sflag:s6] =	ssyncset.done $0x0  }
0x35b: {  	[sflag:s6] =	ssyncadd.s32 $0xFFFFB000  }
0x35c: {  	[tilespmem:s5], [sflag:$0x1] =	stream.indirect.gather [hbm4b:s3+s7], $0xA0, s12, s7, $0xb8;
	[tilespmem:$0xB000] =	vst v63  }
0x35d: {  	_ =	swait.ge [sflag:s10], $0x5000  }
0x35e: {  	s28 =	sld [smem:$0x7EF]  }
0x35f: {  	[sflag:s10] =	ssyncset.done $0x0  }
0x360: {  	[sflag:s10] =	ssyncadd.s32 $0xFFFFB000  }
0x361: {  	[hbm4b:s28+s2] =	stream.linear.scatter [tilespmem:s4], [sflag:$0x4], $0x5000, $0x38;
	[tilespmem:$0xB000] =	vst v63  }
0x362: {  	_ =	swait.ge [sflag:s8], $0x5000  }
0x363: {  	[sflag:s8] =	ssyncset.done $0x0  }
0x364: {  	[sflag:s8] =	ssyncadd.s32 $0xFFFFB000  }
0x365: {  	[tilespmem:s4], [sflag:$0x2] =	stream.indirect.gather [hbm4b:s3+s7], $0xA0, s11, s7, $0xb8;
	[tilespmem:$0xB000] =	vst v63  }
0x366: {  	_ =	swait.ge [sflag:s9], $0x5000  }
0x367: {  	s29 =	sld [smem:$0x7F0]  }
0x368: {  	[sflag:s9] =	ssyncset.done $0x0  }
0x369: {  	[sflag:s9] =	ssyncadd.s32 $0xFFFFB000  }
0x36a: {  	[hbm4b:s29+s2] =	stream.linear.scatter [tilespmem:s5], [sflag:$0x3], $0x5000, $0x38;
	[tilespmem:$0xB000] =	vst v63  }
0x36b: {  	_ =	swait.ge [sflag:s10], $0x5000  }
0x36c: {  	s30 =	sld [smem:$0x7F1]  }
0x36d: {  	[sflag:s10] =	ssyncset.done $0x0  }
0x36e: {  	[sflag:s10] =	ssyncadd.s32 $0xFFFFB000  }
0x36f: {  	[hbm4b:s30+s2] =	stream.linear.scatter [tilespmem:s4], [sflag:$0x4], $0x5000, $0x38;
	[tilespmem:$0xB000] =	vst v63  }
0x370: {  	_ =	swait.ge [sflag:s6], $0x5000  }
0x371: {  	[sflag:s6] =	ssyncset.done $0x0  }
0x372: {  	[sflag:s6] =	ssyncadd.s32 $0xFFFFB000  }
0x373: {  	_ =	swait.ge [sflag:s8], $0x5000  }
0x374: {  	[sflag:s8] =	ssyncset.done $0x0  }
0x375: {  	[sflag:s8] =	ssyncadd.s32 $0xFFFFB000  }
0x376: {  	_ =	sfence.sel $0x180000  }
0x377: {  	[bflag:$0x0] =	sbarrier.arrive $0xFFFF  }
0x378: {  	_ =	strace $0x90000047  }
0x379: {  	s31 =	stileid.u32;
	[bflag:$0x2] =	sbarrier.arrive $0xFFFF  }
0x37a: {  	p0 =	sne.s32 s31, $0x0;
	s0 =	rddreg [dreg:$0x2]  }
0x37b: {  	s0 =	sadd.s32 @!p0 $0x100000, s0  }
0x37c: {  	[sflag:s0] =	ssyncadd.tile.s32 @!p0 $0x1;
	_ =	shalt  }
.Lfunc_end2:
_tile_overlayer_lowered:
.L_overlay_start_2:
0x37d: {  	(tag) =	ssettag $0x2  }
0x37e: {  	s0 =	rddreg [dreg:$0x0];
	s2 =	stileid.u32  }
0x37f: {  	s1 =	rddreg [dreg:$0x1];
	p0 =	sne.s32 s2, $0x0  }
0x380: {  	s3 =	rddreg [dreg:$0x2];
	[bflag:$0x3] =	sbarrier.arrive $0xFFFF;
	s2 =	simm.s32 @!p0 $0x1C05  }
0x381: {  	[timem:s3], [sflag:s2] =	dma.local @!p0 [hbm:s0], s1  }
0x382: {  	s0 =	simm.s32 @!p0 $0x5  }
0x383: {  	_ =	swait.ge @!p0 [sflag:s0], s1  }
0x384: {  	s1 =	ssub.s32 @!p0 $0x0, s1;
	[sflag:s0] =	ssyncset.done @!p0 $0x0  }
0x385: {  	[sflag:s0] =	ssyncadd.s32 @!p0 s1  }
0x386: {  	[bflag:$0x3] =	sbarrier.arrive $0xFFFF  }
0x387: {  	_ =	shalt  }

</sc_bundles>
